<compile_context>
chip_gen: v7x
topology: tpu7x:2x2x1
jax: 0.10.2.dev20260603
libtpu: 0.0.44.dev20260713+nightly
codegen_flags: <defaults>
</compile_context>

<pallas_src>
import functools

import jax
import jax.numpy as jnp
from jax import lax
from jax.experimental import pallas as pl
from jax.experimental.pallas import tpu as pltpu
from jax.experimental.pallas import tpu_sc as plsc

PAD = 1
L = 16


def _build_sc_call(bsz, seq_len, vocab, dim):
    info = plsc.get_sparse_core_info()
    nw = info.num_cores * info.num_subcores
    chunks_per_row = nw // bsz
    chunk = seq_len // chunks_per_row
    vecs_per_chunk = chunk // L
    guard = chunk // 2
    g_rows = 32
    n_g = chunk // g_rows

    mesh = plsc.VectorSubcoreMesh(core_axis_name="c", subcore_axis_name="s")

    @functools.partial(
        pl.kernel,
        mesh=mesh,
        out_type=jax.ShapeDtypeStruct((bsz * seq_len, dim), jnp.float32),
        scratch_types=[
            pltpu.VMEM((seq_len,), jnp.int32),
            pltpu.VMEM((chunk,), jnp.int32),
            pltpu.VMEM((L,), jnp.int32),
            pltpu.VMEM((3 * L,), jnp.int32),
            pltpu.VMEM((guard + chunk,), jnp.int32),
            pltpu.VMEM((3, g_rows, dim), jnp.float32),
            pltpu.SemaphoreType.DMA,
            pltpu.SemaphoreType.DMA,
        ],
    )
    def sc_kernel(tok_hbm, table_hbm, out_hbm, tok_v, idx_v, acc_v, red_v,
                  cum_v, rows_v, sem_g, sem_w):
        cid = lax.axis_index("c")
        sid = lax.axis_index("s")
        wid = sid * info.num_cores + cid
        row = wid // chunks_per_row
        c = wid % chunks_per_row
        zeros = jnp.zeros((L,), jnp.int32)

        pltpu.sync_copy(tok_hbm.at[pl.ds(row * seq_len, seq_len)], tok_v)

        acc_v[...] = zeros

        def pre_body(i, dummy):
            t = tok_v[pl.ds(i * L, L)]
            acc_v[...] = acc_v[...] + jnp.minimum(jnp.abs(t - PAD), 1)
            return dummy

        lax.fori_loop(0, c * vecs_per_chunk, pre_body, jnp.int32(0))

        red_v[pl.ds(0, L)] = acc_v[...]
        red_v[pl.ds(L, L)] = zeros
        red_v[pl.ds(2 * L, L)] = zeros
        for k in (8, 4, 2, 1):
            red_v[pl.ds(0, L)] = red_v[pl.ds(0, L)] + red_v[pl.ds(k, L)]
        total_vec = red_v[pl.ds(0, L)]
        for j in range(L):
            red_v[pl.ds(L + j, L)] = total_vec
        prefix = red_v[pl.ds(L, L)]

        for j in range(guard // L):
            cum_v[pl.ds(j * L, L)] = zeros
        chunk_off = c * chunk

        def mask_body(j, dummy):
            t = tok_v[pl.ds(chunk_off + j * L, L)]
            cum_v[pl.ds(guard + j * L, L)] = jnp.minimum(jnp.abs(t - PAD), 1)
            return dummy

        lax.fori_loop(0, vecs_per_chunk, mask_body, jnp.int32(0))

        shift = 1
        while shift < chunk:
            def step_body(jr, dummy, k=shift):
                j = vecs_per_chunk - 1 - jr
                base = guard + j * L
                cum_v[pl.ds(base, L)] = (cum_v[pl.ds(base, L)]
                                         + cum_v[pl.ds(base - k, L)])
                return dummy

            lax.fori_loop(0, vecs_per_chunk, step_body, jnp.int32(0))
            shift *= 2

        def pos_body(j, dummy):
            t = tok_v[pl.ds(chunk_off + j * L, L)]
            m = jnp.minimum(jnp.abs(t - PAD), 1)
            cs = cum_v[pl.ds(guard + j * L, L)]
            idx_v[pl.ds(j * L, L)] = (prefix + cs) * m + PAD
            return dummy

        lax.fori_loop(0, vecs_per_chunk, pos_body, jnp.int32(0))

        base = row * seq_len + chunk_off
        nbuf = 3

        def start_gather(g, buf):
            return pltpu.async_copy(
                table_hbm.at[idx_v.at[pl.ds(g * g_rows, g_rows)]],
                rows_v.at[buf], sem_g)

        def start_write(g, buf):
            return pltpu.async_copy(
                rows_v.at[buf], out_hbm.at[pl.ds(base + g * g_rows, g_rows)],
                sem_w)

        pend_g = [None] * nbuf
        pend_w = [None] * nbuf
        for g in range(min(nbuf, n_g)):
            pend_g[g % nbuf] = start_gather(g, g % nbuf)
        for g in range(n_g):
            b = g % nbuf
            pend_g[b].wait()
            pend_w[b] = start_write(g, b)
            nxt = g + nbuf
            if nxt < n_g:
                pend_w[b].wait()
                pend_g[b] = start_gather(nxt, b)
                pend_w[b] = None
        for b in range(nbuf):
            if pend_w[b] is not None:
                pend_w[b].wait()

    return sc_kernel


def kernel(input, weights):
    bsz, seq_len = input.shape
    vocab, dim = weights.shape
    tok = input.astype(jnp.int32).reshape(-1)
    call = _build_sc_call(bsz, seq_len, vocab, dim)
    out = call(tok, weights)
    return out.reshape(bsz, seq_len, dim)

# --- scband reference (transcript-rebuilt; emitter-appended) ---
"""Pipeline reference for scband-sinusoidal-positional-embedding-1511828488565 (READ-ONLY COPY).

The authoritative reference and input builder live on the scoring server;
editing this copy changes nothing except your own understanding.
"""

import math
import jax, jax.numpy as jnp
import numpy as np

EMBEDDING_DIM = 1024
PADDING_IDX = 1
INIT_SIZE = 8192
BSZ = 4
SEQ_LEN = 4096


def get_embedding(num_embeddings, embedding_dim, padding_idx=None):
    half_dim = embedding_dim // 2
    emb = math.log(10000) / (half_dim - 1)
    emb = jnp.exp(jnp.arange(half_dim, dtype=jnp.float32) * -emb)
    emb = jnp.arange(num_embeddings, dtype=jnp.float32)[:, None] * emb[None, :]
    emb = jnp.concatenate([jnp.sin(emb), jnp.cos(emb)], axis=1).reshape(num_embeddings, -1)
    if embedding_dim % 2 == 1:
        emb = jnp.concatenate([emb, jnp.zeros((num_embeddings, 1), dtype=jnp.float32)], axis=1)
    if padding_idx is not None:
        emb = emb.at[padding_idx, :].set(0.0)
    return emb


def make_positions(input, padding_idx):
    # right-padding version (left_pad=False): non-pad tokens get positions
    # starting at padding_idx + 1, pad tokens get padding_idx
    mask = (input != padding_idx)
    positions = jnp.cumsum(mask.astype(jnp.int64), axis=1) * mask.astype(jnp.int64) + padding_idx
    return positions


def setup_inputs(seed: int = 0) -> dict:
    key = jax.random.key(seed)
    k1, _ = jax.random.split(key)
    input = jax.random.randint(k1, (BSZ, SEQ_LEN), 0, 32000, dtype=jnp.int64)
    max_pos = PADDING_IDX + 1 + SEQ_LEN
    num_emb = max(INIT_SIZE, max_pos)
    weights = get_embedding(num_emb, EMBEDDING_DIM, PADDING_IDX)
    return {"input": input, "weights": weights}


def reference(input, weights):
    bsz, seq_len = input.shape
    positions = make_positions(input, PADDING_IDX)
    out = jnp.take(weights, positions.reshape(-1), axis=0).reshape(bsz, seq_len, -1)
    return out

if __name__ == "__main__":
    import jax
    _d = setup_inputs()
    print(jax.jit(kernel)(*tuple(_d.values())))

</pallas_src>

<mosaic_0001>
#map = affine_map<(d0, d1) -> (0)>
#map1 = affine_map<(d0, d1) -> (0, 0)>
module attributes {stable_mosaic.version = 14 : i64} {
  func.func @sc_kernel(%arg0: i32, %arg1: i32, %arg2: memref<16384xi32, #tpu.memory_space<hbm>>, %arg3: memref<8192x1024xf32, #tpu.memory_space<hbm>>, %arg4: memref<16384x1024xf32, #tpu.memory_space<hbm>>, %arg5: memref<4096xi32, #tpu.memory_space<vmem>>, %arg6: memref<512xi32, #tpu.memory_space<vmem>>, %arg7: memref<16xi32, #tpu.memory_space<vmem>>, %arg8: memref<48xi32, #tpu.memory_space<vmem>>, %arg9: memref<768xi32, #tpu.memory_space<vmem>>, %arg10: memref<3x32x1024xf32, #tpu.memory_space<vmem>>, %arg11: memref<!tpu.dma_semaphore, #tpu.memory_space<semaphore_mem>>, %arg12: memref<!tpu.dma_semaphore, #tpu.memory_space<semaphore_mem>>) attributes {dimension_semantics = [#tpu.dimension_semantics<core_parallel>, #tpu.dimension_semantics<subcore_parallel>], iteration_bounds = array<i64: 2, 16>, scalar_prefetch = 0 : i64, scratch_operands = 8 : i64, tpu.core_type = #tpu.core_type<sc_vector_subcore>, window_params = [{transform_indices = #map}, {transform_indices = #map1}, {transform_indices = #map1}]} {
    %mul3A = arith.constant 2 : i32
    %mul3A_0 = arith.muli %arg1, %mul3A : i32
    %add3A = arith.addi %mul3A_0, %arg0 : i32
    %jit3A = arith.constant 8 : i32
    %div3A = arith.divsi %add3A, %jit3A : i32
    %sign3A = arith.constant 0 : i32
    %sign3A_1 = arith.cmpi sgt, %add3A, %sign3A : i32
    %sign3A_2 = arith.extui %sign3A_1 : i1 to i32
    %sign3A_3 = arith.constant 0 : i32
    %sign3A_4 = arith.cmpi slt, %add3A, %sign3A_3 : i32
    %sign3A_5 = arith.extui %sign3A_4 : i1 to i32
    %sign3A_6 = arith.subi %sign3A_2, %sign3A_5 : i32
    %sign3A_7 = arith.constant 0 : i32
    %sign3A_8 = arith.cmpi sgt, %jit3A, %sign3A_7 : i32
    %sign3A_9 = arith.extui %sign3A_8 : i1 to i32
    %sign3A_10 = arith.constant 0 : i32
    %sign3A_11 = arith.cmpi slt, %jit3A, %sign3A_10 : i32
    %sign3A_12 = arith.extui %sign3A_11 : i1 to i32
    %sign3A_13 = arith.subi %sign3A_9, %sign3A_12 : i32
    %ne3A = arith.cmpi ne, %sign3A_6, %sign3A_13 : i32
    %rem3A = arith.remsi %add3A, %jit3A : i32
    %ne3A_14 = arith.constant 0 : i32
    %ne3A_15 = arith.cmpi ne, %rem3A, %ne3A_14 : i32
    %and3A = arith.andi %ne3A, %ne3A_15 : i1
    %sub3A = arith.constant 1 : i32
    %sub3A_16 = arith.subi %div3A, %sub3A : i32
    %select_n3A = arith.select %and3A, %sub3A_16, %div3A : i32
    %jit3A_17 = arith.constant 8 : i32
    %eq3A = arith.constant 0 : i32
    %eq3A_18 = arith.cmpi eq, %jit3A_17, %eq3A : i32
    %jit3A_19 = arith.constant 1 : i32
    %select_n3A_20 = arith.select %eq3A_18, %jit3A_19, %jit3A_17 : i32
    %rem3A_21 = arith.remsi %add3A, %select_n3A_20 : i32
    %ne3A_22 = arith.constant 0 : i32
    %ne3A_23 = arith.cmpi ne, %rem3A_21, %ne3A_22 : i32
    %lt3A = arith.constant 0 : i32
    %lt3A_24 = arith.cmpi slt, %rem3A_21, %lt3A : i32
    %lt3A_25 = arith.constant 0 : i32
    %lt3A_26 = arith.cmpi slt, %select_n3A_20, %lt3A_25 : i32
    %ne3A_27 = arith.xori %lt3A_24, %lt3A_26 : i1
    %and3A_28 = arith.andi %ne3A_27, %ne3A_23 : i1
    %add3A_29 = arith.addi %rem3A_21, %select_n3A_20 : i32
    %select_n3A_30 = arith.select %and3A_28, %add3A_29, %rem3A_21 : i32
    %broadcast_in_dim3A = arith.constant 0 : i32
    %broadcast_in_dim3A_31 = vector.broadcast %broadcast_in_dim3A : i32 to vector<16xi32>
    %mul3A_32 = arith.constant 4096 : i32
    %mul3A_33 = arith.muli %select_n3A, %mul3A_32 : i32
    "tpu.region"() ({
      %run_scoped3A = tpu.sem_alloc : memref<!tpu.dma_semaphore, #tpu.memory_space<semaphore_mem>>
      %dma_start3A_1076 = tpu.memref_slice %arg2[%mul3A_33] : memref<16384xi32, #tpu.memory_space<hbm>> -> memref<4096xi32, #tpu.memory_space<hbm>>
      %dma_start3A_1077 = tpu.memref_slice %arg2[%mul3A_33] : memref<16384xi32, #tpu.memory_space<hbm>> -> memref<4096xi32, #tpu.memory_space<hbm>>
      tpu.enqueue_dma source(%dma_start3A_1077 : memref<4096xi32, #tpu.memory_space<hbm>>) target(%arg5 : memref<4096xi32, #tpu.memory_space<vmem>>) target_semaphore(%run_scoped3A : memref<!tpu.dma_semaphore, #tpu.memory_space<semaphore_mem>>)
      %dma_wait3A_1078 = tpu.memref_slice %arg2[%mul3A_33] : memref<16384xi32, #tpu.memory_space<hbm>> -> memref<4096xi32, #tpu.memory_space<hbm>>
      %dma_wait3A_1079 = tpu.memref_slice %arg2[%mul3A_33] : memref<16384xi32, #tpu.memory_space<hbm>> -> memref<4096xi32, #tpu.memory_space<hbm>>
      tpu.wait_dma2 semaphore(%run_scoped3A : memref<!tpu.dma_semaphore, #tpu.memory_space<semaphore_mem>>) src(%dma_wait3A_1079 : memref<4096xi32, #tpu.memory_space<hbm>>) dst(%arg5 : memref<4096xi32, #tpu.memory_space<vmem>>)
      tpu.yield
    }) : () -> ()
    %swap3A = arith.constant 0 : index
    %swap3A_34 = tpu.vector_load %arg7[%swap3A] {strides = array<i32>} : memref<16xi32, #tpu.memory_space<vmem>>, vector<16xi32>,
    %swap3A_35 = vector.shape_cast %swap3A_34 : vector<16xi32> to vector<16xi32>
    %swap3A_36 = vector.shape_cast %broadcast_in_dim3A_31 : vector<16xi32> to vector<16xi32>
    tpu.vector_store %arg7[%swap3A], %swap3A_36 {strides = array<i32>} : memref<16xi32, #tpu.memory_space<vmem>>, vector<16xi32>,
    %mul3A_37 = arith.constant 32 : i32
    %mul3A_38 = arith.muli %select_n3A_30, %mul3A_37 : i32
    %while3A = arith.constant 0 : i32
    %while3A_39 = arith.constant 0 : i32
    %while3A_40 = arith.subi %mul3A_38, %while3A_39 : i32
    %while3A_41 = arith.addi %while3A_39, %while3A_40 : i32
    %while3A_42 = arith.constant 1 : i32
    %while3A_43 = arith.divsi %while3A_40, %while3A_42 : i32
    %while3A_44 = arith.muli %while3A_43, %while3A_42 : i32
    %while3A_45 = arith.addi %while3A_39, %while3A_44 : i32
    %while3A_46 = arith.constant 1 : i32
    scf.for %while3A_1076 = %while3A_39 to %while3A_45 step %while3A_46  : i32 {
      %mul3A_1077 = arith.constant 16 : i32
      %mul3A_1078 = arith.muli %while3A_1076, %mul3A_1077 : i32
      %get3A_1079 = arith.index_cast %mul3A_1078 : i32 to index
      %get3A_1080 = tpu.vector_load %arg5[%get3A_1079] {strides = array<i32>} : memref<4096xi32, #tpu.memory_space<vmem>>, vector<16xi32>,
      %get3A_1081 = vector.shape_cast %get3A_1080 : vector<16xi32> to vector<16xi32>
      %get3A_1082 = arith.constant 0 : index
      %get3A_1083 = tpu.vector_load %arg7[%get3A_1082] {strides = array<i32>} : memref<16xi32, #tpu.memory_space<vmem>>, vector<16xi32>,
      %get3A_1084 = vector.shape_cast %get3A_1083 : vector<16xi32> to vector<16xi32>
      %sub3A_1085 = arith.constant 1 : i32
      %sub3A_1086 = vector.broadcast %sub3A_1085 : i32 to vector<16xi32>
      %sub3A_1087 = arith.subi %get3A_1081, %sub3A_1086 : vector<16xi32>
      %abs3A = math.absi %sub3A_1087 : vector<16xi32>
      %min3A = arith.constant 1 : i32
      %min3A_1088 = vector.broadcast %min3A : i32 to vector<16xi32>
      %min3A_1089 = arith.minsi %abs3A, %min3A_1088 : vector<16xi32>
      %add3A_1090 = arith.addi %get3A_1084, %min3A_1089 : vector<16xi32>
      %swap3A_1091 = arith.constant 0 : index
      %swap3A_1092 = tpu.vector_load %arg7[%swap3A_1091] {strides = array<i32>} : memref<16xi32, #tpu.memory_space<vmem>>, vector<16xi32>,
      %swap3A_1093 = vector.shape_cast %swap3A_1092 : vector<16xi32> to vector<16xi32>
      %swap3A_1094 = vector.shape_cast %add3A_1090 : vector<16xi32> to vector<16xi32>
      tpu.vector_store %arg7[%swap3A_1091], %swap3A_1094 {strides = array<i32>} : memref<16xi32, #tpu.memory_space<vmem>>, vector<16xi32>,
    }
    %while3A_47 = arith.constant 1 : i32
    scf.for %while3A_1076 = %while3A_45 to %while3A_41 step %while3A_47  : i32 {
      %mul3A_1077 = arith.constant 16 : i32
      %mul3A_1078 = arith.muli %while3A_1076, %mul3A_1077 : i32
      %get3A_1079 = arith.index_cast %mul3A_1078 : i32 to index
      %get3A_1080 = tpu.vector_load %arg5[%get3A_1079] {strides = array<i32>} : memref<4096xi32, #tpu.memory_space<vmem>>, vector<16xi32>,
      %get3A_1081 = vector.shape_cast %get3A_1080 : vector<16xi32> to vector<16xi32>
      %get3A_1082 = arith.constant 0 : index
      %get3A_1083 = tpu.vector_load %arg7[%get3A_1082] {strides = array<i32>} : memref<16xi32, #tpu.memory_space<vmem>>, vector<16xi32>,
      %get3A_1084 = vector.shape_cast %get3A_1083 : vector<16xi32> to vector<16xi32>
      %sub3A_1085 = arith.constant 1 : i32
      %sub3A_1086 = vector.broadcast %sub3A_1085 : i32 to vector<16xi32>
      %sub3A_1087 = arith.subi %get3A_1081, %sub3A_1086 : vector<16xi32>
      %abs3A = math.absi %sub3A_1087 : vector<16xi32>
      %min3A = arith.constant 1 : i32
      %min3A_1088 = vector.broadcast %min3A : i32 to vector<16xi32>
      %min3A_1089 = arith.minsi %abs3A, %min3A_1088 : vector<16xi32>
      %add3A_1090 = arith.addi %get3A_1084, %min3A_1089 : vector<16xi32>
      %swap3A_1091 = arith.constant 0 : index
      %swap3A_1092 = tpu.vector_load %arg7[%swap3A_1091] {strides = array<i32>} : memref<16xi32, #tpu.memory_space<vmem>>, vector<16xi32>,
      %swap3A_1093 = vector.shape_cast %swap3A_1092 : vector<16xi32> to vector<16xi32>
      %swap3A_1094 = vector.shape_cast %add3A_1090 : vector<16xi32> to vector<16xi32>
      tpu.vector_store %arg7[%swap3A_1091], %swap3A_1094 {strides = array<i32>} : memref<16xi32, #tpu.memory_space<vmem>>, vector<16xi32>,
    }
    %get3A = arith.constant 0 : index
    %get3A_48 = tpu.vector_load %arg7[%get3A] {strides = array<i32>} : memref<16xi32, #tpu.memory_space<vmem>>, vector<16xi32>,
    %get3A_49 = vector.shape_cast %get3A_48 : vector<16xi32> to vector<16xi32>
    %swap3A_50 = arith.constant 0 : index
    %swap3A_51 = tpu.vector_load %arg8[%swap3A_50] {strides = array<i32>} : memref<48xi32, #tpu.memory_space<vmem>>, vector<16xi32>,
    %swap3A_52 = vector.shape_cast %swap3A_51 : vector<16xi32> to vector<16xi32>
    %swap3A_53 = vector.shape_cast %get3A_49 : vector<16xi32> to vector<16xi32>
    tpu.vector_store %arg8[%swap3A_50], %swap3A_53 {strides = array<i32>} : memref<48xi32, #tpu.memory_space<vmem>>, vector<16xi32>,
    %swap3A_54 = arith.constant 16 : index
    %swap3A_55 = tpu.vector_load %arg8[%swap3A_54] {strides = array<i32>} : memref<48xi32, #tpu.memory_space<vmem>>, vector<16xi32>,
    %swap3A_56 = vector.shape_cast %swap3A_55 : vector<16xi32> to vector<16xi32>
    %swap3A_57 = vector.shape_cast %broadcast_in_dim3A_31 : vector<16xi32> to vector<16xi32>
    tpu.vector_store %arg8[%swap3A_54], %swap3A_57 {strides = array<i32>} : memref<48xi32, #tpu.memory_space<vmem>>, vector<16xi32>,
    %swap3A_58 = arith.constant 32 : index
    %swap3A_59 = tpu.vector_load %arg8[%swap3A_58] {strides = array<i32>} : memref<48xi32, #tpu.memory_space<vmem>>, vector<16xi32>,
    %swap3A_60 = vector.shape_cast %swap3A_59 : vector<16xi32> to vector<16xi32>
    %swap3A_61 = vector.shape_cast %broadcast_in_dim3A_31 : vector<16xi32> to vector<16xi32>
    tpu.vector_store %arg8[%swap3A_58], %swap3A_61 {strides = array<i32>} : memref<48xi32, #tpu.memory_space<vmem>>, vector<16xi32>,
    %get3A_62 = arith.constant 0 : index
    %get3A_63 = tpu.vector_load %arg8[%get3A_62] {strides = array<i32>} : memref<48xi32, #tpu.memory_space<vmem>>, vector<16xi32>,
    %get3A_64 = vector.shape_cast %get3A_63 : vector<16xi32> to vector<16xi32>
    %get3A_65 = arith.constant 8 : index
    %get3A_66 = tpu.vector_load %arg8[%get3A_65] {strides = array<i32>} : memref<48xi32, #tpu.memory_space<vmem>>, vector<16xi32>,
    %get3A_67 = vector.shape_cast %get3A_66 : vector<16xi32> to vector<16xi32>
    %add3A_68 = arith.addi %get3A_64, %get3A_67 : vector<16xi32>
    %swap3A_69 = arith.constant 0 : index
    %swap3A_70 = tpu.vector_load %arg8[%swap3A_69] {strides = array<i32>} : memref<48xi32, #tpu.memory_space<vmem>>, vector<16xi32>,
    %swap3A_71 = vector.shape_cast %swap3A_70 : vector<16xi32> to vector<16xi32>
    %swap3A_72 = vector.shape_cast %add3A_68 : vector<16xi32> to vector<16xi32>
    tpu.vector_store %arg8[%swap3A_69], %swap3A_72 {strides = array<i32>} : memref<48xi32, #tpu.memory_space<vmem>>, vector<16xi32>,
    %get3A_73 = arith.constant 0 : index
    %get3A_74 = tpu.vector_load %arg8[%get3A_73] {strides = array<i32>} : memref<48xi32, #tpu.memory_space<vmem>>, vector<16xi32>,
    %get3A_75 = vector.shape_cast %get3A_74 : vector<16xi32> to vector<16xi32>
    %get3A_76 = arith.constant 4 : index
    %get3A_77 = tpu.vector_load %arg8[%get3A_76] {strides = array<i32>} : memref<48xi32, #tpu.memory_space<vmem>>, vector<16xi32>,
    %get3A_78 = vector.shape_cast %get3A_77 : vector<16xi32> to vector<16xi32>
    %add3A_79 = arith.addi %get3A_75, %get3A_78 : vector<16xi32>
    %swap3A_80 = arith.constant 0 : index
    %swap3A_81 = tpu.vector_load %arg8[%swap3A_80] {strides = array<i32>} : memref<48xi32, #tpu.memory_space<vmem>>, vector<16xi32>,
    %swap3A_82 = vector.shape_cast %swap3A_81 : vector<16xi32> to vector<16xi32>
    %swap3A_83 = vector.shape_cast %add3A_79 : vector<16xi32> to vector<16xi32>
    tpu.vector_store %arg8[%swap3A_80], %swap3A_83 {strides = array<i32>} : memref<48xi32, #tpu.memory_space<vmem>>, vector<16xi32>,
    %get3A_84 = arith.constant 0 : index
    %get3A_85 = tpu.vector_load %arg8[%get3A_84] {strides = array<i32>} : memref<48xi32, #tpu.memory_space<vmem>>, vector<16xi32>,
    %get3A_86 = vector.shape_cast %get3A_85 : vector<16xi32> to vector<16xi32>
    %get3A_87 = arith.constant 2 : index
    %get3A_88 = tpu.vector_load %arg8[%get3A_87] {strides = array<i32>} : memref<48xi32, #tpu.memory_space<vmem>>, vector<16xi32>,
    %get3A_89 = vector.shape_cast %get3A_88 : vector<16xi32> to vector<16xi32>
    %add3A_90 = arith.addi %get3A_86, %get3A_89 : vector<16xi32>
    %swap3A_91 = arith.constant 0 : index
    %swap3A_92 = tpu.vector_load %arg8[%swap3A_91] {strides = array<i32>} : memref<48xi32, #tpu.memory_space<vmem>>, vector<16xi32>,
    %swap3A_93 = vector.shape_cast %swap3A_92 : vector<16xi32> to vector<16xi32>
    %swap3A_94 = vector.shape_cast %add3A_90 : vector<16xi32> to vector<16xi32>
    tpu.vector_store %arg8[%swap3A_91], %swap3A_94 {strides = array<i32>} : memref<48xi32, #tpu.memory_space<vmem>>, vector<16xi32>,
    %get3A_95 = arith.constant 0 : index
    %get3A_96 = tpu.vector_load %arg8[%get3A_95] {strides = array<i32>} : memref<48xi32, #tpu.memory_space<vmem>>, vector<16xi32>,
    %get3A_97 = vector.shape_cast %get3A_96 : vector<16xi32> to vector<16xi32>
    %get3A_98 = arith.constant 1 : index
    %get3A_99 = tpu.vector_load %arg8[%get3A_98] {strides = array<i32>} : memref<48xi32, #tpu.memory_space<vmem>>, vector<16xi32>,
    %get3A_100 = vector.shape_cast %get3A_99 : vector<16xi32> to vector<16xi32>
    %add3A_101 = arith.addi %get3A_97, %get3A_100 : vector<16xi32>
    %swap3A_102 = arith.constant 0 : index
    %swap3A_103 = tpu.vector_load %arg8[%swap3A_102] {strides = array<i32>} : memref<48xi32, #tpu.memory_space<vmem>>, vector<16xi32>,
    %swap3A_104 = vector.shape_cast %swap3A_103 : vector<16xi32> to vector<16xi32>
    %swap3A_105 = vector.shape_cast %add3A_101 : vector<16xi32> to vector<16xi32>
    tpu.vector_store %arg8[%swap3A_102], %swap3A_105 {strides = array<i32>} : memref<48xi32, #tpu.memory_space<vmem>>, vector<16xi32>,
    %get3A_106 = arith.constant 0 : index
    %get3A_107 = tpu.vector_load %arg8[%get3A_106] {strides = array<i32>} : memref<48xi32, #tpu.memory_space<vmem>>, vector<16xi32>,
    %get3A_108 = vector.shape_cast %get3A_107 : vector<16xi32> to vector<16xi32>
    %swap3A_109 = arith.constant 16 : index
    %swap3A_110 = tpu.vector_load %arg8[%swap3A_109] {strides = array<i32>} : memref<48xi32, #tpu.memory_space<vmem>>, vector<16xi32>,
    %swap3A_111 = vector.shape_cast %swap3A_110 : vector<16xi32> to vector<16xi32>
    %swap3A_112 = vector.shape_cast %get3A_108 : vector<16xi32> to vector<16xi32>
    tpu.vector_store %arg8[%swap3A_109], %swap3A_112 {strides = array<i32>} : memref<48xi32, #tpu.memory_space<vmem>>, vector<16xi32>,
    %swap3A_113 = arith.constant 17 : index
    %swap3A_114 = tpu.vector_load %arg8[%swap3A_113] {strides = array<i32>} : memref<48xi32, #tpu.memory_space<vmem>>, vector<16xi32>,
    %swap3A_115 = vector.shape_cast %swap3A_114 : vector<16xi32> to vector<16xi32>
    %swap3A_116 = vector.shape_cast %get3A_108 : vector<16xi32> to vector<16xi32>
    tpu.vector_store %arg8[%swap3A_113], %swap3A_116 {strides = array<i32>} : memref<48xi32, #tpu.memory_space<vmem>>, vector<16xi32>,
    %swap3A_117 = arith.constant 18 : index
    %swap3A_118 = tpu.vector_load %arg8[%swap3A_117] {strides = array<i32>} : memref<48xi32, #tpu.memory_space<vmem>>, vector<16xi32>,
    %swap3A_119 = vector.shape_cast %swap3A_118 : vector<16xi32> to vector<16xi32>
    %swap3A_120 = vector.shape_cast %get3A_108 : vector<16xi32> to vector<16xi32>
    tpu.vector_store %arg8[%swap3A_117], %swap3A_120 {strides = array<i32>} : memref<48xi32, #tpu.memory_space<vmem>>, vector<16xi32>,
    %swap3A_121 = arith.constant 19 : index
    %swap3A_122 = tpu.vector_load %arg8[%swap3A_121] {strides = array<i32>} : memref<48xi32, #tpu.memory_space<vmem>>, vector<16xi32>,
    %swap3A_123 = vector.shape_cast %swap3A_122 : vector<16xi32> to vector<16xi32>
    %swap3A_124 = vector.shape_cast %get3A_108 : vector<16xi32> to vector<16xi32>
    tpu.vector_store %arg8[%swap3A_121], %swap3A_124 {strides = array<i32>} : memref<48xi32, #tpu.memory_space<vmem>>, vector<16xi32>,
    %swap3A_125 = arith.constant 20 : index
    %swap3A_126 = tpu.vector_load %arg8[%swap3A_125] {strides = array<i32>} : memref<48xi32, #tpu.memory_space<vmem>>, vector<16xi32>,
    %swap3A_127 = vector.shape_cast %swap3A_126 : vector<16xi32> to vector<16xi32>
    %swap3A_128 = vector.shape_cast %get3A_108 : vector<16xi32> to vector<16xi32>
    tpu.vector_store %arg8[%swap3A_125], %swap3A_128 {strides = array<i32>} : memref<48xi32, #tpu.memory_space<vmem>>, vector<16xi32>,
    %swap3A_129 = arith.constant 21 : index
    %swap3A_130 = tpu.vector_load %arg8[%swap3A_129] {strides = array<i32>} : memref<48xi32, #tpu.memory_space<vmem>>, vector<16xi32>,
    %swap3A_131 = vector.shape_cast %swap3A_130 : vector<16xi32> to vector<16xi32>
    %swap3A_132 = vector.shape_cast %get3A_108 : vector<16xi32> to vector<16xi32>
    tpu.vector_store %arg8[%swap3A_129], %swap3A_132 {strides = array<i32>} : memref<48xi32, #tpu.memory_space<vmem>>, vector<16xi32>,
    %swap3A_133 = arith.constant 22 : index
    %swap3A_134 = tpu.vector_load %arg8[%swap3A_133] {strides = array<i32>} : memref<48xi32, #tpu.memory_space<vmem>>, vector<16xi32>,
    %swap3A_135 = vector.shape_cast %swap3A_134 : vector<16xi32> to vector<16xi32>
    %swap3A_136 = vector.shape_cast %get3A_108 : vector<16xi32> to vector<16xi32>
    tpu.vector_store %arg8[%swap3A_133], %swap3A_136 {strides = array<i32>} : memref<48xi32, #tpu.memory_space<vmem>>, vector<16xi32>,
    %swap3A_137 = arith.constant 23 : index
    %swap3A_138 = tpu.vector_load %arg8[%swap3A_137] {strides = array<i32>} : memref<48xi32, #tpu.memory_space<vmem>>, vector<16xi32>,
    %swap3A_139 = vector.shape_cast %swap3A_138 : vector<16xi32> to vector<16xi32>
    %swap3A_140 = vector.shape_cast %get3A_108 : vector<16xi32> to vector<16xi32>
    tpu.vector_store %arg8[%swap3A_137], %swap3A_140 {strides = array<i32>} : memref<48xi32, #tpu.memory_space<vmem>>, vector<16xi32>,
    %swap3A_141 = arith.constant 24 : index
    %swap3A_142 = tpu.vector_load %arg8[%swap3A_141] {strides = array<i32>} : memref<48xi32, #tpu.memory_space<vmem>>, vector<16xi32>,
    %swap3A_143 = vector.shape_cast %swap3A_142 : vector<16xi32> to vector<16xi32>
    %swap3A_144 = vector.shape_cast %get3A_108 : vector<16xi32> to vector<16xi32>
    tpu.vector_store %arg8[%swap3A_141], %swap3A_144 {strides = array<i32>} : memref<48xi32, #tpu.memory_space<vmem>>, vector<16xi32>,
    %swap3A_145 = arith.constant 25 : index
    %swap3A_146 = tpu.vector_load %arg8[%swap3A_145] {strides = array<i32>} : memref<48xi32, #tpu.memory_space<vmem>>, vector<16xi32>,
    %swap3A_147 = vector.shape_cast %swap3A_146 : vector<16xi32> to vector<16xi32>
    %swap3A_148 = vector.shape_cast %get3A_108 : vector<16xi32> to vector<16xi32>
    tpu.vector_store %arg8[%swap3A_145], %swap3A_148 {strides = array<i32>} : memref<48xi32, #tpu.memory_space<vmem>>, vector<16xi32>,
    %swap3A_149 = arith.constant 26 : index
    %swap3A_150 = tpu.vector_load %arg8[%swap3A_149] {strides = array<i32>} : memref<48xi32, #tpu.memory_space<vmem>>, vector<16xi32>,
    %swap3A_151 = vector.shape_cast %swap3A_150 : vector<16xi32> to vector<16xi32>
    %swap3A_152 = vector.shape_cast %get3A_108 : vector<16xi32> to vector<16xi32>
    tpu.vector_store %arg8[%swap3A_149], %swap3A_152 {strides = array<i32>} : memref<48xi32, #tpu.memory_space<vmem>>, vector<16xi32>,
    %swap3A_153 = arith.constant 27 : index
    %swap3A_154 = tpu.vector_load %arg8[%swap3A_153] {strides = array<i32>} : memref<48xi32, #tpu.memory_space<vmem>>, vector<16xi32>,
    %swap3A_155 = vector.shape_cast %swap3A_154 : vector<16xi32> to vector<16xi32>
    %swap3A_156 = vector.shape_cast %get3A_108 : vector<16xi32> to vector<16xi32>
    tpu.vector_store %arg8[%swap3A_153], %swap3A_156 {strides = array<i32>} : memref<48xi32, #tpu.memory_space<vmem>>, vector<16xi32>,
    %swap3A_157 = arith.constant 28 : index
    %swap3A_158 = tpu.vector_load %arg8[%swap3A_157] {strides = array<i32>} : memref<48xi32, #tpu.memory_space<vmem>>, vector<16xi32>,
    %swap3A_159 = vector.shape_cast %swap3A_158 : vector<16xi32> to vector<16xi32>
    %swap3A_160 = vector.shape_cast %get3A_108 : vector<16xi32> to vector<16xi32>
    tpu.vector_store %arg8[%swap3A_157], %swap3A_160 {strides = array<i32>} : memref<48xi32, #tpu.memory_space<vmem>>, vector<16xi32>,
    %swap3A_161 = arith.constant 29 : index
    %swap3A_162 = tpu.vector_load %arg8[%swap3A_161] {strides = array<i32>} : memref<48xi32, #tpu.memory_space<vmem>>, vector<16xi32>,
    %swap3A_163 = vector.shape_cast %swap3A_162 : vector<16xi32> to vector<16xi32>
    %swap3A_164 = vector.shape_cast %get3A_108 : vector<16xi32> to vector<16xi32>
    tpu.vector_store %arg8[%swap3A_161], %swap3A_164 {strides = array<i32>} : memref<48xi32, #tpu.memory_space<vmem>>, vector<16xi32>,
    %swap3A_165 = arith.constant 30 : index
    %swap3A_166 = tpu.vector_load %arg8[%swap3A_165] {strides = array<i32>} : memref<48xi32, #tpu.memory_space<vmem>>, vector<16xi32>,
    %swap3A_167 = vector.shape_cast %swap3A_166 : vector<16xi32> to vector<16xi32>
    %swap3A_168 = vector.shape_cast %get3A_108 : vector<16xi32> to vector<16xi32>
    tpu.vector_store %arg8[%swap3A_165], %swap3A_168 {strides = array<i32>} : memref<48xi32, #tpu.memory_space<vmem>>, vector<16xi32>,
    %swap3A_169 = arith.constant 31 : index
    %swap3A_170 = tpu.vector_load %arg8[%swap3A_169] {strides = array<i32>} : memref<48xi32, #tpu.memory_space<vmem>>, vector<16xi32>,
    %swap3A_171 = vector.shape_cast %swap3A_170 : vector<16xi32> to vector<16xi32>
    %swap3A_172 = vector.shape_cast %get3A_108 : vector<16xi32> to vector<16xi32>
    tpu.vector_store %arg8[%swap3A_169], %swap3A_172 {strides = array<i32>} : memref<48xi32, #tpu.memory_space<vmem>>, vector<16xi32>,
    %get3A_173 = arith.constant 16 : index
    %get3A_174 = tpu.vector_load %arg8[%get3A_173] {strides = array<i32>} : memref<48xi32, #tpu.memory_space<vmem>>, vector<16xi32>,
    %get3A_175 = vector.shape_cast %get3A_174 : vector<16xi32> to vector<16xi32>
    %swap3A_176 = arith.constant 0 : index
    %swap3A_177 = tpu.vector_load %arg9[%swap3A_176] {strides = array<i32>} : memref<768xi32, #tpu.memory_space<vmem>>, vector<16xi32>,
    %swap3A_178 = vector.shape_cast %swap3A_177 : vector<16xi32> to vector<16xi32>
    %swap3A_179 = vector.shape_cast %broadcast_in_dim3A_31 : vector<16xi32> to vector<16xi32>
    tpu.vector_store %arg9[%swap3A_176], %swap3A_179 {strides = array<i32>} : memref<768xi32, #tpu.memory_space<vmem>>, vector<16xi32>,
    %swap3A_180 = arith.constant 16 : index
    %swap3A_181 = tpu.vector_load %arg9[%swap3A_180] {strides = array<i32>} : memref<768xi32, #tpu.memory_space<vmem>>, vector<16xi32>,
    %swap3A_182 = vector.shape_cast %swap3A_181 : vector<16xi32> to vector<16xi32>
    %swap3A_183 = vector.shape_cast %broadcast_in_dim3A_31 : vector<16xi32> to vector<16xi32>
    tpu.vector_store %arg9[%swap3A_180], %swap3A_183 {strides = array<i32>} : memref<768xi32, #tpu.memory_space<vmem>>, vector<16xi32>,
    %swap3A_184 = arith.constant 32 : index
    %swap3A_185 = tpu.vector_load %arg9[%swap3A_184] {strides = array<i32>} : memref<768xi32, #tpu.memory_space<vmem>>, vector<16xi32>,
    %swap3A_186 = vector.shape_cast %swap3A_185 : vector<16xi32> to vector<16xi32>
    %swap3A_187 = vector.shape_cast %broadcast_in_dim3A_31 : vector<16xi32> to vector<16xi32>
    tpu.vector_store %arg9[%swap3A_184], %swap3A_187 {strides = array<i32>} : memref<768xi32, #tpu.memory_space<vmem>>, vector<16xi32>,
    %swap3A_188 = arith.constant 48 : index
    %swap3A_189 = tpu.vector_load %arg9[%swap3A_188] {strides = array<i32>} : memref<768xi32, #tpu.memory_space<vmem>>, vector<16xi32>,
    %swap3A_190 = vector.shape_cast %swap3A_189 : vector<16xi32> to vector<16xi32>
    %swap3A_191 = vector.shape_cast %broadcast_in_dim3A_31 : vector<16xi32> to vector<16xi32>
    tpu.vector_store %arg9[%swap3A_188], %swap3A_191 {strides = array<i32>} : memref<768xi32, #tpu.memory_space<vmem>>, vector<16xi32>,
    %swap3A_192 = arith.constant 64 : index
    %swap3A_193 = tpu.vector_load %arg9[%swap3A_192] {strides = array<i32>} : memref<768xi32, #tpu.memory_space<vmem>>, vector<16xi32>,
    %swap3A_194 = vector.shape_cast %swap3A_193 : vector<16xi32> to vector<16xi32>
    %swap3A_195 = vector.shape_cast %broadcast_in_dim3A_31 : vector<16xi32> to vector<16xi32>
    tpu.vector_store %arg9[%swap3A_192], %swap3A_195 {strides = array<i32>} : memref<768xi32, #tpu.memory_space<vmem>>, vector<16xi32>,
    %swap3A_196 = arith.constant 80 : index
    %swap3A_197 = tpu.vector_load %arg9[%swap3A_196] {strides = array<i32>} : memref<768xi32, #tpu.memory_space<vmem>>, vector<16xi32>,
    %swap3A_198 = vector.shape_cast %swap3A_197 : vector<16xi32> to vector<16xi32>
    %swap3A_199 = vector.shape_cast %broadcast_in_dim3A_31 : vector<16xi32> to vector<16xi32>
    tpu.vector_store %arg9[%swap3A_196], %swap3A_199 {strides = array<i32>} : memref<768xi32, #tpu.memory_space<vmem>>, vector<16xi32>,
    %swap3A_200 = arith.constant 96 : index
    %swap3A_201 = tpu.vector_load %arg9[%swap3A_200] {strides = array<i32>} : memref<768xi32, #tpu.memory_space<vmem>>, vector<16xi32>,
    %swap3A_202 = vector.shape_cast %swap3A_201 : vector<16xi32> to vector<16xi32>
    %swap3A_203 = vector.shape_cast %broadcast_in_dim3A_31 : vector<16xi32> to vector<16xi32>
    tpu.vector_store %arg9[%swap3A_200], %swap3A_203 {strides = array<i32>} : memref<768xi32, #tpu.memory_space<vmem>>, vector<16xi32>,
    %swap3A_204 = arith.constant 112 : index
    %swap3A_205 = tpu.vector_load %arg9[%swap3A_204] {strides = array<i32>} : memref<768xi32, #tpu.memory_space<vmem>>, vector<16xi32>,
    %swap3A_206 = vector.shape_cast %swap3A_205 : vector<16xi32> to vector<16xi32>
    %swap3A_207 = vector.shape_cast %broadcast_in_dim3A_31 : vector<16xi32> to vector<16xi32>
    tpu.vector_store %arg9[%swap3A_204], %swap3A_207 {strides = array<i32>} : memref<768xi32, #tpu.memory_space<vmem>>, vector<16xi32>,
    %swap3A_208 = arith.constant 128 : index
    %swap3A_209 = tpu.vector_load %arg9[%swap3A_208] {strides = array<i32>} : memref<768xi32, #tpu.memory_space<vmem>>, vector<16xi32>,
    %swap3A_210 = vector.shape_cast %swap3A_209 : vector<16xi32> to vector<16xi32>
    %swap3A_211 = vector.shape_cast %broadcast_in_dim3A_31 : vector<16xi32> to vector<16xi32>
    tpu.vector_store %arg9[%swap3A_208], %swap3A_211 {strides = array<i32>} : memref<768xi32, #tpu.memory_space<vmem>>, vector<16xi32>,
    %swap3A_212 = arith.constant 144 : index
    %swap3A_213 = tpu.vector_load %arg9[%swap3A_212] {strides = array<i32>} : memref<768xi32, #tpu.memory_space<vmem>>, vector<16xi32>,
    %swap3A_214 = vector.shape_cast %swap3A_213 : vector<16xi32> to vector<16xi32>
    %swap3A_215 = vector.shape_cast %broadcast_in_dim3A_31 : vector<16xi32> to vector<16xi32>
    tpu.vector_store %arg9[%swap3A_212], %swap3A_215 {strides = array<i32>} : memref<768xi32, #tpu.memory_space<vmem>>, vector<16xi32>,
    %swap3A_216 = arith.constant 160 : index
    %swap3A_217 = tpu.vector_load %arg9[%swap3A_216] {strides = array<i32>} : memref<768xi32, #tpu.memory_space<vmem>>, vector<16xi32>,
    %swap3A_218 = vector.shape_cast %swap3A_217 : vector<16xi32> to vector<16xi32>
    %swap3A_219 = vector.shape_cast %broadcast_in_dim3A_31 : vector<16xi32> to vector<16xi32>
    tpu.vector_store %arg9[%swap3A_216], %swap3A_219 {strides = array<i32>} : memref<768xi32, #tpu.memory_space<vmem>>, vector<16xi32>,
    %swap3A_220 = arith.constant 176 : index
    %swap3A_221 = tpu.vector_load %arg9[%swap3A_220] {strides = array<i32>} : memref<768xi32, #tpu.memory_space<vmem>>, vector<16xi32>,
    %swap3A_222 = vector.shape_cast %swap3A_221 : vector<16xi32> to vector<16xi32>
    %swap3A_223 = vector.shape_cast %broadcast_in_dim3A_31 : vector<16xi32> to vector<16xi32>
    tpu.vector_store %arg9[%swap3A_220], %swap3A_223 {strides = array<i32>} : memref<768xi32, #tpu.memory_space<vmem>>, vector<16xi32>,
    %swap3A_224 = arith.constant 192 : index
    %swap3A_225 = tpu.vector_load %arg9[%swap3A_224] {strides = array<i32>} : memref<768xi32, #tpu.memory_space<vmem>>, vector<16xi32>,
    %swap3A_226 = vector.shape_cast %swap3A_225 : vector<16xi32> to vector<16xi32>
    %swap3A_227 = vector.shape_cast %broadcast_in_dim3A_31 : vector<16xi32> to vector<16xi32>
    tpu.vector_store %arg9[%swap3A_224], %swap3A_227 {strides = array<i32>} : memref<768xi32, #tpu.memory_space<vmem>>, vector<16xi32>,
    %swap3A_228 = arith.constant 208 : index
    %swap3A_229 = tpu.vector_load %arg9[%swap3A_228] {strides = array<i32>} : memref<768xi32, #tpu.memory_space<vmem>>, vector<16xi32>,
    %swap3A_230 = vector.shape_cast %swap3A_229 : vector<16xi32> to vector<16xi32>
    %swap3A_231 = vector.shape_cast %broadcast_in_dim3A_31 : vector<16xi32> to vector<16xi32>
    tpu.vector_store %arg9[%swap3A_228], %swap3A_231 {strides = array<i32>} : memref<768xi32, #tpu.memory_space<vmem>>, vector<16xi32>,
    %swap3A_232 = arith.constant 224 : index
    %swap3A_233 = tpu.vector_load %arg9[%swap3A_232] {strides = array<i32>} : memref<768xi32, #tpu.memory_space<vmem>>, vector<16xi32>,
    %swap3A_234 = vector.shape_cast %swap3A_233 : vector<16xi32> to vector<16xi32>
    %swap3A_235 = vector.shape_cast %broadcast_in_dim3A_31 : vector<16xi32> to vector<16xi32>
    tpu.vector_store %arg9[%swap3A_232], %swap3A_235 {strides = array<i32>} : memref<768xi32, #tpu.memory_space<vmem>>, vector<16xi32>,
    %swap3A_236 = arith.constant 240 : index
    %swap3A_237 = tpu.vector_load %arg9[%swap3A_236] {strides = array<i32>} : memref<768xi32, #tpu.memory_space<vmem>>, vector<16xi32>,
    %swap3A_238 = vector.shape_cast %swap3A_237 : vector<16xi32> to vector<16xi32>
    %swap3A_239 = vector.shape_cast %broadcast_in_dim3A_31 : vector<16xi32> to vector<16xi32>
    tpu.vector_store %arg9[%swap3A_236], %swap3A_239 {strides = array<i32>} : memref<768xi32, #tpu.memory_space<vmem>>, vector<16xi32>,
    %mul3A_240 = arith.constant 512 : i32
    %mul3A_241 = arith.muli %select_n3A_30, %mul3A_240 : i32
    %scan3A = arith.constant 0 : i32
    %scan3A_242 = arith.constant 0 : i32
    %scan3A_243 = arith.constant 32 : i32
    %scan3A_244 = arith.addi %scan3A_242, %scan3A_243 : i32
    %scan3A_245 = arith.constant 1 : i32
    scf.for %scan3A_1076 = %scan3A_242 to %scan3A_244 step %scan3A_245  : i32 {
      %mul3A_1077 = arith.constant 16 : i32
      %mul3A_1078 = arith.muli %scan3A_1076, %mul3A_1077 : i32
      %add3A_1079 = arith.addi %mul3A_241, %mul3A_1078 : i32
      %get3A_1080 = arith.index_cast %add3A_1079 : i32 to index
      %get3A_1081 = tpu.vector_load %arg5[%get3A_1080] {strides = array<i32>} : memref<4096xi32, #tpu.memory_space<vmem>>, vector<16xi32>,
      %get3A_1082 = vector.shape_cast %get3A_1081 : vector<16xi32> to vector<16xi32>
      %sub3A_1083 = arith.constant 1 : i32
      %sub3A_1084 = vector.broadcast %sub3A_1083 : i32 to vector<16xi32>
      %sub3A_1085 = arith.subi %get3A_1082, %sub3A_1084 : vector<16xi32>
      %abs3A = math.absi %sub3A_1085 : vector<16xi32>
      %min3A = arith.constant 1 : i32
      %min3A_1086 = vector.broadcast %min3A : i32 to vector<16xi32>
      %min3A_1087 = arith.minsi %abs3A, %min3A_1086 : vector<16xi32>
      %mul3A_1088 = arith.constant 16 : i32
      %mul3A_1089 = arith.muli %scan3A_1076, %mul3A_1088 : i32
      %add3A_1090 = arith.constant 256 : i32
      %add3A_1091 = arith.addi %add3A_1090, %mul3A_1089 : i32
      %swap3A_1092 = arith.index_cast %add3A_1091 : i32 to index
      %swap3A_1093 = tpu.vector_load %arg9[%swap3A_1092] {strides = array<i32>} : memref<768xi32, #tpu.memory_space<vmem>>, vector<16xi32>,
      %swap3A_1094 = vector.shape_cast %swap3A_1093 : vector<16xi32> to vector<16xi32>
      %swap3A_1095 = vector.shape_cast %min3A_1087 : vector<16xi32> to vector<16xi32>
      tpu.vector_store %arg9[%swap3A_1092], %swap3A_1095 {strides = array<i32>} : memref<768xi32, #tpu.memory_space<vmem>>, vector<16xi32>,
    }
    %scan3A_246 = arith.constant 32 : i32
    %scan3A_247 = arith.constant 0 : i32
    %scan3A_248 = arith.constant 0 : i32
    %scan3A_249 = arith.constant 32 : i32
    %scan3A_250 = arith.addi %scan3A_248, %scan3A_249 : i32
    %scan3A_251 = arith.constant 1 : i32
    scf.for %scan3A_1076 = %scan3A_248 to %scan3A_250 step %scan3A_251  : i32 {
      %sub3A_1077 = arith.constant 31 : i32
      %sub3A_1078 = arith.subi %sub3A_1077, %scan3A_1076 : i32
      %mul3A_1079 = arith.constant 16 : i32
      %mul3A_1080 = arith.muli %sub3A_1078, %mul3A_1079 : i32
      %add3A_1081 = arith.constant 256 : i32
      %add3A_1082 = arith.addi %add3A_1081, %mul3A_1080 : i32
      %get3A_1083 = arith.index_cast %add3A_1082 : i32 to index
      %get3A_1084 = tpu.vector_load %arg9[%get3A_1083] {strides = array<i32>} : memref<768xi32, #tpu.memory_space<vmem>>, vector<16xi32>,
      %get3A_1085 = vector.shape_cast %get3A_1084 : vector<16xi32> to vector<16xi32>
      %sub3A_1086 = arith.constant 1 : i32
      %sub3A_1087 = arith.subi %add3A_1082, %sub3A_1086 : i32
      %get3A_1088 = arith.index_cast %sub3A_1087 : i32 to index
      %get3A_1089 = tpu.vector_load %arg9[%get3A_1088] {strides = array<i32>} : memref<768xi32, #tpu.memory_space<vmem>>, vector<16xi32>,
      %get3A_1090 = vector.shape_cast %get3A_1089 : vector<16xi32> to vector<16xi32>
      %add3A_1091 = arith.addi %get3A_1085, %get3A_1090 : vector<16xi32>
      %swap3A_1092 = arith.index_cast %add3A_1082 : i32 to index
      %swap3A_1093 = tpu.vector_load %arg9[%swap3A_1092] {strides = array<i32>} : memref<768xi32, #tpu.memory_space<vmem>>, vector<16xi32>,
      %swap3A_1094 = vector.shape_cast %swap3A_1093 : vector<16xi32> to vector<16xi32>
      %swap3A_1095 = vector.shape_cast %add3A_1091 : vector<16xi32> to vector<16xi32>
      tpu.vector_store %arg9[%swap3A_1092], %swap3A_1095 {strides = array<i32>} : memref<768xi32, #tpu.memory_space<vmem>>, vector<16xi32>,
    }
    %scan3A_252 = arith.constant 32 : i32
    %scan3A_253 = arith.constant 0 : i32
    %scan3A_254 = arith.constant 0 : i32
    %scan3A_255 = arith.constant 32 : i32
    %scan3A_256 = arith.addi %scan3A_254, %scan3A_255 : i32
    %scan3A_257 = arith.constant 1 : i32
    scf.for %scan3A_1076 = %scan3A_254 to %scan3A_256 step %scan3A_257  : i32 {
      %sub3A_1077 = arith.constant 31 : i32
      %sub3A_1078 = arith.subi %sub3A_1077, %scan3A_1076 : i32
      %mul3A_1079 = arith.constant 16 : i32
      %mul3A_1080 = arith.muli %sub3A_1078, %mul3A_1079 : i32
      %add3A_1081 = arith.constant 256 : i32
      %add3A_1082 = arith.addi %add3A_1081, %mul3A_1080 : i32
      %get3A_1083 = arith.index_cast %add3A_1082 : i32 to index
      %get3A_1084 = tpu.vector_load %arg9[%get3A_1083] {strides = array<i32>} : memref<768xi32, #tpu.memory_space<vmem>>, vector<16xi32>,
      %get3A_1085 = vector.shape_cast %get3A_1084 : vector<16xi32> to vector<16xi32>
      %sub3A_1086 = arith.constant 2 : i32
      %sub3A_1087 = arith.subi %add3A_1082, %sub3A_1086 : i32
      %get3A_1088 = arith.index_cast %sub3A_1087 : i32 to index
      %get3A_1089 = tpu.vector_load %arg9[%get3A_1088] {strides = array<i32>} : memref<768xi32, #tpu.memory_space<vmem>>, vector<16xi32>,
      %get3A_1090 = vector.shape_cast %get3A_1089 : vector<16xi32> to vector<16xi32>
      %add3A_1091 = arith.addi %get3A_1085, %get3A_1090 : vector<16xi32>
      %swap3A_1092 = arith.index_cast %add3A_1082 : i32 to index
      %swap3A_1093 = tpu.vector_load %arg9[%swap3A_1092] {strides = array<i32>} : memref<768xi32, #tpu.memory_space<vmem>>, vector<16xi32>,
      %swap3A_1094 = vector.shape_cast %swap3A_1093 : vector<16xi32> to vector<16xi32>
      %swap3A_1095 = vector.shape_cast %add3A_1091 : vector<16xi32> to vector<16xi32>
      tpu.vector_store %arg9[%swap3A_1092], %swap3A_1095 {strides = array<i32>} : memref<768xi32, #tpu.memory_space<vmem>>, vector<16xi32>,
    }
    %scan3A_258 = arith.constant 32 : i32
    %scan3A_259 = arith.constant 0 : i32
    %scan3A_260 = arith.constant 0 : i32
    %scan3A_261 = arith.constant 32 : i32
    %scan3A_262 = arith.addi %scan3A_260, %scan3A_261 : i32
    %scan3A_263 = arith.constant 1 : i32
    scf.for %scan3A_1076 = %scan3A_260 to %scan3A_262 step %scan3A_263  : i32 {
      %sub3A_1077 = arith.constant 31 : i32
      %sub3A_1078 = arith.subi %sub3A_1077, %scan3A_1076 : i32
      %mul3A_1079 = arith.constant 16 : i32
      %mul3A_1080 = arith.muli %sub3A_1078, %mul3A_1079 : i32
      %add3A_1081 = arith.constant 256 : i32
      %add3A_1082 = arith.addi %add3A_1081, %mul3A_1080 : i32
      %get3A_1083 = arith.index_cast %add3A_1082 : i32 to index
      %get3A_1084 = tpu.vector_load %arg9[%get3A_1083] {strides = array<i32>} : memref<768xi32, #tpu.memory_space<vmem>>, vector<16xi32>,
      %get3A_1085 = vector.shape_cast %get3A_1084 : vector<16xi32> to vector<16xi32>
      %sub3A_1086 = arith.constant 4 : i32
      %sub3A_1087 = arith.subi %add3A_1082, %sub3A_1086 : i32
      %get3A_1088 = arith.index_cast %sub3A_1087 : i32 to index
      %get3A_1089 = tpu.vector_load %arg9[%get3A_1088] {strides = array<i32>} : memref<768xi32, #tpu.memory_space<vmem>>, vector<16xi32>,
      %get3A_1090 = vector.shape_cast %get3A_1089 : vector<16xi32> to vector<16xi32>
      %add3A_1091 = arith.addi %get3A_1085, %get3A_1090 : vector<16xi32>
      %swap3A_1092 = arith.index_cast %add3A_1082 : i32 to index
      %swap3A_1093 = tpu.vector_load %arg9[%swap3A_1092] {strides = array<i32>} : memref<768xi32, #tpu.memory_space<vmem>>, vector<16xi32>,
      %swap3A_1094 = vector.shape_cast %swap3A_1093 : vector<16xi32> to vector<16xi32>
      %swap3A_1095 = vector.shape_cast %add3A_1091 : vector<16xi32> to vector<16xi32>
      tpu.vector_store %arg9[%swap3A_1092], %swap3A_1095 {strides = array<i32>} : memref<768xi32, #tpu.memory_space<vmem>>, vector<16xi32>,
    }
    %scan3A_264 = arith.constant 32 : i32
    %scan3A_265 = arith.constant 0 : i32
    %scan3A_266 = arith.constant 0 : i32
    %scan3A_267 = arith.constant 32 : i32
    %scan3A_268 = arith.addi %scan3A_266, %scan3A_267 : i32
    %scan3A_269 = arith.constant 1 : i32
    scf.for %scan3A_1076 = %scan3A_266 to %scan3A_268 step %scan3A_269  : i32 {
      %sub3A_1077 = arith.constant 31 : i32
      %sub3A_1078 = arith.subi %sub3A_1077, %scan3A_1076 : i32
      %mul3A_1079 = arith.constant 16 : i32
      %mul3A_1080 = arith.muli %sub3A_1078, %mul3A_1079 : i32
      %add3A_1081 = arith.constant 256 : i32
      %add3A_1082 = arith.addi %add3A_1081, %mul3A_1080 : i32
      %get3A_1083 = arith.index_cast %add3A_1082 : i32 to index
      %get3A_1084 = tpu.vector_load %arg9[%get3A_1083] {strides = array<i32>} : memref<768xi32, #tpu.memory_space<vmem>>, vector<16xi32>,
      %get3A_1085 = vector.shape_cast %get3A_1084 : vector<16xi32> to vector<16xi32>
      %sub3A_1086 = arith.constant 8 : i32
      %sub3A_1087 = arith.subi %add3A_1082, %sub3A_1086 : i32
      %get3A_1088 = arith.index_cast %sub3A_1087 : i32 to index
      %get3A_1089 = tpu.vector_load %arg9[%get3A_1088] {strides = array<i32>} : memref<768xi32, #tpu.memory_space<vmem>>, vector<16xi32>,
      %get3A_1090 = vector.shape_cast %get3A_1089 : vector<16xi32> to vector<16xi32>
      %add3A_1091 = arith.addi %get3A_1085, %get3A_1090 : vector<16xi32>
      %swap3A_1092 = arith.index_cast %add3A_1082 : i32 to index
      %swap3A_1093 = tpu.vector_load %arg9[%swap3A_1092] {strides = array<i32>} : memref<768xi32, #tpu.memory_space<vmem>>, vector<16xi32>,
      %swap3A_1094 = vector.shape_cast %swap3A_1093 : vector<16xi32> to vector<16xi32>
      %swap3A_1095 = vector.shape_cast %add3A_1091 : vector<16xi32> to vector<16xi32>
      tpu.vector_store %arg9[%swap3A_1092], %swap3A_1095 {strides = array<i32>} : memref<768xi32, #tpu.memory_space<vmem>>, vector<16xi32>,
    }
    %scan3A_270 = arith.constant 32 : i32
    %scan3A_271 = arith.constant 0 : i32
    %scan3A_272 = arith.constant 0 : i32
    %scan3A_273 = arith.constant 32 : i32
    %scan3A_274 = arith.addi %scan3A_272, %scan3A_273 : i32
    %scan3A_275 = arith.constant 1 : i32
    scf.for %scan3A_1076 = %scan3A_272 to %scan3A_274 step %scan3A_275  : i32 {
      %sub3A_1077 = arith.constant 31 : i32
      %sub3A_1078 = arith.subi %sub3A_1077, %scan3A_1076 : i32
      %mul3A_1079 = arith.constant 16 : i32
      %mul3A_1080 = arith.muli %sub3A_1078, %mul3A_1079 : i32
      %add3A_1081 = arith.constant 256 : i32
      %add3A_1082 = arith.addi %add3A_1081, %mul3A_1080 : i32
      %get3A_1083 = arith.index_cast %add3A_1082 : i32 to index
      %get3A_1084 = tpu.vector_load %arg9[%get3A_1083] {strides = array<i32>} : memref<768xi32, #tpu.memory_space<vmem>>, vector<16xi32>,
      %get3A_1085 = vector.shape_cast %get3A_1084 : vector<16xi32> to vector<16xi32>
      %sub3A_1086 = arith.constant 16 : i32
      %sub3A_1087 = arith.subi %add3A_1082, %sub3A_1086 : i32
      %get3A_1088 = arith.index_cast %sub3A_1087 : i32 to index
      %get3A_1089 = tpu.vector_load %arg9[%get3A_1088] {strides = array<i32>} : memref<768xi32, #tpu.memory_space<vmem>>, vector<16xi32>,
      %get3A_1090 = vector.shape_cast %get3A_1089 : vector<16xi32> to vector<16xi32>
      %add3A_1091 = arith.addi %get3A_1085, %get3A_1090 : vector<16xi32>
      %swap3A_1092 = arith.index_cast %add3A_1082 : i32 to index
      %swap3A_1093 = tpu.vector_load %arg9[%swap3A_1092] {strides = array<i32>} : memref<768xi32, #tpu.memory_space<vmem>>, vector<16xi32>,
      %swap3A_1094 = vector.shape_cast %swap3A_1093 : vector<16xi32> to vector<16xi32>
      %swap3A_1095 = vector.shape_cast %add3A_1091 : vector<16xi32> to vector<16xi32>
      tpu.vector_store %arg9[%swap3A_1092], %swap3A_1095 {strides = array<i32>} : memref<768xi32, #tpu.memory_space<vmem>>, vector<16xi32>,
    }
    %scan3A_276 = arith.constant 32 : i32
    %scan3A_277 = arith.constant 0 : i32
    %scan3A_278 = arith.constant 0 : i32
    %scan3A_279 = arith.constant 32 : i32
    %scan3A_280 = arith.addi %scan3A_278, %scan3A_279 : i32
    %scan3A_281 = arith.constant 1 : i32
    scf.for %scan3A_1076 = %scan3A_278 to %scan3A_280 step %scan3A_281  : i32 {
      %sub3A_1077 = arith.constant 31 : i32
      %sub3A_1078 = arith.subi %sub3A_1077, %scan3A_1076 : i32
      %mul3A_1079 = arith.constant 16 : i32
      %mul3A_1080 = arith.muli %sub3A_1078, %mul3A_1079 : i32
      %add3A_1081 = arith.constant 256 : i32
      %add3A_1082 = arith.addi %add3A_1081, %mul3A_1080 : i32
      %get3A_1083 = arith.index_cast %add3A_1082 : i32 to index
      %get3A_1084 = tpu.vector_load %arg9[%get3A_1083] {strides = array<i32>} : memref<768xi32, #tpu.memory_space<vmem>>, vector<16xi32>,
      %get3A_1085 = vector.shape_cast %get3A_1084 : vector<16xi32> to vector<16xi32>
      %sub3A_1086 = arith.constant 32 : i32
      %sub3A_1087 = arith.subi %add3A_1082, %sub3A_1086 : i32
      %get3A_1088 = arith.index_cast %sub3A_1087 : i32 to index
      %get3A_1089 = tpu.vector_load %arg9[%get3A_1088] {strides = array<i32>} : memref<768xi32, #tpu.memory_space<vmem>>, vector<16xi32>,
      %get3A_1090 = vector.shape_cast %get3A_1089 : vector<16xi32> to vector<16xi32>
      %add3A_1091 = arith.addi %get3A_1085, %get3A_1090 : vector<16xi32>
      %swap3A_1092 = arith.index_cast %add3A_1082 : i32 to index
      %swap3A_1093 = tpu.vector_load %arg9[%swap3A_1092] {strides = array<i32>} : memref<768xi32, #tpu.memory_space<vmem>>, vector<16xi32>,
      %swap3A_1094 = vector.shape_cast %swap3A_1093 : vector<16xi32> to vector<16xi32>
      %swap3A_1095 = vector.shape_cast %add3A_1091 : vector<16xi32> to vector<16xi32>
      tpu.vector_store %arg9[%swap3A_1092], %swap3A_1095 {strides = array<i32>} : memref<768xi32, #tpu.memory_space<vmem>>, vector<16xi32>,
    }
    %scan3A_282 = arith.constant 32 : i32
    %scan3A_283 = arith.constant 0 : i32
    %scan3A_284 = arith.constant 0 : i32
    %scan3A_285 = arith.constant 32 : i32
    %scan3A_286 = arith.addi %scan3A_284, %scan3A_285 : i32
    %scan3A_287 = arith.constant 1 : i32
    scf.for %scan3A_1076 = %scan3A_284 to %scan3A_286 step %scan3A_287  : i32 {
      %sub3A_1077 = arith.constant 31 : i32
      %sub3A_1078 = arith.subi %sub3A_1077, %scan3A_1076 : i32
      %mul3A_1079 = arith.constant 16 : i32
      %mul3A_1080 = arith.muli %sub3A_1078, %mul3A_1079 : i32
      %add3A_1081 = arith.constant 256 : i32
      %add3A_1082 = arith.addi %add3A_1081, %mul3A_1080 : i32
      %get3A_1083 = arith.index_cast %add3A_1082 : i32 to index
      %get3A_1084 = tpu.vector_load %arg9[%get3A_1083] {strides = array<i32>} : memref<768xi32, #tpu.memory_space<vmem>>, vector<16xi32>,
      %get3A_1085 = vector.shape_cast %get3A_1084 : vector<16xi32> to vector<16xi32>
      %sub3A_1086 = arith.constant 64 : i32
      %sub3A_1087 = arith.subi %add3A_1082, %sub3A_1086 : i32
      %get3A_1088 = arith.index_cast %sub3A_1087 : i32 to index
      %get3A_1089 = tpu.vector_load %arg9[%get3A_1088] {strides = array<i32>} : memref<768xi32, #tpu.memory_space<vmem>>, vector<16xi32>,
      %get3A_1090 = vector.shape_cast %get3A_1089 : vector<16xi32> to vector<16xi32>
      %add3A_1091 = arith.addi %get3A_1085, %get3A_1090 : vector<16xi32>
      %swap3A_1092 = arith.index_cast %add3A_1082 : i32 to index
      %swap3A_1093 = tpu.vector_load %arg9[%swap3A_1092] {strides = array<i32>} : memref<768xi32, #tpu.memory_space<vmem>>, vector<16xi32>,
      %swap3A_1094 = vector.shape_cast %swap3A_1093 : vector<16xi32> to vector<16xi32>
      %swap3A_1095 = vector.shape_cast %add3A_1091 : vector<16xi32> to vector<16xi32>
      tpu.vector_store %arg9[%swap3A_1092], %swap3A_1095 {strides = array<i32>} : memref<768xi32, #tpu.memory_space<vmem>>, vector<16xi32>,
    }
    %scan3A_288 = arith.constant 32 : i32
    %scan3A_289 = arith.constant 0 : i32
    %scan3A_290 = arith.constant 0 : i32
    %scan3A_291 = arith.constant 32 : i32
    %scan3A_292 = arith.addi %scan3A_290, %scan3A_291 : i32
    %scan3A_293 = arith.constant 1 : i32
    scf.for %scan3A_1076 = %scan3A_290 to %scan3A_292 step %scan3A_293  : i32 {
      %sub3A_1077 = arith.constant 31 : i32
      %sub3A_1078 = arith.subi %sub3A_1077, %scan3A_1076 : i32
      %mul3A_1079 = arith.constant 16 : i32
      %mul3A_1080 = arith.muli %sub3A_1078, %mul3A_1079 : i32
      %add3A_1081 = arith.constant 256 : i32
      %add3A_1082 = arith.addi %add3A_1081, %mul3A_1080 : i32
      %get3A_1083 = arith.index_cast %add3A_1082 : i32 to index
      %get3A_1084 = tpu.vector_load %arg9[%get3A_1083] {strides = array<i32>} : memref<768xi32, #tpu.memory_space<vmem>>, vector<16xi32>,
      %get3A_1085 = vector.shape_cast %get3A_1084 : vector<16xi32> to vector<16xi32>
      %sub3A_1086 = arith.constant 128 : i32
      %sub3A_1087 = arith.subi %add3A_1082, %sub3A_1086 : i32
      %get3A_1088 = arith.index_cast %sub3A_1087 : i32 to index
      %get3A_1089 = tpu.vector_load %arg9[%get3A_1088] {strides = array<i32>} : memref<768xi32, #tpu.memory_space<vmem>>, vector<16xi32>,
      %get3A_1090 = vector.shape_cast %get3A_1089 : vector<16xi32> to vector<16xi32>
      %add3A_1091 = arith.addi %get3A_1085, %get3A_1090 : vector<16xi32>
      %swap3A_1092 = arith.index_cast %add3A_1082 : i32 to index
      %swap3A_1093 = tpu.vector_load %arg9[%swap3A_1092] {strides = array<i32>} : memref<768xi32, #tpu.memory_space<vmem>>, vector<16xi32>,
      %swap3A_1094 = vector.shape_cast %swap3A_1093 : vector<16xi32> to vector<16xi32>
      %swap3A_1095 = vector.shape_cast %add3A_1091 : vector<16xi32> to vector<16xi32>
      tpu.vector_store %arg9[%swap3A_1092], %swap3A_1095 {strides = array<i32>} : memref<768xi32, #tpu.memory_space<vmem>>, vector<16xi32>,
    }
    %scan3A_294 = arith.constant 32 : i32
    %scan3A_295 = arith.constant 0 : i32
    %scan3A_296 = arith.constant 0 : i32
    %scan3A_297 = arith.constant 32 : i32
    %scan3A_298 = arith.addi %scan3A_296, %scan3A_297 : i32
    %scan3A_299 = arith.constant 1 : i32
    scf.for %scan3A_1076 = %scan3A_296 to %scan3A_298 step %scan3A_299  : i32 {
      %sub3A_1077 = arith.constant 31 : i32
      %sub3A_1078 = arith.subi %sub3A_1077, %scan3A_1076 : i32
      %mul3A_1079 = arith.constant 16 : i32
      %mul3A_1080 = arith.muli %sub3A_1078, %mul3A_1079 : i32
      %add3A_1081 = arith.constant 256 : i32
      %add3A_1082 = arith.addi %add3A_1081, %mul3A_1080 : i32
      %get3A_1083 = arith.index_cast %add3A_1082 : i32 to index
      %get3A_1084 = tpu.vector_load %arg9[%get3A_1083] {strides = array<i32>} : memref<768xi32, #tpu.memory_space<vmem>>, vector<16xi32>,
      %get3A_1085 = vector.shape_cast %get3A_1084 : vector<16xi32> to vector<16xi32>
      %sub3A_1086 = arith.constant 256 : i32
      %sub3A_1087 = arith.subi %add3A_1082, %sub3A_1086 : i32
      %get3A_1088 = arith.index_cast %sub3A_1087 : i32 to index
      %get3A_1089 = tpu.vector_load %arg9[%get3A_1088] {strides = array<i32>} : memref<768xi32, #tpu.memory_space<vmem>>, vector<16xi32>,
      %get3A_1090 = vector.shape_cast %get3A_1089 : vector<16xi32> to vector<16xi32>
      %add3A_1091 = arith.addi %get3A_1085, %get3A_1090 : vector<16xi32>
      %swap3A_1092 = arith.index_cast %add3A_1082 : i32 to index
      %swap3A_1093 = tpu.vector_load %arg9[%swap3A_1092] {strides = array<i32>} : memref<768xi32, #tpu.memory_space<vmem>>, vector<16xi32>,
      %swap3A_1094 = vector.shape_cast %swap3A_1093 : vector<16xi32> to vector<16xi32>
      %swap3A_1095 = vector.shape_cast %add3A_1091 : vector<16xi32> to vector<16xi32>
      tpu.vector_store %arg9[%swap3A_1092], %swap3A_1095 {strides = array<i32>} : memref<768xi32, #tpu.memory_space<vmem>>, vector<16xi32>,
    }
    %scan3A_300 = arith.constant 32 : i32
    %scan3A_301 = arith.constant 0 : i32
    %scan3A_302 = arith.constant 0 : i32
    %scan3A_303 = arith.constant 32 : i32
    %scan3A_304 = arith.addi %scan3A_302, %scan3A_303 : i32
    %scan3A_305 = arith.constant 1 : i32
    scf.for %scan3A_1076 = %scan3A_302 to %scan3A_304 step %scan3A_305  : i32 {
      %mul3A_1077 = arith.constant 16 : i32
      %mul3A_1078 = arith.muli %scan3A_1076, %mul3A_1077 : i32
      %add3A_1079 = arith.addi %mul3A_241, %mul3A_1078 : i32
      %get3A_1080 = arith.index_cast %add3A_1079 : i32 to index
      %get3A_1081 = tpu.vector_load %arg5[%get3A_1080] {strides = array<i32>} : memref<4096xi32, #tpu.memory_space<vmem>>, vector<16xi32>,
      %get3A_1082 = vector.shape_cast %get3A_1081 : vector<16xi32> to vector<16xi32>
      %sub3A_1083 = arith.constant 1 : i32
      %sub3A_1084 = vector.broadcast %sub3A_1083 : i32 to vector<16xi32>
      %sub3A_1085 = arith.subi %get3A_1082, %sub3A_1084 : vector<16xi32>
      %abs3A = math.absi %sub3A_1085 : vector<16xi32>
      %min3A = arith.constant 1 : i32
      %min3A_1086 = vector.broadcast %min3A : i32 to vector<16xi32>
      %min3A_1087 = arith.minsi %abs3A, %min3A_1086 : vector<16xi32>
      %mul3A_1088 = arith.constant 16 : i32
      %mul3A_1089 = arith.muli %scan3A_1076, %mul3A_1088 : i32
      %add3A_1090 = arith.constant 256 : i32
      %add3A_1091 = arith.addi %add3A_1090, %mul3A_1089 : i32
      %get3A_1092 = arith.index_cast %add3A_1091 : i32 to index
      %get3A_1093 = tpu.vector_load %arg9[%get3A_1092] {strides = array<i32>} : memref<768xi32, #tpu.memory_space<vmem>>, vector<16xi32>,
      %get3A_1094 = vector.shape_cast %get3A_1093 : vector<16xi32> to vector<16xi32>
      %add3A_1095 = arith.addi %get3A_175, %get3A_1094 : vector<16xi32>
      %mul3A_1096 = arith.muli %add3A_1095, %min3A_1087 : vector<16xi32>
      %add3A_1097 = arith.constant 1 : i32
      %add3A_1098 = vector.broadcast %add3A_1097 : i32 to vector<16xi32>
      %add3A_1099 = arith.addi %mul3A_1096, %add3A_1098 : vector<16xi32>
      %mul3A_1100 = arith.constant 16 : i32
      %mul3A_1101 = arith.muli %scan3A_1076, %mul3A_1100 : i32
      %swap3A_1102 = arith.index_cast %mul3A_1101 : i32 to index
      %swap3A_1103 = tpu.vector_load %arg6[%swap3A_1102] {strides = array<i32>} : memref<512xi32, #tpu.memory_space<vmem>>, vector<16xi32>,
      %swap3A_1104 = vector.shape_cast %swap3A_1103 : vector<16xi32> to vector<16xi32>
      %swap3A_1105 = vector.shape_cast %add3A_1099 : vector<16xi32> to vector<16xi32>
      tpu.vector_store %arg6[%swap3A_1102], %swap3A_1105 {strides = array<i32>} : memref<512xi32, #tpu.memory_space<vmem>>, vector<16xi32>,
    }
    %scan3A_306 = arith.constant 32 : i32
    %mul3A_307 = arith.constant 4096 : i32
    %mul3A_308 = arith.muli %select_n3A, %mul3A_307 : i32
    %add3A_309 = arith.addi %mul3A_308, %mul3A_241 : i32
    %dma_start3A = arith.constant 0 : i32
    %dma_start3A_310 = arith.constant 0 : i32
    %dma_start3A_311 = arith.constant 0 : i32
    %dma_start3A_312 = tpu.memref_slice %arg10[%dma_start3A, %dma_start3A_310, %dma_start3A_311] : memref<3x32x1024xf32, #tpu.memory_space<vmem>> -> memref<1x32x1024xf32, #tpu.memory_space<vmem>>
    %dma_start3A_313 = tpu.memref_squeeze %dma_start3A_312 : memref<1x32x1024xf32, #tpu.memory_space<vmem>> -> memref<32x1024xf32, #tpu.memory_space<vmem>>
    %dma_start3A_314 = arith.constant 0 : i32
    %dma_start3A_315 = tpu.memref_slice %arg6[%dma_start3A_314] : memref<512xi32, #tpu.memory_space<vmem>> -> memref<32xi32, #tpu.memory_space<vmem>>
    %dma_start3A_316 = arith.constant 0 : i32
    %dma_start3A_317 = arith.constant 0 : i32
    %dma_start3A_318 = tpu.memref_slice %arg3[%dma_start3A_316, %dma_start3A_317] : memref<8192x1024xf32, #tpu.memory_space<hbm>> -> memref<8192x1024xf32, #tpu.memory_space<hbm>>
    tpu.enqueue_indirect_dma source(%dma_start3A_318 : memref<8192x1024xf32, #tpu.memory_space<hbm>>) target(%dma_start3A_313 : memref<32x1024xf32, #tpu.memory_space<vmem>>) offsets(%dma_start3A_315 : memref<32xi32, #tpu.memory_space<vmem>>) semaphore(%arg11 : memref<!tpu.dma_semaphore, #tpu.memory_space<semaphore_mem>>)
    %dma_start3A_319 = arith.constant 1 : i32
    %dma_start3A_320 = arith.constant 0 : i32
    %dma_start3A_321 = arith.constant 0 : i32
    %dma_start3A_322 = tpu.memref_slice %arg10[%dma_start3A_319, %dma_start3A_320, %dma_start3A_321] : memref<3x32x1024xf32, #tpu.memory_space<vmem>> -> memref<1x32x1024xf32, #tpu.memory_space<vmem>>
    %dma_start3A_323 = tpu.memref_squeeze %dma_start3A_322 : memref<1x32x1024xf32, #tpu.memory_space<vmem>> -> memref<32x1024xf32, #tpu.memory_space<vmem>>
    %dma_start3A_324 = arith.constant 32 : i32
    %dma_start3A_325 = tpu.memref_slice %arg6[%dma_start3A_324] : memref<512xi32, #tpu.memory_space<vmem>> -> memref<32xi32, #tpu.memory_space<vmem>>
    %dma_start3A_326 = arith.constant 0 : i32
    %dma_start3A_327 = arith.constant 0 : i32
    %dma_start3A_328 = tpu.memref_slice %arg3[%dma_start3A_326, %dma_start3A_327] : memref<8192x1024xf32, #tpu.memory_space<hbm>> -> memref<8192x1024xf32, #tpu.memory_space<hbm>>
    tpu.enqueue_indirect_dma source(%dma_start3A_328 : memref<8192x1024xf32, #tpu.memory_space<hbm>>) target(%dma_start3A_323 : memref<32x1024xf32, #tpu.memory_space<vmem>>) offsets(%dma_start3A_325 : memref<32xi32, #tpu.memory_space<vmem>>) semaphore(%arg11 : memref<!tpu.dma_semaphore, #tpu.memory_space<semaphore_mem>>)
    %dma_start3A_329 = arith.constant 2 : i32
    %dma_start3A_330 = arith.constant 0 : i32
    %dma_start3A_331 = arith.constant 0 : i32
    %dma_start3A_332 = tpu.memref_slice %arg10[%dma_start3A_329, %dma_start3A_330, %dma_start3A_331] : memref<3x32x1024xf32, #tpu.memory_space<vmem>> -> memref<1x32x1024xf32, #tpu.memory_space<vmem>>
    %dma_start3A_333 = tpu.memref_squeeze %dma_start3A_332 : memref<1x32x1024xf32, #tpu.memory_space<vmem>> -> memref<32x1024xf32, #tpu.memory_space<vmem>>
    %dma_start3A_334 = arith.constant 64 : i32
    %dma_start3A_335 = tpu.memref_slice %arg6[%dma_start3A_334] : memref<512xi32, #tpu.memory_space<vmem>> -> memref<32xi32, #tpu.memory_space<vmem>>
    %dma_start3A_336 = arith.constant 0 : i32
    %dma_start3A_337 = arith.constant 0 : i32
    %dma_start3A_338 = tpu.memref_slice %arg3[%dma_start3A_336, %dma_start3A_337] : memref<8192x1024xf32, #tpu.memory_space<hbm>> -> memref<8192x1024xf32, #tpu.memory_space<hbm>>
    tpu.enqueue_indirect_dma source(%dma_start3A_338 : memref<8192x1024xf32, #tpu.memory_space<hbm>>) target(%dma_start3A_333 : memref<32x1024xf32, #tpu.memory_space<vmem>>) offsets(%dma_start3A_335 : memref<32xi32, #tpu.memory_space<vmem>>) semaphore(%arg11 : memref<!tpu.dma_semaphore, #tpu.memory_space<semaphore_mem>>)
    %dma_wait3A = arith.constant 0 : i32
    %dma_wait3A_339 = arith.constant 0 : i32
    %dma_wait3A_340 = arith.constant 0 : i32
    %dma_wait3A_341 = tpu.memref_slice %arg10[%dma_wait3A, %dma_wait3A_339, %dma_wait3A_340] : memref<3x32x1024xf32, #tpu.memory_space<vmem>> -> memref<1x32x1024xf32, #tpu.memory_space<vmem>>
    %dma_wait3A_342 = tpu.memref_squeeze %dma_wait3A_341 : memref<1x32x1024xf32, #tpu.memory_space<vmem>> -> memref<32x1024xf32, #tpu.memory_space<vmem>>
    %dma_wait3A_343 = arith.constant 0 : i32
    %dma_wait3A_344 = tpu.memref_slice %arg6[%dma_wait3A_343] : memref<512xi32, #tpu.memory_space<vmem>> -> memref<32xi32, #tpu.memory_space<vmem>>
    %dma_wait3A_345 = arith.constant 0 : i32
    %dma_wait3A_346 = arith.constant 0 : i32
    %dma_wait3A_347 = tpu.memref_slice %arg3[%dma_wait3A_345, %dma_wait3A_346] : memref<8192x1024xf32, #tpu.memory_space<hbm>> -> memref<8192x1024xf32, #tpu.memory_space<hbm>>
    tpu.wait_indirect_dma semaphore(%arg11 : memref<!tpu.dma_semaphore, #tpu.memory_space<semaphore_mem>>) src(%dma_wait3A_347 : memref<8192x1024xf32, #tpu.memory_space<hbm>>) dst(%dma_wait3A_342 : memref<32x1024xf32, #tpu.memory_space<vmem>>)
    %add3A_348 = arith.constant 0 : i32
    %add3A_349 = arith.addi %add3A_309, %add3A_348 : i32
    %dma_start3A_350 = arith.constant 0 : i32
    %dma_start3A_351 = arith.constant 0 : i32
    %dma_start3A_352 = arith.constant 0 : i32
    %dma_start3A_353 = tpu.memref_slice %arg10[%dma_start3A_350, %dma_start3A_351, %dma_start3A_352] : memref<3x32x1024xf32, #tpu.memory_space<vmem>> -> memref<1x32x1024xf32, #tpu.memory_space<vmem>>
    %dma_start3A_354 = tpu.memref_squeeze %dma_start3A_353 : memref<1x32x1024xf32, #tpu.memory_space<vmem>> -> memref<32x1024xf32, #tpu.memory_space<vmem>>
    %dma_start3A_355 = arith.constant 0 : i32
    %dma_start3A_356 = tpu.memref_slice %arg4[%add3A_349, %dma_start3A_355] : memref<16384x1024xf32, #tpu.memory_space<hbm>> -> memref<32x1024xf32, #tpu.memory_space<hbm>>
    %dma_start3A_357 = arith.constant 0 : i32
    %dma_start3A_358 = tpu.memref_slice %arg4[%add3A_349, %dma_start3A_357] : memref<16384x1024xf32, #tpu.memory_space<hbm>> -> memref<32x1024xf32, #tpu.memory_space<hbm>>
    %dma_start3A_359 = arith.constant 0 : i32
    %dma_start3A_360 = arith.constant 0 : i32
    %dma_start3A_361 = tpu.memref_slice %arg10[%dma_start3A_350, %dma_start3A_359, %dma_start3A_360] : memref<3x32x1024xf32, #tpu.memory_space<vmem>> -> memref<1x32x1024xf32, #tpu.memory_space<vmem>>
    %dma_start3A_362 = tpu.memref_squeeze %dma_start3A_361 : memref<1x32x1024xf32, #tpu.memory_space<vmem>> -> memref<32x1024xf32, #tpu.memory_space<vmem>>
    tpu.enqueue_dma source(%dma_start3A_362 : memref<32x1024xf32, #tpu.memory_space<vmem>>) target(%dma_start3A_358 : memref<32x1024xf32, #tpu.memory_space<hbm>>) target_semaphore(%arg12 : memref<!tpu.dma_semaphore, #tpu.memory_space<semaphore_mem>>)
    %dma_wait3A_363 = arith.constant 0 : i32
    %dma_wait3A_364 = arith.constant 0 : i32
    %dma_wait3A_365 = arith.constant 0 : i32
    %dma_wait3A_366 = tpu.memref_slice %arg10[%dma_wait3A_363, %dma_wait3A_364, %dma_wait3A_365] : memref<3x32x1024xf32, #tpu.memory_space<vmem>> -> memref<1x32x1024xf32, #tpu.memory_space<vmem>>
    %dma_wait3A_367 = tpu.memref_squeeze %dma_wait3A_366 : memref<1x32x1024xf32, #tpu.memory_space<vmem>> -> memref<32x1024xf32, #tpu.memory_space<vmem>>
    %dma_wait3A_368 = arith.constant 0 : i32
    %dma_wait3A_369 = tpu.memref_slice %arg4[%add3A_349, %dma_wait3A_368] : memref<16384x1024xf32, #tpu.memory_space<hbm>> -> memref<32x1024xf32, #tpu.memory_space<hbm>>
    %dma_wait3A_370 = arith.constant 0 : i32
    %dma_wait3A_371 = tpu.memref_slice %arg4[%add3A_349, %dma_wait3A_370] : memref<16384x1024xf32, #tpu.memory_space<hbm>> -> memref<32x1024xf32, #tpu.memory_space<hbm>>
    %dma_wait3A_372 = arith.constant 0 : i32
    %dma_wait3A_373 = arith.constant 0 : i32
    %dma_wait3A_374 = tpu.memref_slice %arg10[%dma_wait3A_363, %dma_wait3A_372, %dma_wait3A_373] : memref<3x32x1024xf32, #tpu.memory_space<vmem>> -> memref<1x32x1024xf32, #tpu.memory_space<vmem>>
    %dma_wait3A_375 = tpu.memref_squeeze %dma_wait3A_374 : memref<1x32x1024xf32, #tpu.memory_space<vmem>> -> memref<32x1024xf32, #tpu.memory_space<vmem>>
    tpu.wait_dma2 semaphore(%arg12 : memref<!tpu.dma_semaphore, #tpu.memory_space<semaphore_mem>>) src(%dma_wait3A_375 : memref<32x1024xf32, #tpu.memory_space<vmem>>) dst(%dma_wait3A_371 : memref<32x1024xf32, #tpu.memory_space<hbm>>)
    %dma_start3A_376 = arith.constant 0 : i32
    %dma_start3A_377 = arith.constant 0 : i32
    %dma_start3A_378 = arith.constant 0 : i32
    %dma_start3A_379 = tpu.memref_slice %arg10[%dma_start3A_376, %dma_start3A_377, %dma_start3A_378] : memref<3x32x1024xf32, #tpu.memory_space<vmem>> -> memref<1x32x1024xf32, #tpu.memory_space<vmem>>
    %dma_start3A_380 = tpu.memref_squeeze %dma_start3A_379 : memref<1x32x1024xf32, #tpu.memory_space<vmem>> -> memref<32x1024xf32, #tpu.memory_space<vmem>>
    %dma_start3A_381 = arith.constant 96 : i32
    %dma_start3A_382 = tpu.memref_slice %arg6[%dma_start3A_381] : memref<512xi32, #tpu.memory_space<vmem>> -> memref<32xi32, #tpu.memory_space<vmem>>
    %dma_start3A_383 = arith.constant 0 : i32
    %dma_start3A_384 = arith.constant 0 : i32
    %dma_start3A_385 = tpu.memref_slice %arg3[%dma_start3A_383, %dma_start3A_384] : memref<8192x1024xf32, #tpu.memory_space<hbm>> -> memref<8192x1024xf32, #tpu.memory_space<hbm>>
    tpu.enqueue_indirect_dma source(%dma_start3A_385 : memref<8192x1024xf32, #tpu.memory_space<hbm>>) target(%dma_start3A_380 : memref<32x1024xf32, #tpu.memory_space<vmem>>) offsets(%dma_start3A_382 : memref<32xi32, #tpu.memory_space<vmem>>) semaphore(%arg11 : memref<!tpu.dma_semaphore, #tpu.memory_space<semaphore_mem>>)
    %dma_wait3A_386 = arith.constant 1 : i32
    %dma_wait3A_387 = arith.constant 0 : i32
    %dma_wait3A_388 = arith.constant 0 : i32
    %dma_wait3A_389 = tpu.memref_slice %arg10[%dma_wait3A_386, %dma_wait3A_387, %dma_wait3A_388] : memref<3x32x1024xf32, #tpu.memory_space<vmem>> -> memref<1x32x1024xf32, #tpu.memory_space<vmem>>
    %dma_wait3A_390 = tpu.memref_squeeze %dma_wait3A_389 : memref<1x32x1024xf32, #tpu.memory_space<vmem>> -> memref<32x1024xf32, #tpu.memory_space<vmem>>
    %dma_wait3A_391 = arith.constant 32 : i32
    %dma_wait3A_392 = tpu.memref_slice %arg6[%dma_wait3A_391] : memref<512xi32, #tpu.memory_space<vmem>> -> memref<32xi32, #tpu.memory_space<vmem>>
    %dma_wait3A_393 = arith.constant 0 : i32
    %dma_wait3A_394 = arith.constant 0 : i32
    %dma_wait3A_395 = tpu.memref_slice %arg3[%dma_wait3A_393, %dma_wait3A_394] : memref<8192x1024xf32, #tpu.memory_space<hbm>> -> memref<8192x1024xf32, #tpu.memory_space<hbm>>
    tpu.wait_indirect_dma semaphore(%arg11 : memref<!tpu.dma_semaphore, #tpu.memory_space<semaphore_mem>>) src(%dma_wait3A_395 : memref<8192x1024xf32, #tpu.memory_space<hbm>>) dst(%dma_wait3A_390 : memref<32x1024xf32, #tpu.memory_space<vmem>>)
    %add3A_396 = arith.constant 32 : i32
    %add3A_397 = arith.addi %add3A_309, %add3A_396 : i32
    %dma_start3A_398 = arith.constant 1 : i32
    %dma_start3A_399 = arith.constant 0 : i32
    %dma_start3A_400 = arith.constant 0 : i32
    %dma_start3A_401 = tpu.memref_slice %arg10[%dma_start3A_398, %dma_start3A_399, %dma_start3A_400] : memref<3x32x1024xf32, #tpu.memory_space<vmem>> -> memref<1x32x1024xf32, #tpu.memory_space<vmem>>
    %dma_start3A_402 = tpu.memref_squeeze %dma_start3A_401 : memref<1x32x1024xf32, #tpu.memory_space<vmem>> -> memref<32x1024xf32, #tpu.memory_space<vmem>>
    %dma_start3A_403 = arith.constant 0 : i32
    %dma_start3A_404 = tpu.memref_slice %arg4[%add3A_397, %dma_start3A_403] : memref<16384x1024xf32, #tpu.memory_space<hbm>> -> memref<32x1024xf32, #tpu.memory_space<hbm>>
    %dma_start3A_405 = arith.constant 0 : i32
    %dma_start3A_406 = tpu.memref_slice %arg4[%add3A_397, %dma_start3A_405] : memref<16384x1024xf32, #tpu.memory_space<hbm>> -> memref<32x1024xf32, #tpu.memory_space<hbm>>
    %dma_start3A_407 = arith.constant 0 : i32
    %dma_start3A_408 = arith.constant 0 : i32
    %dma_start3A_409 = tpu.memref_slice %arg10[%dma_start3A_398, %dma_start3A_407, %dma_start3A_408] : memref<3x32x1024xf32, #tpu.memory_space<vmem>> -> memref<1x32x1024xf32, #tpu.memory_space<vmem>>
    %dma_start3A_410 = tpu.memref_squeeze %dma_start3A_409 : memref<1x32x1024xf32, #tpu.memory_space<vmem>> -> memref<32x1024xf32, #tpu.memory_space<vmem>>
    tpu.enqueue_dma source(%dma_start3A_410 : memref<32x1024xf32, #tpu.memory_space<vmem>>) target(%dma_start3A_406 : memref<32x1024xf32, #tpu.memory_space<hbm>>) target_semaphore(%arg12 : memref<!tpu.dma_semaphore, #tpu.memory_space<semaphore_mem>>)
    %dma_wait3A_411 = arith.constant 1 : i32
    %dma_wait3A_412 = arith.constant 0 : i32
    %dma_wait3A_413 = arith.constant 0 : i32
    %dma_wait3A_414 = tpu.memref_slice %arg10[%dma_wait3A_411, %dma_wait3A_412, %dma_wait3A_413] : memref<3x32x1024xf32, #tpu.memory_space<vmem>> -> memref<1x32x1024xf32, #tpu.memory_space<vmem>>
    %dma_wait3A_415 = tpu.memref_squeeze %dma_wait3A_414 : memref<1x32x1024xf32, #tpu.memory_space<vmem>> -> memref<32x1024xf32, #tpu.memory_space<vmem>>
    %dma_wait3A_416 = arith.constant 0 : i32
    %dma_wait3A_417 = tpu.memref_slice %arg4[%add3A_397, %dma_wait3A_416] : memref<16384x1024xf32, #tpu.memory_space<hbm>> -> memref<32x1024xf32, #tpu.memory_space<hbm>>
    %dma_wait3A_418 = arith.constant 0 : i32
    %dma_wait3A_419 = tpu.memref_slice %arg4[%add3A_397, %dma_wait3A_418] : memref<16384x1024xf32, #tpu.memory_space<hbm>> -> memref<32x1024xf32, #tpu.memory_space<hbm>>
    %dma_wait3A_420 = arith.constant 0 : i32
    %dma_wait3A_421 = arith.constant 0 : i32
    %dma_wait3A_422 = tpu.memref_slice %arg10[%dma_wait3A_411, %dma_wait3A_420, %dma_wait3A_421] : memref<3x32x1024xf32, #tpu.memory_space<vmem>> -> memref<1x32x1024xf32, #tpu.memory_space<vmem>>
    %dma_wait3A_423 = tpu.memref_squeeze %dma_wait3A_422 : memref<1x32x1024xf32, #tpu.memory_space<vmem>> -> memref<32x1024xf32, #tpu.memory_space<vmem>>
    tpu.wait_dma2 semaphore(%arg12 : memref<!tpu.dma_semaphore, #tpu.memory_space<semaphore_mem>>) src(%dma_wait3A_423 : memref<32x1024xf32, #tpu.memory_space<vmem>>) dst(%dma_wait3A_419 : memref<32x1024xf32, #tpu.memory_space<hbm>>)
    %dma_start3A_424 = arith.constant 1 : i32
    %dma_start3A_425 = arith.constant 0 : i32
    %dma_start3A_426 = arith.constant 0 : i32
    %dma_start3A_427 = tpu.memref_slice %arg10[%dma_start3A_424, %dma_start3A_425, %dma_start3A_426] : memref<3x32x1024xf32, #tpu.memory_space<vmem>> -> memref<1x32x1024xf32, #tpu.memory_space<vmem>>
    %dma_start3A_428 = tpu.memref_squeeze %dma_start3A_427 : memref<1x32x1024xf32, #tpu.memory_space<vmem>> -> memref<32x1024xf32, #tpu.memory_space<vmem>>
    %dma_start3A_429 = arith.constant 128 : i32
    %dma_start3A_430 = tpu.memref_slice %arg6[%dma_start3A_429] : memref<512xi32, #tpu.memory_space<vmem>> -> memref<32xi32, #tpu.memory_space<vmem>>
    %dma_start3A_431 = arith.constant 0 : i32
    %dma_start3A_432 = arith.constant 0 : i32
    %dma_start3A_433 = tpu.memref_slice %arg3[%dma_start3A_431, %dma_start3A_432] : memref<8192x1024xf32, #tpu.memory_space<hbm>> -> memref<8192x1024xf32, #tpu.memory_space<hbm>>
    tpu.enqueue_indirect_dma source(%dma_start3A_433 : memref<8192x1024xf32, #tpu.memory_space<hbm>>) target(%dma_start3A_428 : memref<32x1024xf32, #tpu.memory_space<vmem>>) offsets(%dma_start3A_430 : memref<32xi32, #tpu.memory_space<vmem>>) semaphore(%arg11 : memref<!tpu.dma_semaphore, #tpu.memory_space<semaphore_mem>>)
    %dma_wait3A_434 = arith.constant 2 : i32
    %dma_wait3A_435 = arith.constant 0 : i32
    %dma_wait3A_436 = arith.constant 0 : i32
    %dma_wait3A_437 = tpu.memref_slice %arg10[%dma_wait3A_434, %dma_wait3A_435, %dma_wait3A_436] : memref<3x32x1024xf32, #tpu.memory_space<vmem>> -> memref<1x32x1024xf32, #tpu.memory_space<vmem>>
    %dma_wait3A_438 = tpu.memref_squeeze %dma_wait3A_437 : memref<1x32x1024xf32, #tpu.memory_space<vmem>> -> memref<32x1024xf32, #tpu.memory_space<vmem>>
    %dma_wait3A_439 = arith.constant 64 : i32
    %dma_wait3A_440 = tpu.memref_slice %arg6[%dma_wait3A_439] : memref<512xi32, #tpu.memory_space<vmem>> -> memref<32xi32, #tpu.memory_space<vmem>>
    %dma_wait3A_441 = arith.constant 0 : i32
    %dma_wait3A_442 = arith.constant 0 : i32
    %dma_wait3A_443 = tpu.memref_slice %arg3[%dma_wait3A_441, %dma_wait3A_442] : memref<8192x1024xf32, #tpu.memory_space<hbm>> -> memref<8192x1024xf32, #tpu.memory_space<hbm>>
    tpu.wait_indirect_dma semaphore(%arg11 : memref<!tpu.dma_semaphore, #tpu.memory_space<semaphore_mem>>) src(%dma_wait3A_443 : memref<8192x1024xf32, #tpu.memory_space<hbm>>) dst(%dma_wait3A_438 : memref<32x1024xf32, #tpu.memory_space<vmem>>)
    %add3A_444 = arith.constant 64 : i32
    %add3A_445 = arith.addi %add3A_309, %add3A_444 : i32
    %dma_start3A_446 = arith.constant 2 : i32
    %dma_start3A_447 = arith.constant 0 : i32
    %dma_start3A_448 = arith.constant 0 : i32
    %dma_start3A_449 = tpu.memref_slice %arg10[%dma_start3A_446, %dma_start3A_447, %dma_start3A_448] : memref<3x32x1024xf32, #tpu.memory_space<vmem>> -> memref<1x32x1024xf32, #tpu.memory_space<vmem>>
    %dma_start3A_450 = tpu.memref_squeeze %dma_start3A_449 : memref<1x32x1024xf32, #tpu.memory_space<vmem>> -> memref<32x1024xf32, #tpu.memory_space<vmem>>
    %dma_start3A_451 = arith.constant 0 : i32
    %dma_start3A_452 = tpu.memref_slice %arg4[%add3A_445, %dma_start3A_451] : memref<16384x1024xf32, #tpu.memory_space<hbm>> -> memref<32x1024xf32, #tpu.memory_space<hbm>>
    %dma_start3A_453 = arith.constant 0 : i32
    %dma_start3A_454 = tpu.memref_slice %arg4[%add3A_445, %dma_start3A_453] : memref<16384x1024xf32, #tpu.memory_space<hbm>> -> memref<32x1024xf32, #tpu.memory_space<hbm>>
    %dma_start3A_455 = arith.constant 0 : i32
    %dma_start3A_456 = arith.constant 0 : i32
    %dma_start3A_457 = tpu.memref_slice %arg10[%dma_start3A_446, %dma_start3A_455, %dma_start3A_456] : memref<3x32x1024xf32, #tpu.memory_space<vmem>> -> memref<1x32x1024xf32, #tpu.memory_space<vmem>>
    %dma_start3A_458 = tpu.memref_squeeze %dma_start3A_457 : memref<1x32x1024xf32, #tpu.memory_space<vmem>> -> memref<32x1024xf32, #tpu.memory_space<vmem>>
    tpu.enqueue_dma source(%dma_start3A_458 : memref<32x1024xf32, #tpu.memory_space<vmem>>) target(%dma_start3A_454 : memref<32x1024xf32, #tpu.memory_space<hbm>>) target_semaphore(%arg12 : memref<!tpu.dma_semaphore, #tpu.memory_space<semaphore_mem>>)
    %dma_wait3A_459 = arith.constant 2 : i32
    %dma_wait3A_460 = arith.constant 0 : i32
    %dma_wait3A_461 = arith.constant 0 : i32
    %dma_wait3A_462 = tpu.memref_slice %arg10[%dma_wait3A_459, %dma_wait3A_460, %dma_wait3A_461] : memref<3x32x1024xf32, #tpu.memory_space<vmem>> -> memref<1x32x1024xf32, #tpu.memory_space<vmem>>
    %dma_wait3A_463 = tpu.memref_squeeze %dma_wait3A_462 : memref<1x32x1024xf32, #tpu.memory_space<vmem>> -> memref<32x1024xf32, #tpu.memory_space<vmem>>
    %dma_wait3A_464 = arith.constant 0 : i32
    %dma_wait3A_465 = tpu.memref_slice %arg4[%add3A_445, %dma_wait3A_464] : memref<16384x1024xf32, #tpu.memory_space<hbm>> -> memref<32x1024xf32, #tpu.memory_space<hbm>>
    %dma_wait3A_466 = arith.constant 0 : i32
    %dma_wait3A_467 = tpu.memref_slice %arg4[%add3A_445, %dma_wait3A_466] : memref<16384x1024xf32, #tpu.memory_space<hbm>> -> memref<32x1024xf32, #tpu.memory_space<hbm>>
    %dma_wait3A_468 = arith.constant 0 : i32
    %dma_wait3A_469 = arith.constant 0 : i32
    %dma_wait3A_470 = tpu.memref_slice %arg10[%dma_wait3A_459, %dma_wait3A_468, %dma_wait3A_469] : memref<3x32x1024xf32, #tpu.memory_space<vmem>> -> memref<1x32x1024xf32, #tpu.memory_space<vmem>>
    %dma_wait3A_471 = tpu.memref_squeeze %dma_wait3A_470 : memref<1x32x1024xf32, #tpu.memory_space<vmem>> -> memref<32x1024xf32, #tpu.memory_space<vmem>>
    tpu.wait_dma2 semaphore(%arg12 : memref<!tpu.dma_semaphore, #tpu.memory_space<semaphore_mem>>) src(%dma_wait3A_471 : memref<32x1024xf32, #tpu.memory_space<vmem>>) dst(%dma_wait3A_467 : memref<32x1024xf32, #tpu.memory_space<hbm>>)
    %dma_start3A_472 = arith.constant 2 : i32
    %dma_start3A_473 = arith.constant 0 : i32
    %dma_start3A_474 = arith.constant 0 : i32
    %dma_start3A_475 = tpu.memref_slice %arg10[%dma_start3A_472, %dma_start3A_473, %dma_start3A_474] : memref<3x32x1024xf32, #tpu.memory_space<vmem>> -> memref<1x32x1024xf32, #tpu.memory_space<vmem>>
    %dma_start3A_476 = tpu.memref_squeeze %dma_start3A_475 : memref<1x32x1024xf32, #tpu.memory_space<vmem>> -> memref<32x1024xf32, #tpu.memory_space<vmem>>
    %dma_start3A_477 = arith.constant 160 : i32
    %dma_start3A_478 = tpu.memref_slice %arg6[%dma_start3A_477] : memref<512xi32, #tpu.memory_space<vmem>> -> memref<32xi32, #tpu.memory_space<vmem>>
    %dma_start3A_479 = arith.constant 0 : i32
    %dma_start3A_480 = arith.constant 0 : i32
    %dma_start3A_481 = tpu.memref_slice %arg3[%dma_start3A_479, %dma_start3A_480] : memref<8192x1024xf32, #tpu.memory_space<hbm>> -> memref<8192x1024xf32, #tpu.memory_space<hbm>>
    tpu.enqueue_indirect_dma source(%dma_start3A_481 : memref<8192x1024xf32, #tpu.memory_space<hbm>>) target(%dma_start3A_476 : memref<32x1024xf32, #tpu.memory_space<vmem>>) offsets(%dma_start3A_478 : memref<32xi32, #tpu.memory_space<vmem>>) semaphore(%arg11 : memref<!tpu.dma_semaphore, #tpu.memory_space<semaphore_mem>>)
    %dma_wait3A_482 = arith.constant 0 : i32
    %dma_wait3A_483 = arith.constant 0 : i32
    %dma_wait3A_484 = arith.constant 0 : i32
    %dma_wait3A_485 = tpu.memref_slice %arg10[%dma_wait3A_482, %dma_wait3A_483, %dma_wait3A_484] : memref<3x32x1024xf32, #tpu.memory_space<vmem>> -> memref<1x32x1024xf32, #tpu.memory_space<vmem>>
    %dma_wait3A_486 = tpu.memref_squeeze %dma_wait3A_485 : memref<1x32x1024xf32, #tpu.memory_space<vmem>> -> memref<32x1024xf32, #tpu.memory_space<vmem>>
    %dma_wait3A_487 = arith.constant 96 : i32
    %dma_wait3A_488 = tpu.memref_slice %arg6[%dma_wait3A_487] : memref<512xi32, #tpu.memory_space<vmem>> -> memref<32xi32, #tpu.memory_space<vmem>>
    %dma_wait3A_489 = arith.constant 0 : i32
    %dma_wait3A_490 = arith.constant 0 : i32
    %dma_wait3A_491 = tpu.memref_slice %arg3[%dma_wait3A_489, %dma_wait3A_490] : memref<8192x1024xf32, #tpu.memory_space<hbm>> -> memref<8192x1024xf32, #tpu.memory_space<hbm>>
    tpu.wait_indirect_dma semaphore(%arg11 : memref<!tpu.dma_semaphore, #tpu.memory_space<semaphore_mem>>) src(%dma_wait3A_491 : memref<8192x1024xf32, #tpu.memory_space<hbm>>) dst(%dma_wait3A_486 : memref<32x1024xf32, #tpu.memory_space<vmem>>)
    %add3A_492 = arith.constant 96 : i32
    %add3A_493 = arith.addi %add3A_309, %add3A_492 : i32
    %dma_start3A_494 = arith.constant 0 : i32
    %dma_start3A_495 = arith.constant 0 : i32
    %dma_start3A_496 = arith.constant 0 : i32
    %dma_start3A_497 = tpu.memref_slice %arg10[%dma_start3A_494, %dma_start3A_495, %dma_start3A_496] : memref<3x32x1024xf32, #tpu.memory_space<vmem>> -> memref<1x32x1024xf32, #tpu.memory_space<vmem>>
    %dma_start3A_498 = tpu.memref_squeeze %dma_start3A_497 : memref<1x32x1024xf32, #tpu.memory_space<vmem>> -> memref<32x1024xf32, #tpu.memory_space<vmem>>
    %dma_start3A_499 = arith.constant 0 : i32
    %dma_start3A_500 = tpu.memref_slice %arg4[%add3A_493, %dma_start3A_499] : memref<16384x1024xf32, #tpu.memory_space<hbm>> -> memref<32x1024xf32, #tpu.memory_space<hbm>>
    %dma_start3A_501 = arith.constant 0 : i32
    %dma_start3A_502 = tpu.memref_slice %arg4[%add3A_493, %dma_start3A_501] : memref<16384x1024xf32, #tpu.memory_space<hbm>> -> memref<32x1024xf32, #tpu.memory_space<hbm>>
    %dma_start3A_503 = arith.constant 0 : i32
    %dma_start3A_504 = arith.constant 0 : i32
    %dma_start3A_505 = tpu.memref_slice %arg10[%dma_start3A_494, %dma_start3A_503, %dma_start3A_504] : memref<3x32x1024xf32, #tpu.memory_space<vmem>> -> memref<1x32x1024xf32, #tpu.memory_space<vmem>>
    %dma_start3A_506 = tpu.memref_squeeze %dma_start3A_505 : memref<1x32x1024xf32, #tpu.memory_space<vmem>> -> memref<32x1024xf32, #tpu.memory_space<vmem>>
    tpu.enqueue_dma source(%dma_start3A_506 : memref<32x1024xf32, #tpu.memory_space<vmem>>) target(%dma_start3A_502 : memref<32x1024xf32, #tpu.memory_space<hbm>>) target_semaphore(%arg12 : memref<!tpu.dma_semaphore, #tpu.memory_space<semaphore_mem>>)
    %dma_wait3A_507 = arith.constant 0 : i32
    %dma_wait3A_508 = arith.constant 0 : i32
    %dma_wait3A_509 = arith.constant 0 : i32
    %dma_wait3A_510 = tpu.memref_slice %arg10[%dma_wait3A_507, %dma_wait3A_508, %dma_wait3A_509] : memref<3x32x1024xf32, #tpu.memory_space<vmem>> -> memref<1x32x1024xf32, #tpu.memory_space<vmem>>
    %dma_wait3A_511 = tpu.memref_squeeze %dma_wait3A_510 : memref<1x32x1024xf32, #tpu.memory_space<vmem>> -> memref<32x1024xf32, #tpu.memory_space<vmem>>
    %dma_wait3A_512 = arith.constant 0 : i32
    %dma_wait3A_513 = tpu.memref_slice %arg4[%add3A_493, %dma_wait3A_512] : memref<16384x1024xf32, #tpu.memory_space<hbm>> -> memref<32x1024xf32, #tpu.memory_space<hbm>>
    %dma_wait3A_514 = arith.constant 0 : i32
    %dma_wait3A_515 = tpu.memref_slice %arg4[%add3A_493, %dma_wait3A_514] : memref<16384x1024xf32, #tpu.memory_space<hbm>> -> memref<32x1024xf32, #tpu.memory_space<hbm>>
    %dma_wait3A_516 = arith.constant 0 : i32
    %dma_wait3A_517 = arith.constant 0 : i32
    %dma_wait3A_518 = tpu.memref_slice %arg10[%dma_wait3A_507, %dma_wait3A_516, %dma_wait3A_517] : memref<3x32x1024xf32, #tpu.memory_space<vmem>> -> memref<1x32x1024xf32, #tpu.memory_space<vmem>>
    %dma_wait3A_519 = tpu.memref_squeeze %dma_wait3A_518 : memref<1x32x1024xf32, #tpu.memory_space<vmem>> -> memref<32x1024xf32, #tpu.memory_space<vmem>>
    tpu.wait_dma2 semaphore(%arg12 : memref<!tpu.dma_semaphore, #tpu.memory_space<semaphore_mem>>) src(%dma_wait3A_519 : memref<32x1024xf32, #tpu.memory_space<vmem>>) dst(%dma_wait3A_515 : memref<32x1024xf32, #tpu.memory_space<hbm>>)
    %dma_start3A_520 = arith.constant 0 : i32
    %dma_start3A_521 = arith.constant 0 : i32
    %dma_start3A_522 = arith.constant 0 : i32
    %dma_start3A_523 = tpu.memref_slice %arg10[%dma_start3A_520, %dma_start3A_521, %dma_start3A_522] : memref<3x32x1024xf32, #tpu.memory_space<vmem>> -> memref<1x32x1024xf32, #tpu.memory_space<vmem>>
    %dma_start3A_524 = tpu.memref_squeeze %dma_start3A_523 : memref<1x32x1024xf32, #tpu.memory_space<vmem>> -> memref<32x1024xf32, #tpu.memory_space<vmem>>
    %dma_start3A_525 = arith.constant 192 : i32
    %dma_start3A_526 = tpu.memref_slice %arg6[%dma_start3A_525] : memref<512xi32, #tpu.memory_space<vmem>> -> memref<32xi32, #tpu.memory_space<vmem>>
    %dma_start3A_527 = arith.constant 0 : i32
    %dma_start3A_528 = arith.constant 0 : i32
    %dma_start3A_529 = tpu.memref_slice %arg3[%dma_start3A_527, %dma_start3A_528] : memref<8192x1024xf32, #tpu.memory_space<hbm>> -> memref<8192x1024xf32, #tpu.memory_space<hbm>>
    tpu.enqueue_indirect_dma source(%dma_start3A_529 : memref<8192x1024xf32, #tpu.memory_space<hbm>>) target(%dma_start3A_524 : memref<32x1024xf32, #tpu.memory_space<vmem>>) offsets(%dma_start3A_526 : memref<32xi32, #tpu.memory_space<vmem>>) semaphore(%arg11 : memref<!tpu.dma_semaphore, #tpu.memory_space<semaphore_mem>>)
    %dma_wait3A_530 = arith.constant 1 : i32
    %dma_wait3A_531 = arith.constant 0 : i32
    %dma_wait3A_532 = arith.constant 0 : i32
    %dma_wait3A_533 = tpu.memref_slice %arg10[%dma_wait3A_530, %dma_wait3A_531, %dma_wait3A_532] : memref<3x32x1024xf32, #tpu.memory_space<vmem>> -> memref<1x32x1024xf32, #tpu.memory_space<vmem>>
    %dma_wait3A_534 = tpu.memref_squeeze %dma_wait3A_533 : memref<1x32x1024xf32, #tpu.memory_space<vmem>> -> memref<32x1024xf32, #tpu.memory_space<vmem>>
    %dma_wait3A_535 = arith.constant 128 : i32
    %dma_wait3A_536 = tpu.memref_slice %arg6[%dma_wait3A_535] : memref<512xi32, #tpu.memory_space<vmem>> -> memref<32xi32, #tpu.memory_space<vmem>>
    %dma_wait3A_537 = arith.constant 0 : i32
    %dma_wait3A_538 = arith.constant 0 : i32
    %dma_wait3A_539 = tpu.memref_slice %arg3[%dma_wait3A_537, %dma_wait3A_538] : memref<8192x1024xf32, #tpu.memory_space<hbm>> -> memref<8192x1024xf32, #tpu.memory_space<hbm>>
    tpu.wait_indirect_dma semaphore(%arg11 : memref<!tpu.dma_semaphore, #tpu.memory_space<semaphore_mem>>) src(%dma_wait3A_539 : memref<8192x1024xf32, #tpu.memory_space<hbm>>) dst(%dma_wait3A_534 : memref<32x1024xf32, #tpu.memory_space<vmem>>)
    %add3A_540 = arith.constant 128 : i32
    %add3A_541 = arith.addi %add3A_309, %add3A_540 : i32
    %dma_start3A_542 = arith.constant 1 : i32
    %dma_start3A_543 = arith.constant 0 : i32
    %dma_start3A_544 = arith.constant 0 : i32
    %dma_start3A_545 = tpu.memref_slice %arg10[%dma_start3A_542, %dma_start3A_543, %dma_start3A_544] : memref<3x32x1024xf32, #tpu.memory_space<vmem>> -> memref<1x32x1024xf32, #tpu.memory_space<vmem>>
    %dma_start3A_546 = tpu.memref_squeeze %dma_start3A_545 : memref<1x32x1024xf32, #tpu.memory_space<vmem>> -> memref<32x1024xf32, #tpu.memory_space<vmem>>
    %dma_start3A_547 = arith.constant 0 : i32
    %dma_start3A_548 = tpu.memref_slice %arg4[%add3A_541, %dma_start3A_547] : memref<16384x1024xf32, #tpu.memory_space<hbm>> -> memref<32x1024xf32, #tpu.memory_space<hbm>>
    %dma_start3A_549 = arith.constant 0 : i32
    %dma_start3A_550 = tpu.memref_slice %arg4[%add3A_541, %dma_start3A_549] : memref<16384x1024xf32, #tpu.memory_space<hbm>> -> memref<32x1024xf32, #tpu.memory_space<hbm>>
    %dma_start3A_551 = arith.constant 0 : i32
    %dma_start3A_552 = arith.constant 0 : i32
    %dma_start3A_553 = tpu.memref_slice %arg10[%dma_start3A_542, %dma_start3A_551, %dma_start3A_552] : memref<3x32x1024xf32, #tpu.memory_space<vmem>> -> memref<1x32x1024xf32, #tpu.memory_space<vmem>>
    %dma_start3A_554 = tpu.memref_squeeze %dma_start3A_553 : memref<1x32x1024xf32, #tpu.memory_space<vmem>> -> memref<32x1024xf32, #tpu.memory_space<vmem>>
    tpu.enqueue_dma source(%dma_start3A_554 : memref<32x1024xf32, #tpu.memory_space<vmem>>) target(%dma_start3A_550 : memref<32x1024xf32, #tpu.memory_space<hbm>>) target_semaphore(%arg12 : memref<!tpu.dma_semaphore, #tpu.memory_space<semaphore_mem>>)
    %dma_wait3A_555 = arith.constant 1 : i32
    %dma_wait3A_556 = arith.constant 0 : i32
    %dma_wait3A_557 = arith.constant 0 : i32
    %dma_wait3A_558 = tpu.memref_slice %arg10[%dma_wait3A_555, %dma_wait3A_556, %dma_wait3A_557] : memref<3x32x1024xf32, #tpu.memory_space<vmem>> -> memref<1x32x1024xf32, #tpu.memory_space<vmem>>
    %dma_wait3A_559 = tpu.memref_squeeze %dma_wait3A_558 : memref<1x32x1024xf32, #tpu.memory_space<vmem>> -> memref<32x1024xf32, #tpu.memory_space<vmem>>
    %dma_wait3A_560 = arith.constant 0 : i32
    %dma_wait3A_561 = tpu.memref_slice %arg4[%add3A_541, %dma_wait3A_560] : memref<16384x1024xf32, #tpu.memory_space<hbm>> -> memref<32x1024xf32, #tpu.memory_space<hbm>>
    %dma_wait3A_562 = arith.constant 0 : i32
    %dma_wait3A_563 = tpu.memref_slice %arg4[%add3A_541, %dma_wait3A_562] : memref<16384x1024xf32, #tpu.memory_space<hbm>> -> memref<32x1024xf32, #tpu.memory_space<hbm>>
    %dma_wait3A_564 = arith.constant 0 : i32
    %dma_wait3A_565 = arith.constant 0 : i32
    %dma_wait3A_566 = tpu.memref_slice %arg10[%dma_wait3A_555, %dma_wait3A_564, %dma_wait3A_565] : memref<3x32x1024xf32, #tpu.memory_space<vmem>> -> memref<1x32x1024xf32, #tpu.memory_space<vmem>>
    %dma_wait3A_567 = tpu.memref_squeeze %dma_wait3A_566 : memref<1x32x1024xf32, #tpu.memory_space<vmem>> -> memref<32x1024xf32, #tpu.memory_space<vmem>>
    tpu.wait_dma2 semaphore(%arg12 : memref<!tpu.dma_semaphore, #tpu.memory_space<semaphore_mem>>) src(%dma_wait3A_567 : memref<32x1024xf32, #tpu.memory_space<vmem>>) dst(%dma_wait3A_563 : memref<32x1024xf32, #tpu.memory_space<hbm>>)
    %dma_start3A_568 = arith.constant 1 : i32
    %dma_start3A_569 = arith.constant 0 : i32
    %dma_start3A_570 = arith.constant 0 : i32
    %dma_start3A_571 = tpu.memref_slice %arg10[%dma_start3A_568, %dma_start3A_569, %dma_start3A_570] : memref<3x32x1024xf32, #tpu.memory_space<vmem>> -> memref<1x32x1024xf32, #tpu.memory_space<vmem>>
    %dma_start3A_572 = tpu.memref_squeeze %dma_start3A_571 : memref<1x32x1024xf32, #tpu.memory_space<vmem>> -> memref<32x1024xf32, #tpu.memory_space<vmem>>
    %dma_start3A_573 = arith.constant 224 : i32
    %dma_start3A_574 = tpu.memref_slice %arg6[%dma_start3A_573] : memref<512xi32, #tpu.memory_space<vmem>> -> memref<32xi32, #tpu.memory_space<vmem>>
    %dma_start3A_575 = arith.constant 0 : i32
    %dma_start3A_576 = arith.constant 0 : i32
    %dma_start3A_577 = tpu.memref_slice %arg3[%dma_start3A_575, %dma_start3A_576] : memref<8192x1024xf32, #tpu.memory_space<hbm>> -> memref<8192x1024xf32, #tpu.memory_space<hbm>>
    tpu.enqueue_indirect_dma source(%dma_start3A_577 : memref<8192x1024xf32, #tpu.memory_space<hbm>>) target(%dma_start3A_572 : memref<32x1024xf32, #tpu.memory_space<vmem>>) offsets(%dma_start3A_574 : memref<32xi32, #tpu.memory_space<vmem>>) semaphore(%arg11 : memref<!tpu.dma_semaphore, #tpu.memory_space<semaphore_mem>>)
    %dma_wait3A_578 = arith.constant 2 : i32
    %dma_wait3A_579 = arith.constant 0 : i32
    %dma_wait3A_580 = arith.constant 0 : i32
    %dma_wait3A_581 = tpu.memref_slice %arg10[%dma_wait3A_578, %dma_wait3A_579, %dma_wait3A_580] : memref<3x32x1024xf32, #tpu.memory_space<vmem>> -> memref<1x32x1024xf32, #tpu.memory_space<vmem>>
    %dma_wait3A_582 = tpu.memref_squeeze %dma_wait3A_581 : memref<1x32x1024xf32, #tpu.memory_space<vmem>> -> memref<32x1024xf32, #tpu.memory_space<vmem>>
    %dma_wait3A_583 = arith.constant 160 : i32
    %dma_wait3A_584 = tpu.memref_slice %arg6[%dma_wait3A_583] : memref<512xi32, #tpu.memory_space<vmem>> -> memref<32xi32, #tpu.memory_space<vmem>>
    %dma_wait3A_585 = arith.constant 0 : i32
    %dma_wait3A_586 = arith.constant 0 : i32
    %dma_wait3A_587 = tpu.memref_slice %arg3[%dma_wait3A_585, %dma_wait3A_586] : memref<8192x1024xf32, #tpu.memory_space<hbm>> -> memref<8192x1024xf32, #tpu.memory_space<hbm>>
    tpu.wait_indirect_dma semaphore(%arg11 : memref<!tpu.dma_semaphore, #tpu.memory_space<semaphore_mem>>) src(%dma_wait3A_587 : memref<8192x1024xf32, #tpu.memory_space<hbm>>) dst(%dma_wait3A_582 : memref<32x1024xf32, #tpu.memory_space<vmem>>)
    %add3A_588 = arith.constant 160 : i32
    %add3A_589 = arith.addi %add3A_309, %add3A_588 : i32
    %dma_start3A_590 = arith.constant 2 : i32
    %dma_start3A_591 = arith.constant 0 : i32
    %dma_start3A_592 = arith.constant 0 : i32
    %dma_start3A_593 = tpu.memref_slice %arg10[%dma_start3A_590, %dma_start3A_591, %dma_start3A_592] : memref<3x32x1024xf32, #tpu.memory_space<vmem>> -> memref<1x32x1024xf32, #tpu.memory_space<vmem>>
    %dma_start3A_594 = tpu.memref_squeeze %dma_start3A_593 : memref<1x32x1024xf32, #tpu.memory_space<vmem>> -> memref<32x1024xf32, #tpu.memory_space<vmem>>
    %dma_start3A_595 = arith.constant 0 : i32
    %dma_start3A_596 = tpu.memref_slice %arg4[%add3A_589, %dma_start3A_595] : memref<16384x1024xf32, #tpu.memory_space<hbm>> -> memref<32x1024xf32, #tpu.memory_space<hbm>>
    %dma_start3A_597 = arith.constant 0 : i32
    %dma_start3A_598 = tpu.memref_slice %arg4[%add3A_589, %dma_start3A_597] : memref<16384x1024xf32, #tpu.memory_space<hbm>> -> memref<32x1024xf32, #tpu.memory_space<hbm>>
    %dma_start3A_599 = arith.constant 0 : i32
    %dma_start3A_600 = arith.constant 0 : i32
    %dma_start3A_601 = tpu.memref_slice %arg10[%dma_start3A_590, %dma_start3A_599, %dma_start3A_600] : memref<3x32x1024xf32, #tpu.memory_space<vmem>> -> memref<1x32x1024xf32, #tpu.memory_space<vmem>>
    %dma_start3A_602 = tpu.memref_squeeze %dma_start3A_601 : memref<1x32x1024xf32, #tpu.memory_space<vmem>> -> memref<32x1024xf32, #tpu.memory_space<vmem>>
    tpu.enqueue_dma source(%dma_start3A_602 : memref<32x1024xf32, #tpu.memory_space<vmem>>) target(%dma_start3A_598 : memref<32x1024xf32, #tpu.memory_space<hbm>>) target_semaphore(%arg12 : memref<!tpu.dma_semaphore, #tpu.memory_space<semaphore_mem>>)
    %dma_wait3A_603 = arith.constant 2 : i32
    %dma_wait3A_604 = arith.constant 0 : i32
    %dma_wait3A_605 = arith.constant 0 : i32
    %dma_wait3A_606 = tpu.memref_slice %arg10[%dma_wait3A_603, %dma_wait3A_604, %dma_wait3A_605] : memref<3x32x1024xf32, #tpu.memory_space<vmem>> -> memref<1x32x1024xf32, #tpu.memory_space<vmem>>
    %dma_wait3A_607 = tpu.memref_squeeze %dma_wait3A_606 : memref<1x32x1024xf32, #tpu.memory_space<vmem>> -> memref<32x1024xf32, #tpu.memory_space<vmem>>
    %dma_wait3A_608 = arith.constant 0 : i32
    %dma_wait3A_609 = tpu.memref_slice %arg4[%add3A_589, %dma_wait3A_608] : memref<16384x1024xf32, #tpu.memory_space<hbm>> -> memref<32x1024xf32, #tpu.memory_space<hbm>>
    %dma_wait3A_610 = arith.constant 0 : i32
    %dma_wait3A_611 = tpu.memref_slice %arg4[%add3A_589, %dma_wait3A_610] : memref<16384x1024xf32, #tpu.memory_space<hbm>> -> memref<32x1024xf32, #tpu.memory_space<hbm>>
    %dma_wait3A_612 = arith.constant 0 : i32
    %dma_wait3A_613 = arith.constant 0 : i32
    %dma_wait3A_614 = tpu.memref_slice %arg10[%dma_wait3A_603, %dma_wait3A_612, %dma_wait3A_613] : memref<3x32x1024xf32, #tpu.memory_space<vmem>> -> memref<1x32x1024xf32, #tpu.memory_space<vmem>>
    %dma_wait3A_615 = tpu.memref_squeeze %dma_wait3A_614 : memref<1x32x1024xf32, #tpu.memory_space<vmem>> -> memref<32x1024xf32, #tpu.memory_space<vmem>>
    tpu.wait_dma2 semaphore(%arg12 : memref<!tpu.dma_semaphore, #tpu.memory_space<semaphore_mem>>) src(%dma_wait3A_615 : memref<32x1024xf32, #tpu.memory_space<vmem>>) dst(%dma_wait3A_611 : memref<32x1024xf32, #tpu.memory_space<hbm>>)
    %dma_start3A_616 = arith.constant 2 : i32
    %dma_start3A_617 = arith.constant 0 : i32
    %dma_start3A_618 = arith.constant 0 : i32
    %dma_start3A_619 = tpu.memref_slice %arg10[%dma_start3A_616, %dma_start3A_617, %dma_start3A_618] : memref<3x32x1024xf32, #tpu.memory_space<vmem>> -> memref<1x32x1024xf32, #tpu.memory_space<vmem>>
    %dma_start3A_620 = tpu.memref_squeeze %dma_start3A_619 : memref<1x32x1024xf32, #tpu.memory_space<vmem>> -> memref<32x1024xf32, #tpu.memory_space<vmem>>
    %dma_start3A_621 = arith.constant 256 : i32
    %dma_start3A_622 = tpu.memref_slice %arg6[%dma_start3A_621] : memref<512xi32, #tpu.memory_space<vmem>> -> memref<32xi32, #tpu.memory_space<vmem>>
    %dma_start3A_623 = arith.constant 0 : i32
    %dma_start3A_624 = arith.constant 0 : i32
    %dma_start3A_625 = tpu.memref_slice %arg3[%dma_start3A_623, %dma_start3A_624] : memref<8192x1024xf32, #tpu.memory_space<hbm>> -> memref<8192x1024xf32, #tpu.memory_space<hbm>>
    tpu.enqueue_indirect_dma source(%dma_start3A_625 : memref<8192x1024xf32, #tpu.memory_space<hbm>>) target(%dma_start3A_620 : memref<32x1024xf32, #tpu.memory_space<vmem>>) offsets(%dma_start3A_622 : memref<32xi32, #tpu.memory_space<vmem>>) semaphore(%arg11 : memref<!tpu.dma_semaphore, #tpu.memory_space<semaphore_mem>>)
    %dma_wait3A_626 = arith.constant 0 : i32
    %dma_wait3A_627 = arith.constant 0 : i32
    %dma_wait3A_628 = arith.constant 0 : i32
    %dma_wait3A_629 = tpu.memref_slice %arg10[%dma_wait3A_626, %dma_wait3A_627, %dma_wait3A_628] : memref<3x32x1024xf32, #tpu.memory_space<vmem>> -> memref<1x32x1024xf32, #tpu.memory_space<vmem>>
    %dma_wait3A_630 = tpu.memref_squeeze %dma_wait3A_629 : memref<1x32x1024xf32, #tpu.memory_space<vmem>> -> memref<32x1024xf32, #tpu.memory_space<vmem>>
    %dma_wait3A_631 = arith.constant 192 : i32
    %dma_wait3A_632 = tpu.memref_slice %arg6[%dma_wait3A_631] : memref<512xi32, #tpu.memory_space<vmem>> -> memref<32xi32, #tpu.memory_space<vmem>>
    %dma_wait3A_633 = arith.constant 0 : i32
    %dma_wait3A_634 = arith.constant 0 : i32
    %dma_wait3A_635 = tpu.memref_slice %arg3[%dma_wait3A_633, %dma_wait3A_634] : memref<8192x1024xf32, #tpu.memory_space<hbm>> -> memref<8192x1024xf32, #tpu.memory_space<hbm>>
    tpu.wait_indirect_dma semaphore(%arg11 : memref<!tpu.dma_semaphore, #tpu.memory_space<semaphore_mem>>) src(%dma_wait3A_635 : memref<8192x1024xf32, #tpu.memory_space<hbm>>) dst(%dma_wait3A_630 : memref<32x1024xf32, #tpu.memory_space<vmem>>)
    %add3A_636 = arith.constant 192 : i32
    %add3A_637 = arith.addi %add3A_309, %add3A_636 : i32
    %dma_start3A_638 = arith.constant 0 : i32
    %dma_start3A_639 = arith.constant 0 : i32
    %dma_start3A_640 = arith.constant 0 : i32
    %dma_start3A_641 = tpu.memref_slice %arg10[%dma_start3A_638, %dma_start3A_639, %dma_start3A_640] : memref<3x32x1024xf32, #tpu.memory_space<vmem>> -> memref<1x32x1024xf32, #tpu.memory_space<vmem>>
    %dma_start3A_642 = tpu.memref_squeeze %dma_start3A_641 : memref<1x32x1024xf32, #tpu.memory_space<vmem>> -> memref<32x1024xf32, #tpu.memory_space<vmem>>
    %dma_start3A_643 = arith.constant 0 : i32
    %dma_start3A_644 = tpu.memref_slice %arg4[%add3A_637, %dma_start3A_643] : memref<16384x1024xf32, #tpu.memory_space<hbm>> -> memref<32x1024xf32, #tpu.memory_space<hbm>>
    %dma_start3A_645 = arith.constant 0 : i32
    %dma_start3A_646 = tpu.memref_slice %arg4[%add3A_637, %dma_start3A_645] : memref<16384x1024xf32, #tpu.memory_space<hbm>> -> memref<32x1024xf32, #tpu.memory_space<hbm>>
    %dma_start3A_647 = arith.constant 0 : i32
    %dma_start3A_648 = arith.constant 0 : i32
    %dma_start3A_649 = tpu.memref_slice %arg10[%dma_start3A_638, %dma_start3A_647, %dma_start3A_648] : memref<3x32x1024xf32, #tpu.memory_space<vmem>> -> memref<1x32x1024xf32, #tpu.memory_space<vmem>>
    %dma_start3A_650 = tpu.memref_squeeze %dma_start3A_649 : memref<1x32x1024xf32, #tpu.memory_space<vmem>> -> memref<32x1024xf32, #tpu.memory_space<vmem>>
    tpu.enqueue_dma source(%dma_start3A_650 : memref<32x1024xf32, #tpu.memory_space<vmem>>) target(%dma_start3A_646 : memref<32x1024xf32, #tpu.memory_space<hbm>>) target_semaphore(%arg12 : memref<!tpu.dma_semaphore, #tpu.memory_space<semaphore_mem>>)
    %dma_wait3A_651 = arith.constant 0 : i32
    %dma_wait3A_652 = arith.constant 0 : i32
    %dma_wait3A_653 = arith.constant 0 : i32
    %dma_wait3A_654 = tpu.memref_slice %arg10[%dma_wait3A_651, %dma_wait3A_652, %dma_wait3A_653] : memref<3x32x1024xf32, #tpu.memory_space<vmem>> -> memref<1x32x1024xf32, #tpu.memory_space<vmem>>
    %dma_wait3A_655 = tpu.memref_squeeze %dma_wait3A_654 : memref<1x32x1024xf32, #tpu.memory_space<vmem>> -> memref<32x1024xf32, #tpu.memory_space<vmem>>
    %dma_wait3A_656 = arith.constant 0 : i32
    %dma_wait3A_657 = tpu.memref_slice %arg4[%add3A_637, %dma_wait3A_656] : memref<16384x1024xf32, #tpu.memory_space<hbm>> -> memref<32x1024xf32, #tpu.memory_space<hbm>>
    %dma_wait3A_658 = arith.constant 0 : i32
    %dma_wait3A_659 = tpu.memref_slice %arg4[%add3A_637, %dma_wait3A_658] : memref<16384x1024xf32, #tpu.memory_space<hbm>> -> memref<32x1024xf32, #tpu.memory_space<hbm>>
    %dma_wait3A_660 = arith.constant 0 : i32
    %dma_wait3A_661 = arith.constant 0 : i32
    %dma_wait3A_662 = tpu.memref_slice %arg10[%dma_wait3A_651, %dma_wait3A_660, %dma_wait3A_661] : memref<3x32x1024xf32, #tpu.memory_space<vmem>> -> memref<1x32x1024xf32, #tpu.memory_space<vmem>>
    %dma_wait3A_663 = tpu.memref_squeeze %dma_wait3A_662 : memref<1x32x1024xf32, #tpu.memory_space<vmem>> -> memref<32x1024xf32, #tpu.memory_space<vmem>>
    tpu.wait_dma2 semaphore(%arg12 : memref<!tpu.dma_semaphore, #tpu.memory_space<semaphore_mem>>) src(%dma_wait3A_663 : memref<32x1024xf32, #tpu.memory_space<vmem>>) dst(%dma_wait3A_659 : memref<32x1024xf32, #tpu.memory_space<hbm>>)
    %dma_start3A_664 = arith.constant 0 : i32
    %dma_start3A_665 = arith.constant 0 : i32
    %dma_start3A_666 = arith.constant 0 : i32
    %dma_start3A_667 = tpu.memref_slice %arg10[%dma_start3A_664, %dma_start3A_665, %dma_start3A_666] : memref<3x32x1024xf32, #tpu.memory_space<vmem>> -> memref<1x32x1024xf32, #tpu.memory_space<vmem>>
    %dma_start3A_668 = tpu.memref_squeeze %dma_start3A_667 : memref<1x32x1024xf32, #tpu.memory_space<vmem>> -> memref<32x1024xf32, #tpu.memory_space<vmem>>
    %dma_start3A_669 = arith.constant 288 : i32
    %dma_start3A_670 = tpu.memref_slice %arg6[%dma_start3A_669] : memref<512xi32, #tpu.memory_space<vmem>> -> memref<32xi32, #tpu.memory_space<vmem>>
    %dma_start3A_671 = arith.constant 0 : i32
    %dma_start3A_672 = arith.constant 0 : i32
    %dma_start3A_673 = tpu.memref_slice %arg3[%dma_start3A_671, %dma_start3A_672] : memref<8192x1024xf32, #tpu.memory_space<hbm>> -> memref<8192x1024xf32, #tpu.memory_space<hbm>>
    tpu.enqueue_indirect_dma source(%dma_start3A_673 : memref<8192x1024xf32, #tpu.memory_space<hbm>>) target(%dma_start3A_668 : memref<32x1024xf32, #tpu.memory_space<vmem>>) offsets(%dma_start3A_670 : memref<32xi32, #tpu.memory_space<vmem>>) semaphore(%arg11 : memref<!tpu.dma_semaphore, #tpu.memory_space<semaphore_mem>>)
    %dma_wait3A_674 = arith.constant 1 : i32
    %dma_wait3A_675 = arith.constant 0 : i32
    %dma_wait3A_676 = arith.constant 0 : i32
    %dma_wait3A_677 = tpu.memref_slice %arg10[%dma_wait3A_674, %dma_wait3A_675, %dma_wait3A_676] : memref<3x32x1024xf32, #tpu.memory_space<vmem>> -> memref<1x32x1024xf32, #tpu.memory_space<vmem>>
    %dma_wait3A_678 = tpu.memref_squeeze %dma_wait3A_677 : memref<1x32x1024xf32, #tpu.memory_space<vmem>> -> memref<32x1024xf32, #tpu.memory_space<vmem>>
    %dma_wait3A_679 = arith.constant 224 : i32
    %dma_wait3A_680 = tpu.memref_slice %arg6[%dma_wait3A_679] : memref<512xi32, #tpu.memory_space<vmem>> -> memref<32xi32, #tpu.memory_space<vmem>>
    %dma_wait3A_681 = arith.constant 0 : i32
    %dma_wait3A_682 = arith.constant 0 : i32
    %dma_wait3A_683 = tpu.memref_slice %arg3[%dma_wait3A_681, %dma_wait3A_682] : memref<8192x1024xf32, #tpu.memory_space<hbm>> -> memref<8192x1024xf32, #tpu.memory_space<hbm>>
    tpu.wait_indirect_dma semaphore(%arg11 : memref<!tpu.dma_semaphore, #tpu.memory_space<semaphore_mem>>) src(%dma_wait3A_683 : memref<8192x1024xf32, #tpu.memory_space<hbm>>) dst(%dma_wait3A_678 : memref<32x1024xf32, #tpu.memory_space<vmem>>)
    %add3A_684 = arith.constant 224 : i32
    %add3A_685 = arith.addi %add3A_309, %add3A_684 : i32
    %dma_start3A_686 = arith.constant 1 : i32
    %dma_start3A_687 = arith.constant 0 : i32
    %dma_start3A_688 = arith.constant 0 : i32
    %dma_start3A_689 = tpu.memref_slice %arg10[%dma_start3A_686, %dma_start3A_687, %dma_start3A_688] : memref<3x32x1024xf32, #tpu.memory_space<vmem>> -> memref<1x32x1024xf32, #tpu.memory_space<vmem>>
    %dma_start3A_690 = tpu.memref_squeeze %dma_start3A_689 : memref<1x32x1024xf32, #tpu.memory_space<vmem>> -> memref<32x1024xf32, #tpu.memory_space<vmem>>
    %dma_start3A_691 = arith.constant 0 : i32
    %dma_start3A_692 = tpu.memref_slice %arg4[%add3A_685, %dma_start3A_691] : memref<16384x1024xf32, #tpu.memory_space<hbm>> -> memref<32x1024xf32, #tpu.memory_space<hbm>>
    %dma_start3A_693 = arith.constant 0 : i32
    %dma_start3A_694 = tpu.memref_slice %arg4[%add3A_685, %dma_start3A_693] : memref<16384x1024xf32, #tpu.memory_space<hbm>> -> memref<32x1024xf32, #tpu.memory_space<hbm>>
    %dma_start3A_695 = arith.constant 0 : i32
    %dma_start3A_696 = arith.constant 0 : i32
    %dma_start3A_697 = tpu.memref_slice %arg10[%dma_start3A_686, %dma_start3A_695, %dma_start3A_696] : memref<3x32x1024xf32, #tpu.memory_space<vmem>> -> memref<1x32x1024xf32, #tpu.memory_space<vmem>>
    %dma_start3A_698 = tpu.memref_squeeze %dma_start3A_697 : memref<1x32x1024xf32, #tpu.memory_space<vmem>> -> memref<32x1024xf32, #tpu.memory_space<vmem>>
    tpu.enqueue_dma source(%dma_start3A_698 : memref<32x1024xf32, #tpu.memory_space<vmem>>) target(%dma_start3A_694 : memref<32x1024xf32, #tpu.memory_space<hbm>>) target_semaphore(%arg12 : memref<!tpu.dma_semaphore, #tpu.memory_space<semaphore_mem>>)
    %dma_wait3A_699 = arith.constant 1 : i32
    %dma_wait3A_700 = arith.constant 0 : i32
    %dma_wait3A_701 = arith.constant 0 : i32
    %dma_wait3A_702 = tpu.memref_slice %arg10[%dma_wait3A_699, %dma_wait3A_700, %dma_wait3A_701] : memref<3x32x1024xf32, #tpu.memory_space<vmem>> -> memref<1x32x1024xf32, #tpu.memory_space<vmem>>
    %dma_wait3A_703 = tpu.memref_squeeze %dma_wait3A_702 : memref<1x32x1024xf32, #tpu.memory_space<vmem>> -> memref<32x1024xf32, #tpu.memory_space<vmem>>
    %dma_wait3A_704 = arith.constant 0 : i32
    %dma_wait3A_705 = tpu.memref_slice %arg4[%add3A_685, %dma_wait3A_704] : memref<16384x1024xf32, #tpu.memory_space<hbm>> -> memref<32x1024xf32, #tpu.memory_space<hbm>>
    %dma_wait3A_706 = arith.constant 0 : i32
    %dma_wait3A_707 = tpu.memref_slice %arg4[%add3A_685, %dma_wait3A_706] : memref<16384x1024xf32, #tpu.memory_space<hbm>> -> memref<32x1024xf32, #tpu.memory_space<hbm>>
    %dma_wait3A_708 = arith.constant 0 : i32
    %dma_wait3A_709 = arith.constant 0 : i32
    %dma_wait3A_710 = tpu.memref_slice %arg10[%dma_wait3A_699, %dma_wait3A_708, %dma_wait3A_709] : memref<3x32x1024xf32, #tpu.memory_space<vmem>> -> memref<1x32x1024xf32, #tpu.memory_space<vmem>>
    %dma_wait3A_711 = tpu.memref_squeeze %dma_wait3A_710 : memref<1x32x1024xf32, #tpu.memory_space<vmem>> -> memref<32x1024xf32, #tpu.memory_space<vmem>>
    tpu.wait_dma2 semaphore(%arg12 : memref<!tpu.dma_semaphore, #tpu.memory_space<semaphore_mem>>) src(%dma_wait3A_711 : memref<32x1024xf32, #tpu.memory_space<vmem>>) dst(%dma_wait3A_707 : memref<32x1024xf32, #tpu.memory_space<hbm>>)
    %dma_start3A_712 = arith.constant 1 : i32
    %dma_start3A_713 = arith.constant 0 : i32
    %dma_start3A_714 = arith.constant 0 : i32
    %dma_start3A_715 = tpu.memref_slice %arg10[%dma_start3A_712, %dma_start3A_713, %dma_start3A_714] : memref<3x32x1024xf32, #tpu.memory_space<vmem>> -> memref<1x32x1024xf32, #tpu.memory_space<vmem>>
    %dma_start3A_716 = tpu.memref_squeeze %dma_start3A_715 : memref<1x32x1024xf32, #tpu.memory_space<vmem>> -> memref<32x1024xf32, #tpu.memory_space<vmem>>
    %dma_start3A_717 = arith.constant 320 : i32
    %dma_start3A_718 = tpu.memref_slice %arg6[%dma_start3A_717] : memref<512xi32, #tpu.memory_space<vmem>> -> memref<32xi32, #tpu.memory_space<vmem>>
    %dma_start3A_719 = arith.constant 0 : i32
    %dma_start3A_720 = arith.constant 0 : i32
    %dma_start3A_721 = tpu.memref_slice %arg3[%dma_start3A_719, %dma_start3A_720] : memref<8192x1024xf32, #tpu.memory_space<hbm>> -> memref<8192x1024xf32, #tpu.memory_space<hbm>>
    tpu.enqueue_indirect_dma source(%dma_start3A_721 : memref<8192x1024xf32, #tpu.memory_space<hbm>>) target(%dma_start3A_716 : memref<32x1024xf32, #tpu.memory_space<vmem>>) offsets(%dma_start3A_718 : memref<32xi32, #tpu.memory_space<vmem>>) semaphore(%arg11 : memref<!tpu.dma_semaphore, #tpu.memory_space<semaphore_mem>>)
    %dma_wait3A_722 = arith.constant 2 : i32
    %dma_wait3A_723 = arith.constant 0 : i32
    %dma_wait3A_724 = arith.constant 0 : i32
    %dma_wait3A_725 = tpu.memref_slice %arg10[%dma_wait3A_722, %dma_wait3A_723, %dma_wait3A_724] : memref<3x32x1024xf32, #tpu.memory_space<vmem>> -> memref<1x32x1024xf32, #tpu.memory_space<vmem>>
    %dma_wait3A_726 = tpu.memref_squeeze %dma_wait3A_725 : memref<1x32x1024xf32, #tpu.memory_space<vmem>> -> memref<32x1024xf32, #tpu.memory_space<vmem>>
    %dma_wait3A_727 = arith.constant 256 : i32
    %dma_wait3A_728 = tpu.memref_slice %arg6[%dma_wait3A_727] : memref<512xi32, #tpu.memory_space<vmem>> -> memref<32xi32, #tpu.memory_space<vmem>>
    %dma_wait3A_729 = arith.constant 0 : i32
    %dma_wait3A_730 = arith.constant 0 : i32
    %dma_wait3A_731 = tpu.memref_slice %arg3[%dma_wait3A_729, %dma_wait3A_730] : memref<8192x1024xf32, #tpu.memory_space<hbm>> -> memref<8192x1024xf32, #tpu.memory_space<hbm>>
    tpu.wait_indirect_dma semaphore(%arg11 : memref<!tpu.dma_semaphore, #tpu.memory_space<semaphore_mem>>) src(%dma_wait3A_731 : memref<8192x1024xf32, #tpu.memory_space<hbm>>) dst(%dma_wait3A_726 : memref<32x1024xf32, #tpu.memory_space<vmem>>)
    %add3A_732 = arith.constant 256 : i32
    %add3A_733 = arith.addi %add3A_309, %add3A_732 : i32
    %dma_start3A_734 = arith.constant 2 : i32
    %dma_start3A_735 = arith.constant 0 : i32
    %dma_start3A_736 = arith.constant 0 : i32
    %dma_start3A_737 = tpu.memref_slice %arg10[%dma_start3A_734, %dma_start3A_735, %dma_start3A_736] : memref<3x32x1024xf32, #tpu.memory_space<vmem>> -> memref<1x32x1024xf32, #tpu.memory_space<vmem>>
    %dma_start3A_738 = tpu.memref_squeeze %dma_start3A_737 : memref<1x32x1024xf32, #tpu.memory_space<vmem>> -> memref<32x1024xf32, #tpu.memory_space<vmem>>
    %dma_start3A_739 = arith.constant 0 : i32
    %dma_start3A_740 = tpu.memref_slice %arg4[%add3A_733, %dma_start3A_739] : memref<16384x1024xf32, #tpu.memory_space<hbm>> -> memref<32x1024xf32, #tpu.memory_space<hbm>>
    %dma_start3A_741 = arith.constant 0 : i32
    %dma_start3A_742 = tpu.memref_slice %arg4[%add3A_733, %dma_start3A_741] : memref<16384x1024xf32, #tpu.memory_space<hbm>> -> memref<32x1024xf32, #tpu.memory_space<hbm>>
    %dma_start3A_743 = arith.constant 0 : i32
    %dma_start3A_744 = arith.constant 0 : i32
    %dma_start3A_745 = tpu.memref_slice %arg10[%dma_start3A_734, %dma_start3A_743, %dma_start3A_744] : memref<3x32x1024xf32, #tpu.memory_space<vmem>> -> memref<1x32x1024xf32, #tpu.memory_space<vmem>>
    %dma_start3A_746 = tpu.memref_squeeze %dma_start3A_745 : memref<1x32x1024xf32, #tpu.memory_space<vmem>> -> memref<32x1024xf32, #tpu.memory_space<vmem>>
    tpu.enqueue_dma source(%dma_start3A_746 : memref<32x1024xf32, #tpu.memory_space<vmem>>) target(%dma_start3A_742 : memref<32x1024xf32, #tpu.memory_space<hbm>>) target_semaphore(%arg12 : memref<!tpu.dma_semaphore, #tpu.memory_space<semaphore_mem>>)
    %dma_wait3A_747 = arith.constant 2 : i32
    %dma_wait3A_748 = arith.constant 0 : i32
    %dma_wait3A_749 = arith.constant 0 : i32
    %dma_wait3A_750 = tpu.memref_slice %arg10[%dma_wait3A_747, %dma_wait3A_748, %dma_wait3A_749] : memref<3x32x1024xf32, #tpu.memory_space<vmem>> -> memref<1x32x1024xf32, #tpu.memory_space<vmem>>
    %dma_wait3A_751 = tpu.memref_squeeze %dma_wait3A_750 : memref<1x32x1024xf32, #tpu.memory_space<vmem>> -> memref<32x1024xf32, #tpu.memory_space<vmem>>
    %dma_wait3A_752 = arith.constant 0 : i32
    %dma_wait3A_753 = tpu.memref_slice %arg4[%add3A_733, %dma_wait3A_752] : memref<16384x1024xf32, #tpu.memory_space<hbm>> -> memref<32x1024xf32, #tpu.memory_space<hbm>>
    %dma_wait3A_754 = arith.constant 0 : i32
    %dma_wait3A_755 = tpu.memref_slice %arg4[%add3A_733, %dma_wait3A_754] : memref<16384x1024xf32, #tpu.memory_space<hbm>> -> memref<32x1024xf32, #tpu.memory_space<hbm>>
    %dma_wait3A_756 = arith.constant 0 : i32
    %dma_wait3A_757 = arith.constant 0 : i32
    %dma_wait3A_758 = tpu.memref_slice %arg10[%dma_wait3A_747, %dma_wait3A_756, %dma_wait3A_757] : memref<3x32x1024xf32, #tpu.memory_space<vmem>> -> memref<1x32x1024xf32, #tpu.memory_space<vmem>>
    %dma_wait3A_759 = tpu.memref_squeeze %dma_wait3A_758 : memref<1x32x1024xf32, #tpu.memory_space<vmem>> -> memref<32x1024xf32, #tpu.memory_space<vmem>>
    tpu.wait_dma2 semaphore(%arg12 : memref<!tpu.dma_semaphore, #tpu.memory_space<semaphore_mem>>) src(%dma_wait3A_759 : memref<32x1024xf32, #tpu.memory_space<vmem>>) dst(%dma_wait3A_755 : memref<32x1024xf32, #tpu.memory_space<hbm>>)
    %dma_start3A_760 = arith.constant 2 : i32
    %dma_start3A_761 = arith.constant 0 : i32
    %dma_start3A_762 = arith.constant 0 : i32
    %dma_start3A_763 = tpu.memref_slice %arg10[%dma_start3A_760, %dma_start3A_761, %dma_start3A_762] : memref<3x32x1024xf32, #tpu.memory_space<vmem>> -> memref<1x32x1024xf32, #tpu.memory_space<vmem>>
    %dma_start3A_764 = tpu.memref_squeeze %dma_start3A_763 : memref<1x32x1024xf32, #tpu.memory_space<vmem>> -> memref<32x1024xf32, #tpu.memory_space<vmem>>
    %dma_start3A_765 = arith.constant 352 : i32
    %dma_start3A_766 = tpu.memref_slice %arg6[%dma_start3A_765] : memref<512xi32, #tpu.memory_space<vmem>> -> memref<32xi32, #tpu.memory_space<vmem>>
    %dma_start3A_767 = arith.constant 0 : i32
    %dma_start3A_768 = arith.constant 0 : i32
    %dma_start3A_769 = tpu.memref_slice %arg3[%dma_start3A_767, %dma_start3A_768] : memref<8192x1024xf32, #tpu.memory_space<hbm>> -> memref<8192x1024xf32, #tpu.memory_space<hbm>>
    tpu.enqueue_indirect_dma source(%dma_start3A_769 : memref<8192x1024xf32, #tpu.memory_space<hbm>>) target(%dma_start3A_764 : memref<32x1024xf32, #tpu.memory_space<vmem>>) offsets(%dma_start3A_766 : memref<32xi32, #tpu.memory_space<vmem>>) semaphore(%arg11 : memref<!tpu.dma_semaphore, #tpu.memory_space<semaphore_mem>>)
    %dma_wait3A_770 = arith.constant 0 : i32
    %dma_wait3A_771 = arith.constant 0 : i32
    %dma_wait3A_772 = arith.constant 0 : i32
    %dma_wait3A_773 = tpu.memref_slice %arg10[%dma_wait3A_770, %dma_wait3A_771, %dma_wait3A_772] : memref<3x32x1024xf32, #tpu.memory_space<vmem>> -> memref<1x32x1024xf32, #tpu.memory_space<vmem>>
    %dma_wait3A_774 = tpu.memref_squeeze %dma_wait3A_773 : memref<1x32x1024xf32, #tpu.memory_space<vmem>> -> memref<32x1024xf32, #tpu.memory_space<vmem>>
    %dma_wait3A_775 = arith.constant 288 : i32
    %dma_wait3A_776 = tpu.memref_slice %arg6[%dma_wait3A_775] : memref<512xi32, #tpu.memory_space<vmem>> -> memref<32xi32, #tpu.memory_space<vmem>>
    %dma_wait3A_777 = arith.constant 0 : i32
    %dma_wait3A_778 = arith.constant 0 : i32
    %dma_wait3A_779 = tpu.memref_slice %arg3[%dma_wait3A_777, %dma_wait3A_778] : memref<8192x1024xf32, #tpu.memory_space<hbm>> -> memref<8192x1024xf32, #tpu.memory_space<hbm>>
    tpu.wait_indirect_dma semaphore(%arg11 : memref<!tpu.dma_semaphore, #tpu.memory_space<semaphore_mem>>) src(%dma_wait3A_779 : memref<8192x1024xf32, #tpu.memory_space<hbm>>) dst(%dma_wait3A_774 : memref<32x1024xf32, #tpu.memory_space<vmem>>)
    %add3A_780 = arith.constant 288 : i32
    %add3A_781 = arith.addi %add3A_309, %add3A_780 : i32
    %dma_start3A_782 = arith.constant 0 : i32
    %dma_start3A_783 = arith.constant 0 : i32
    %dma_start3A_784 = arith.constant 0 : i32
    %dma_start3A_785 = tpu.memref_slice %arg10[%dma_start3A_782, %dma_start3A_783, %dma_start3A_784] : memref<3x32x1024xf32, #tpu.memory_space<vmem>> -> memref<1x32x1024xf32, #tpu.memory_space<vmem>>
    %dma_start3A_786 = tpu.memref_squeeze %dma_start3A_785 : memref<1x32x1024xf32, #tpu.memory_space<vmem>> -> memref<32x1024xf32, #tpu.memory_space<vmem>>
    %dma_start3A_787 = arith.constant 0 : i32
    %dma_start3A_788 = tpu.memref_slice %arg4[%add3A_781, %dma_start3A_787] : memref<16384x1024xf32, #tpu.memory_space<hbm>> -> memref<32x1024xf32, #tpu.memory_space<hbm>>
    %dma_start3A_789 = arith.constant 0 : i32
    %dma_start3A_790 = tpu.memref_slice %arg4[%add3A_781, %dma_start3A_789] : memref<16384x1024xf32, #tpu.memory_space<hbm>> -> memref<32x1024xf32, #tpu.memory_space<hbm>>
    %dma_start3A_791 = arith.constant 0 : i32
    %dma_start3A_792 = arith.constant 0 : i32
    %dma_start3A_793 = tpu.memref_slice %arg10[%dma_start3A_782, %dma_start3A_791, %dma_start3A_792] : memref<3x32x1024xf32, #tpu.memory_space<vmem>> -> memref<1x32x1024xf32, #tpu.memory_space<vmem>>
    %dma_start3A_794 = tpu.memref_squeeze %dma_start3A_793 : memref<1x32x1024xf32, #tpu.memory_space<vmem>> -> memref<32x1024xf32, #tpu.memory_space<vmem>>
    tpu.enqueue_dma source(%dma_start3A_794 : memref<32x1024xf32, #tpu.memory_space<vmem>>) target(%dma_start3A_790 : memref<32x1024xf32, #tpu.memory_space<hbm>>) target_semaphore(%arg12 : memref<!tpu.dma_semaphore, #tpu.memory_space<semaphore_mem>>)
    %dma_wait3A_795 = arith.constant 0 : i32
    %dma_wait3A_796 = arith.constant 0 : i32
    %dma_wait3A_797 = arith.constant 0 : i32
    %dma_wait3A_798 = tpu.memref_slice %arg10[%dma_wait3A_795, %dma_wait3A_796, %dma_wait3A_797] : memref<3x32x1024xf32, #tpu.memory_space<vmem>> -> memref<1x32x1024xf32, #tpu.memory_space<vmem>>
    %dma_wait3A_799 = tpu.memref_squeeze %dma_wait3A_798 : memref<1x32x1024xf32, #tpu.memory_space<vmem>> -> memref<32x1024xf32, #tpu.memory_space<vmem>>
    %dma_wait3A_800 = arith.constant 0 : i32
    %dma_wait3A_801 = tpu.memref_slice %arg4[%add3A_781, %dma_wait3A_800] : memref<16384x1024xf32, #tpu.memory_space<hbm>> -> memref<32x1024xf32, #tpu.memory_space<hbm>>
    %dma_wait3A_802 = arith.constant 0 : i32
    %dma_wait3A_803 = tpu.memref_slice %arg4[%add3A_781, %dma_wait3A_802] : memref<16384x1024xf32, #tpu.memory_space<hbm>> -> memref<32x1024xf32, #tpu.memory_space<hbm>>
    %dma_wait3A_804 = arith.constant 0 : i32
    %dma_wait3A_805 = arith.constant 0 : i32
    %dma_wait3A_806 = tpu.memref_slice %arg10[%dma_wait3A_795, %dma_wait3A_804, %dma_wait3A_805] : memref<3x32x1024xf32, #tpu.memory_space<vmem>> -> memref<1x32x1024xf32, #tpu.memory_space<vmem>>
    %dma_wait3A_807 = tpu.memref_squeeze %dma_wait3A_806 : memref<1x32x1024xf32, #tpu.memory_space<vmem>> -> memref<32x1024xf32, #tpu.memory_space<vmem>>
    tpu.wait_dma2 semaphore(%arg12 : memref<!tpu.dma_semaphore, #tpu.memory_space<semaphore_mem>>) src(%dma_wait3A_807 : memref<32x1024xf32, #tpu.memory_space<vmem>>) dst(%dma_wait3A_803 : memref<32x1024xf32, #tpu.memory_space<hbm>>)
    %dma_start3A_808 = arith.constant 0 : i32
    %dma_start3A_809 = arith.constant 0 : i32
    %dma_start3A_810 = arith.constant 0 : i32
    %dma_start3A_811 = tpu.memref_slice %arg10[%dma_start3A_808, %dma_start3A_809, %dma_start3A_810] : memref<3x32x1024xf32, #tpu.memory_space<vmem>> -> memref<1x32x1024xf32, #tpu.memory_space<vmem>>
    %dma_start3A_812 = tpu.memref_squeeze %dma_start3A_811 : memref<1x32x1024xf32, #tpu.memory_space<vmem>> -> memref<32x1024xf32, #tpu.memory_space<vmem>>
    %dma_start3A_813 = arith.constant 384 : i32
    %dma_start3A_814 = tpu.memref_slice %arg6[%dma_start3A_813] : memref<512xi32, #tpu.memory_space<vmem>> -> memref<32xi32, #tpu.memory_space<vmem>>
    %dma_start3A_815 = arith.constant 0 : i32
    %dma_start3A_816 = arith.constant 0 : i32
    %dma_start3A_817 = tpu.memref_slice %arg3[%dma_start3A_815, %dma_start3A_816] : memref<8192x1024xf32, #tpu.memory_space<hbm>> -> memref<8192x1024xf32, #tpu.memory_space<hbm>>
    tpu.enqueue_indirect_dma source(%dma_start3A_817 : memref<8192x1024xf32, #tpu.memory_space<hbm>>) target(%dma_start3A_812 : memref<32x1024xf32, #tpu.memory_space<vmem>>) offsets(%dma_start3A_814 : memref<32xi32, #tpu.memory_space<vmem>>) semaphore(%arg11 : memref<!tpu.dma_semaphore, #tpu.memory_space<semaphore_mem>>)
    %dma_wait3A_818 = arith.constant 1 : i32
    %dma_wait3A_819 = arith.constant 0 : i32
    %dma_wait3A_820 = arith.constant 0 : i32
    %dma_wait3A_821 = tpu.memref_slice %arg10[%dma_wait3A_818, %dma_wait3A_819, %dma_wait3A_820] : memref<3x32x1024xf32, #tpu.memory_space<vmem>> -> memref<1x32x1024xf32, #tpu.memory_space<vmem>>
    %dma_wait3A_822 = tpu.memref_squeeze %dma_wait3A_821 : memref<1x32x1024xf32, #tpu.memory_space<vmem>> -> memref<32x1024xf32, #tpu.memory_space<vmem>>
    %dma_wait3A_823 = arith.constant 320 : i32
    %dma_wait3A_824 = tpu.memref_slice %arg6[%dma_wait3A_823] : memref<512xi32, #tpu.memory_space<vmem>> -> memref<32xi32, #tpu.memory_space<vmem>>
    %dma_wait3A_825 = arith.constant 0 : i32
    %dma_wait3A_826 = arith.constant 0 : i32
    %dma_wait3A_827 = tpu.memref_slice %arg3[%dma_wait3A_825, %dma_wait3A_826] : memref<8192x1024xf32, #tpu.memory_space<hbm>> -> memref<8192x1024xf32, #tpu.memory_space<hbm>>
    tpu.wait_indirect_dma semaphore(%arg11 : memref<!tpu.dma_semaphore, #tpu.memory_space<semaphore_mem>>) src(%dma_wait3A_827 : memref<8192x1024xf32, #tpu.memory_space<hbm>>) dst(%dma_wait3A_822 : memref<32x1024xf32, #tpu.memory_space<vmem>>)
    %add3A_828 = arith.constant 320 : i32
    %add3A_829 = arith.addi %add3A_309, %add3A_828 : i32
    %dma_start3A_830 = arith.constant 1 : i32
    %dma_start3A_831 = arith.constant 0 : i32
    %dma_start3A_832 = arith.constant 0 : i32
    %dma_start3A_833 = tpu.memref_slice %arg10[%dma_start3A_830, %dma_start3A_831, %dma_start3A_832] : memref<3x32x1024xf32, #tpu.memory_space<vmem>> -> memref<1x32x1024xf32, #tpu.memory_space<vmem>>
    %dma_start3A_834 = tpu.memref_squeeze %dma_start3A_833 : memref<1x32x1024xf32, #tpu.memory_space<vmem>> -> memref<32x1024xf32, #tpu.memory_space<vmem>>
    %dma_start3A_835 = arith.constant 0 : i32
    %dma_start3A_836 = tpu.memref_slice %arg4[%add3A_829, %dma_start3A_835] : memref<16384x1024xf32, #tpu.memory_space<hbm>> -> memref<32x1024xf32, #tpu.memory_space<hbm>>
    %dma_start3A_837 = arith.constant 0 : i32
    %dma_start3A_838 = tpu.memref_slice %arg4[%add3A_829, %dma_start3A_837] : memref<16384x1024xf32, #tpu.memory_space<hbm>> -> memref<32x1024xf32, #tpu.memory_space<hbm>>
    %dma_start3A_839 = arith.constant 0 : i32
    %dma_start3A_840 = arith.constant 0 : i32
    %dma_start3A_841 = tpu.memref_slice %arg10[%dma_start3A_830, %dma_start3A_839, %dma_start3A_840] : memref<3x32x1024xf32, #tpu.memory_space<vmem>> -> memref<1x32x1024xf32, #tpu.memory_space<vmem>>
    %dma_start3A_842 = tpu.memref_squeeze %dma_start3A_841 : memref<1x32x1024xf32, #tpu.memory_space<vmem>> -> memref<32x1024xf32, #tpu.memory_space<vmem>>
    tpu.enqueue_dma source(%dma_start3A_842 : memref<32x1024xf32, #tpu.memory_space<vmem>>) target(%dma_start3A_838 : memref<32x1024xf32, #tpu.memory_space<hbm>>) target_semaphore(%arg12 : memref<!tpu.dma_semaphore, #tpu.memory_space<semaphore_mem>>)
    %dma_wait3A_843 = arith.constant 1 : i32
    %dma_wait3A_844 = arith.constant 0 : i32
    %dma_wait3A_845 = arith.constant 0 : i32
    %dma_wait3A_846 = tpu.memref_slice %arg10[%dma_wait3A_843, %dma_wait3A_844, %dma_wait3A_845] : memref<3x32x1024xf32, #tpu.memory_space<vmem>> -> memref<1x32x1024xf32, #tpu.memory_space<vmem>>
    %dma_wait3A_847 = tpu.memref_squeeze %dma_wait3A_846 : memref<1x32x1024xf32, #tpu.memory_space<vmem>> -> memref<32x1024xf32, #tpu.memory_space<vmem>>
    %dma_wait3A_848 = arith.constant 0 : i32
    %dma_wait3A_849 = tpu.memref_slice %arg4[%add3A_829, %dma_wait3A_848] : memref<16384x1024xf32, #tpu.memory_space<hbm>> -> memref<32x1024xf32, #tpu.memory_space<hbm>>
    %dma_wait3A_850 = arith.constant 0 : i32
    %dma_wait3A_851 = tpu.memref_slice %arg4[%add3A_829, %dma_wait3A_850] : memref<16384x1024xf32, #tpu.memory_space<hbm>> -> memref<32x1024xf32, #tpu.memory_space<hbm>>
    %dma_wait3A_852 = arith.constant 0 : i32
    %dma_wait3A_853 = arith.constant 0 : i32
    %dma_wait3A_854 = tpu.memref_slice %arg10[%dma_wait3A_843, %dma_wait3A_852, %dma_wait3A_853] : memref<3x32x1024xf32, #tpu.memory_space<vmem>> -> memref<1x32x1024xf32, #tpu.memory_space<vmem>>
    %dma_wait3A_855 = tpu.memref_squeeze %dma_wait3A_854 : memref<1x32x1024xf32, #tpu.memory_space<vmem>> -> memref<32x1024xf32, #tpu.memory_space<vmem>>
    tpu.wait_dma2 semaphore(%arg12 : memref<!tpu.dma_semaphore, #tpu.memory_space<semaphore_mem>>) src(%dma_wait3A_855 : memref<32x1024xf32, #tpu.memory_space<vmem>>) dst(%dma_wait3A_851 : memref<32x1024xf32, #tpu.memory_space<hbm>>)
    %dma_start3A_856 = arith.constant 1 : i32
    %dma_start3A_857 = arith.constant 0 : i32
    %dma_start3A_858 = arith.constant 0 : i32
    %dma_start3A_859 = tpu.memref_slice %arg10[%dma_start3A_856, %dma_start3A_857, %dma_start3A_858] : memref<3x32x1024xf32, #tpu.memory_space<vmem>> -> memref<1x32x1024xf32, #tpu.memory_space<vmem>>
    %dma_start3A_860 = tpu.memref_squeeze %dma_start3A_859 : memref<1x32x1024xf32, #tpu.memory_space<vmem>> -> memref<32x1024xf32, #tpu.memory_space<vmem>>
    %dma_start3A_861 = arith.constant 416 : i32
    %dma_start3A_862 = tpu.memref_slice %arg6[%dma_start3A_861] : memref<512xi32, #tpu.memory_space<vmem>> -> memref<32xi32, #tpu.memory_space<vmem>>
    %dma_start3A_863 = arith.constant 0 : i32
    %dma_start3A_864 = arith.constant 0 : i32
    %dma_start3A_865 = tpu.memref_slice %arg3[%dma_start3A_863, %dma_start3A_864] : memref<8192x1024xf32, #tpu.memory_space<hbm>> -> memref<8192x1024xf32, #tpu.memory_space<hbm>>
    tpu.enqueue_indirect_dma source(%dma_start3A_865 : memref<8192x1024xf32, #tpu.memory_space<hbm>>) target(%dma_start3A_860 : memref<32x1024xf32, #tpu.memory_space<vmem>>) offsets(%dma_start3A_862 : memref<32xi32, #tpu.memory_space<vmem>>) semaphore(%arg11 : memref<!tpu.dma_semaphore, #tpu.memory_space<semaphore_mem>>)
    %dma_wait3A_866 = arith.constant 2 : i32
    %dma_wait3A_867 = arith.constant 0 : i32
    %dma_wait3A_868 = arith.constant 0 : i32
    %dma_wait3A_869 = tpu.memref_slice %arg10[%dma_wait3A_866, %dma_wait3A_867, %dma_wait3A_868] : memref<3x32x1024xf32, #tpu.memory_space<vmem>> -> memref<1x32x1024xf32, #tpu.memory_space<vmem>>
    %dma_wait3A_870 = tpu.memref_squeeze %dma_wait3A_869 : memref<1x32x1024xf32, #tpu.memory_space<vmem>> -> memref<32x1024xf32, #tpu.memory_space<vmem>>
    %dma_wait3A_871 = arith.constant 352 : i32
    %dma_wait3A_872 = tpu.memref_slice %arg6[%dma_wait3A_871] : memref<512xi32, #tpu.memory_space<vmem>> -> memref<32xi32, #tpu.memory_space<vmem>>
    %dma_wait3A_873 = arith.constant 0 : i32
    %dma_wait3A_874 = arith.constant 0 : i32
    %dma_wait3A_875 = tpu.memref_slice %arg3[%dma_wait3A_873, %dma_wait3A_874] : memref<8192x1024xf32, #tpu.memory_space<hbm>> -> memref<8192x1024xf32, #tpu.memory_space<hbm>>
    tpu.wait_indirect_dma semaphore(%arg11 : memref<!tpu.dma_semaphore, #tpu.memory_space<semaphore_mem>>) src(%dma_wait3A_875 : memref<8192x1024xf32, #tpu.memory_space<hbm>>) dst(%dma_wait3A_870 : memref<32x1024xf32, #tpu.memory_space<vmem>>)
    %add3A_876 = arith.constant 352 : i32
    %add3A_877 = arith.addi %add3A_309, %add3A_876 : i32
    %dma_start3A_878 = arith.constant 2 : i32
    %dma_start3A_879 = arith.constant 0 : i32
    %dma_start3A_880 = arith.constant 0 : i32
    %dma_start3A_881 = tpu.memref_slice %arg10[%dma_start3A_878, %dma_start3A_879, %dma_start3A_880] : memref<3x32x1024xf32, #tpu.memory_space<vmem>> -> memref<1x32x1024xf32, #tpu.memory_space<vmem>>
    %dma_start3A_882 = tpu.memref_squeeze %dma_start3A_881 : memref<1x32x1024xf32, #tpu.memory_space<vmem>> -> memref<32x1024xf32, #tpu.memory_space<vmem>>
    %dma_start3A_883 = arith.constant 0 : i32
    %dma_start3A_884 = tpu.memref_slice %arg4[%add3A_877, %dma_start3A_883] : memref<16384x1024xf32, #tpu.memory_space<hbm>> -> memref<32x1024xf32, #tpu.memory_space<hbm>>
    %dma_start3A_885 = arith.constant 0 : i32
    %dma_start3A_886 = tpu.memref_slice %arg4[%add3A_877, %dma_start3A_885] : memref<16384x1024xf32, #tpu.memory_space<hbm>> -> memref<32x1024xf32, #tpu.memory_space<hbm>>
    %dma_start3A_887 = arith.constant 0 : i32
    %dma_start3A_888 = arith.constant 0 : i32
    %dma_start3A_889 = tpu.memref_slice %arg10[%dma_start3A_878, %dma_start3A_887, %dma_start3A_888] : memref<3x32x1024xf32, #tpu.memory_space<vmem>> -> memref<1x32x1024xf32, #tpu.memory_space<vmem>>
    %dma_start3A_890 = tpu.memref_squeeze %dma_start3A_889 : memref<1x32x1024xf32, #tpu.memory_space<vmem>> -> memref<32x1024xf32, #tpu.memory_space<vmem>>
    tpu.enqueue_dma source(%dma_start3A_890 : memref<32x1024xf32, #tpu.memory_space<vmem>>) target(%dma_start3A_886 : memref<32x1024xf32, #tpu.memory_space<hbm>>) target_semaphore(%arg12 : memref<!tpu.dma_semaphore, #tpu.memory_space<semaphore_mem>>)
    %dma_wait3A_891 = arith.constant 2 : i32
    %dma_wait3A_892 = arith.constant 0 : i32
    %dma_wait3A_893 = arith.constant 0 : i32
    %dma_wait3A_894 = tpu.memref_slice %arg10[%dma_wait3A_891, %dma_wait3A_892, %dma_wait3A_893] : memref<3x32x1024xf32, #tpu.memory_space<vmem>> -> memref<1x32x1024xf32, #tpu.memory_space<vmem>>
    %dma_wait3A_895 = tpu.memref_squeeze %dma_wait3A_894 : memref<1x32x1024xf32, #tpu.memory_space<vmem>> -> memref<32x1024xf32, #tpu.memory_space<vmem>>
    %dma_wait3A_896 = arith.constant 0 : i32
    %dma_wait3A_897 = tpu.memref_slice %arg4[%add3A_877, %dma_wait3A_896] : memref<16384x1024xf32, #tpu.memory_space<hbm>> -> memref<32x1024xf32, #tpu.memory_space<hbm>>
    %dma_wait3A_898 = arith.constant 0 : i32
    %dma_wait3A_899 = tpu.memref_slice %arg4[%add3A_877, %dma_wait3A_898] : memref<16384x1024xf32, #tpu.memory_space<hbm>> -> memref<32x1024xf32, #tpu.memory_space<hbm>>
    %dma_wait3A_900 = arith.constant 0 : i32
    %dma_wait3A_901 = arith.constant 0 : i32
    %dma_wait3A_902 = tpu.memref_slice %arg10[%dma_wait3A_891, %dma_wait3A_900, %dma_wait3A_901] : memref<3x32x1024xf32, #tpu.memory_space<vmem>> -> memref<1x32x1024xf32, #tpu.memory_space<vmem>>
    %dma_wait3A_903 = tpu.memref_squeeze %dma_wait3A_902 : memref<1x32x1024xf32, #tpu.memory_space<vmem>> -> memref<32x1024xf32, #tpu.memory_space<vmem>>
    tpu.wait_dma2 semaphore(%arg12 : memref<!tpu.dma_semaphore, #tpu.memory_space<semaphore_mem>>) src(%dma_wait3A_903 : memref<32x1024xf32, #tpu.memory_space<vmem>>) dst(%dma_wait3A_899 : memref<32x1024xf32, #tpu.memory_space<hbm>>)
    %dma_start3A_904 = arith.constant 2 : i32
    %dma_start3A_905 = arith.constant 0 : i32
    %dma_start3A_906 = arith.constant 0 : i32
    %dma_start3A_907 = tpu.memref_slice %arg10[%dma_start3A_904, %dma_start3A_905, %dma_start3A_906] : memref<3x32x1024xf32, #tpu.memory_space<vmem>> -> memref<1x32x1024xf32, #tpu.memory_space<vmem>>
    %dma_start3A_908 = tpu.memref_squeeze %dma_start3A_907 : memref<1x32x1024xf32, #tpu.memory_space<vmem>> -> memref<32x1024xf32, #tpu.memory_space<vmem>>
    %dma_start3A_909 = arith.constant 448 : i32
    %dma_start3A_910 = tpu.memref_slice %arg6[%dma_start3A_909] : memref<512xi32, #tpu.memory_space<vmem>> -> memref<32xi32, #tpu.memory_space<vmem>>
    %dma_start3A_911 = arith.constant 0 : i32
    %dma_start3A_912 = arith.constant 0 : i32
    %dma_start3A_913 = tpu.memref_slice %arg3[%dma_start3A_911, %dma_start3A_912] : memref<8192x1024xf32, #tpu.memory_space<hbm>> -> memref<8192x1024xf32, #tpu.memory_space<hbm>>
    tpu.enqueue_indirect_dma source(%dma_start3A_913 : memref<8192x1024xf32, #tpu.memory_space<hbm>>) target(%dma_start3A_908 : memref<32x1024xf32, #tpu.memory_space<vmem>>) offsets(%dma_start3A_910 : memref<32xi32, #tpu.memory_space<vmem>>) semaphore(%arg11 : memref<!tpu.dma_semaphore, #tpu.memory_space<semaphore_mem>>)
    %dma_wait3A_914 = arith.constant 0 : i32
    %dma_wait3A_915 = arith.constant 0 : i32
    %dma_wait3A_916 = arith.constant 0 : i32
    %dma_wait3A_917 = tpu.memref_slice %arg10[%dma_wait3A_914, %dma_wait3A_915, %dma_wait3A_916] : memref<3x32x1024xf32, #tpu.memory_space<vmem>> -> memref<1x32x1024xf32, #tpu.memory_space<vmem>>
    %dma_wait3A_918 = tpu.memref_squeeze %dma_wait3A_917 : memref<1x32x1024xf32, #tpu.memory_space<vmem>> -> memref<32x1024xf32, #tpu.memory_space<vmem>>
    %dma_wait3A_919 = arith.constant 384 : i32
    %dma_wait3A_920 = tpu.memref_slice %arg6[%dma_wait3A_919] : memref<512xi32, #tpu.memory_space<vmem>> -> memref<32xi32, #tpu.memory_space<vmem>>
    %dma_wait3A_921 = arith.constant 0 : i32
    %dma_wait3A_922 = arith.constant 0 : i32
    %dma_wait3A_923 = tpu.memref_slice %arg3[%dma_wait3A_921, %dma_wait3A_922] : memref<8192x1024xf32, #tpu.memory_space<hbm>> -> memref<8192x1024xf32, #tpu.memory_space<hbm>>
    tpu.wait_indirect_dma semaphore(%arg11 : memref<!tpu.dma_semaphore, #tpu.memory_space<semaphore_mem>>) src(%dma_wait3A_923 : memref<8192x1024xf32, #tpu.memory_space<hbm>>) dst(%dma_wait3A_918 : memref<32x1024xf32, #tpu.memory_space<vmem>>)
    %add3A_924 = arith.constant 384 : i32
    %add3A_925 = arith.addi %add3A_309, %add3A_924 : i32
    %dma_start3A_926 = arith.constant 0 : i32
    %dma_start3A_927 = arith.constant 0 : i32
    %dma_start3A_928 = arith.constant 0 : i32
    %dma_start3A_929 = tpu.memref_slice %arg10[%dma_start3A_926, %dma_start3A_927, %dma_start3A_928] : memref<3x32x1024xf32, #tpu.memory_space<vmem>> -> memref<1x32x1024xf32, #tpu.memory_space<vmem>>
    %dma_start3A_930 = tpu.memref_squeeze %dma_start3A_929 : memref<1x32x1024xf32, #tpu.memory_space<vmem>> -> memref<32x1024xf32, #tpu.memory_space<vmem>>
    %dma_start3A_931 = arith.constant 0 : i32
    %dma_start3A_932 = tpu.memref_slice %arg4[%add3A_925, %dma_start3A_931] : memref<16384x1024xf32, #tpu.memory_space<hbm>> -> memref<32x1024xf32, #tpu.memory_space<hbm>>
    %dma_start3A_933 = arith.constant 0 : i32
    %dma_start3A_934 = tpu.memref_slice %arg4[%add3A_925, %dma_start3A_933] : memref<16384x1024xf32, #tpu.memory_space<hbm>> -> memref<32x1024xf32, #tpu.memory_space<hbm>>
    %dma_start3A_935 = arith.constant 0 : i32
    %dma_start3A_936 = arith.constant 0 : i32
    %dma_start3A_937 = tpu.memref_slice %arg10[%dma_start3A_926, %dma_start3A_935, %dma_start3A_936] : memref<3x32x1024xf32, #tpu.memory_space<vmem>> -> memref<1x32x1024xf32, #tpu.memory_space<vmem>>
    %dma_start3A_938 = tpu.memref_squeeze %dma_start3A_937 : memref<1x32x1024xf32, #tpu.memory_space<vmem>> -> memref<32x1024xf32, #tpu.memory_space<vmem>>
    tpu.enqueue_dma source(%dma_start3A_938 : memref<32x1024xf32, #tpu.memory_space<vmem>>) target(%dma_start3A_934 : memref<32x1024xf32, #tpu.memory_space<hbm>>) target_semaphore(%arg12 : memref<!tpu.dma_semaphore, #tpu.memory_space<semaphore_mem>>)
    %dma_wait3A_939 = arith.constant 0 : i32
    %dma_wait3A_940 = arith.constant 0 : i32
    %dma_wait3A_941 = arith.constant 0 : i32
    %dma_wait3A_942 = tpu.memref_slice %arg10[%dma_wait3A_939, %dma_wait3A_940, %dma_wait3A_941] : memref<3x32x1024xf32, #tpu.memory_space<vmem>> -> memref<1x32x1024xf32, #tpu.memory_space<vmem>>
    %dma_wait3A_943 = tpu.memref_squeeze %dma_wait3A_942 : memref<1x32x1024xf32, #tpu.memory_space<vmem>> -> memref<32x1024xf32, #tpu.memory_space<vmem>>
    %dma_wait3A_944 = arith.constant 0 : i32
    %dma_wait3A_945 = tpu.memref_slice %arg4[%add3A_925, %dma_wait3A_944] : memref<16384x1024xf32, #tpu.memory_space<hbm>> -> memref<32x1024xf32, #tpu.memory_space<hbm>>
    %dma_wait3A_946 = arith.constant 0 : i32
    %dma_wait3A_947 = tpu.memref_slice %arg4[%add3A_925, %dma_wait3A_946] : memref<16384x1024xf32, #tpu.memory_space<hbm>> -> memref<32x1024xf32, #tpu.memory_space<hbm>>
    %dma_wait3A_948 = arith.constant 0 : i32
    %dma_wait3A_949 = arith.constant 0 : i32
    %dma_wait3A_950 = tpu.memref_slice %arg10[%dma_wait3A_939, %dma_wait3A_948, %dma_wait3A_949] : memref<3x32x1024xf32, #tpu.memory_space<vmem>> -> memref<1x32x1024xf32, #tpu.memory_space<vmem>>
    %dma_wait3A_951 = tpu.memref_squeeze %dma_wait3A_950 : memref<1x32x1024xf32, #tpu.memory_space<vmem>> -> memref<32x1024xf32, #tpu.memory_space<vmem>>
    tpu.wait_dma2 semaphore(%arg12 : memref<!tpu.dma_semaphore, #tpu.memory_space<semaphore_mem>>) src(%dma_wait3A_951 : memref<32x1024xf32, #tpu.memory_space<vmem>>) dst(%dma_wait3A_947 : memref<32x1024xf32, #tpu.memory_space<hbm>>)
    %dma_start3A_952 = arith.constant 0 : i32
    %dma_start3A_953 = arith.constant 0 : i32
    %dma_start3A_954 = arith.constant 0 : i32
    %dma_start3A_955 = tpu.memref_slice %arg10[%dma_start3A_952, %dma_start3A_953, %dma_start3A_954] : memref<3x32x1024xf32, #tpu.memory_space<vmem>> -> memref<1x32x1024xf32, #tpu.memory_space<vmem>>
    %dma_start3A_956 = tpu.memref_squeeze %dma_start3A_955 : memref<1x32x1024xf32, #tpu.memory_space<vmem>> -> memref<32x1024xf32, #tpu.memory_space<vmem>>
    %dma_start3A_957 = arith.constant 480 : i32
    %dma_start3A_958 = tpu.memref_slice %arg6[%dma_start3A_957] : memref<512xi32, #tpu.memory_space<vmem>> -> memref<32xi32, #tpu.memory_space<vmem>>
    %dma_start3A_959 = arith.constant 0 : i32
    %dma_start3A_960 = arith.constant 0 : i32
    %dma_start3A_961 = tpu.memref_slice %arg3[%dma_start3A_959, %dma_start3A_960] : memref<8192x1024xf32, #tpu.memory_space<hbm>> -> memref<8192x1024xf32, #tpu.memory_space<hbm>>
    tpu.enqueue_indirect_dma source(%dma_start3A_961 : memref<8192x1024xf32, #tpu.memory_space<hbm>>) target(%dma_start3A_956 : memref<32x1024xf32, #tpu.memory_space<vmem>>) offsets(%dma_start3A_958 : memref<32xi32, #tpu.memory_space<vmem>>) semaphore(%arg11 : memref<!tpu.dma_semaphore, #tpu.memory_space<semaphore_mem>>)
    %dma_wait3A_962 = arith.constant 1 : i32
    %dma_wait3A_963 = arith.constant 0 : i32
    %dma_wait3A_964 = arith.constant 0 : i32
    %dma_wait3A_965 = tpu.memref_slice %arg10[%dma_wait3A_962, %dma_wait3A_963, %dma_wait3A_964] : memref<3x32x1024xf32, #tpu.memory_space<vmem>> -> memref<1x32x1024xf32, #tpu.memory_space<vmem>>
    %dma_wait3A_966 = tpu.memref_squeeze %dma_wait3A_965 : memref<1x32x1024xf32, #tpu.memory_space<vmem>> -> memref<32x1024xf32, #tpu.memory_space<vmem>>
    %dma_wait3A_967 = arith.constant 416 : i32
    %dma_wait3A_968 = tpu.memref_slice %arg6[%dma_wait3A_967] : memref<512xi32, #tpu.memory_space<vmem>> -> memref<32xi32, #tpu.memory_space<vmem>>
    %dma_wait3A_969 = arith.constant 0 : i32
    %dma_wait3A_970 = arith.constant 0 : i32
    %dma_wait3A_971 = tpu.memref_slice %arg3[%dma_wait3A_969, %dma_wait3A_970] : memref<8192x1024xf32, #tpu.memory_space<hbm>> -> memref<8192x1024xf32, #tpu.memory_space<hbm>>
    tpu.wait_indirect_dma semaphore(%arg11 : memref<!tpu.dma_semaphore, #tpu.memory_space<semaphore_mem>>) src(%dma_wait3A_971 : memref<8192x1024xf32, #tpu.memory_space<hbm>>) dst(%dma_wait3A_966 : memref<32x1024xf32, #tpu.memory_space<vmem>>)
    %add3A_972 = arith.constant 416 : i32
    %add3A_973 = arith.addi %add3A_309, %add3A_972 : i32
    %dma_start3A_974 = arith.constant 1 : i32
    %dma_start3A_975 = arith.constant 0 : i32
    %dma_start3A_976 = arith.constant 0 : i32
    %dma_start3A_977 = tpu.memref_slice %arg10[%dma_start3A_974, %dma_start3A_975, %dma_start3A_976] : memref<3x32x1024xf32, #tpu.memory_space<vmem>> -> memref<1x32x1024xf32, #tpu.memory_space<vmem>>
    %dma_start3A_978 = tpu.memref_squeeze %dma_start3A_977 : memref<1x32x1024xf32, #tpu.memory_space<vmem>> -> memref<32x1024xf32, #tpu.memory_space<vmem>>
    %dma_start3A_979 = arith.constant 0 : i32
    %dma_start3A_980 = tpu.memref_slice %arg4[%add3A_973, %dma_start3A_979] : memref<16384x1024xf32, #tpu.memory_space<hbm>> -> memref<32x1024xf32, #tpu.memory_space<hbm>>
    %dma_start3A_981 = arith.constant 0 : i32
    %dma_start3A_982 = tpu.memref_slice %arg4[%add3A_973, %dma_start3A_981] : memref<16384x1024xf32, #tpu.memory_space<hbm>> -> memref<32x1024xf32, #tpu.memory_space<hbm>>
    %dma_start3A_983 = arith.constant 0 : i32
    %dma_start3A_984 = arith.constant 0 : i32
    %dma_start3A_985 = tpu.memref_slice %arg10[%dma_start3A_974, %dma_start3A_983, %dma_start3A_984] : memref<3x32x1024xf32, #tpu.memory_space<vmem>> -> memref<1x32x1024xf32, #tpu.memory_space<vmem>>
    %dma_start3A_986 = tpu.memref_squeeze %dma_start3A_985 : memref<1x32x1024xf32, #tpu.memory_space<vmem>> -> memref<32x1024xf32, #tpu.memory_space<vmem>>
    tpu.enqueue_dma source(%dma_start3A_986 : memref<32x1024xf32, #tpu.memory_space<vmem>>) target(%dma_start3A_982 : memref<32x1024xf32, #tpu.memory_space<hbm>>) target_semaphore(%arg12 : memref<!tpu.dma_semaphore, #tpu.memory_space<semaphore_mem>>)
    %dma_wait3A_987 = arith.constant 2 : i32
    %dma_wait3A_988 = arith.constant 0 : i32
    %dma_wait3A_989 = arith.constant 0 : i32
    %dma_wait3A_990 = tpu.memref_slice %arg10[%dma_wait3A_987, %dma_wait3A_988, %dma_wait3A_989] : memref<3x32x1024xf32, #tpu.memory_space<vmem>> -> memref<1x32x1024xf32, #tpu.memory_space<vmem>>
    %dma_wait3A_991 = tpu.memref_squeeze %dma_wait3A_990 : memref<1x32x1024xf32, #tpu.memory_space<vmem>> -> memref<32x1024xf32, #tpu.memory_space<vmem>>
    %dma_wait3A_992 = arith.constant 448 : i32
    %dma_wait3A_993 = tpu.memref_slice %arg6[%dma_wait3A_992] : memref<512xi32, #tpu.memory_space<vmem>> -> memref<32xi32, #tpu.memory_space<vmem>>
    %dma_wait3A_994 = arith.constant 0 : i32
    %dma_wait3A_995 = arith.constant 0 : i32
    %dma_wait3A_996 = tpu.memref_slice %arg3[%dma_wait3A_994, %dma_wait3A_995] : memref<8192x1024xf32, #tpu.memory_space<hbm>> -> memref<8192x1024xf32, #tpu.memory_space<hbm>>
    tpu.wait_indirect_dma semaphore(%arg11 : memref<!tpu.dma_semaphore, #tpu.memory_space<semaphore_mem>>) src(%dma_wait3A_996 : memref<8192x1024xf32, #tpu.memory_space<hbm>>) dst(%dma_wait3A_991 : memref<32x1024xf32, #tpu.memory_space<vmem>>)
    %add3A_997 = arith.constant 448 : i32
    %add3A_998 = arith.addi %add3A_309, %add3A_997 : i32
    %dma_start3A_999 = arith.constant 2 : i32
    %dma_start3A_1000 = arith.constant 0 : i32
    %dma_start3A_1001 = arith.constant 0 : i32
    %dma_start3A_1002 = tpu.memref_slice %arg10[%dma_start3A_999, %dma_start3A_1000, %dma_start3A_1001] : memref<3x32x1024xf32, #tpu.memory_space<vmem>> -> memref<1x32x1024xf32, #tpu.memory_space<vmem>>
    %dma_start3A_1003 = tpu.memref_squeeze %dma_start3A_1002 : memref<1x32x1024xf32, #tpu.memory_space<vmem>> -> memref<32x1024xf32, #tpu.memory_space<vmem>>
    %dma_start3A_1004 = arith.constant 0 : i32
    %dma_start3A_1005 = tpu.memref_slice %arg4[%add3A_998, %dma_start3A_1004] : memref<16384x1024xf32, #tpu.memory_space<hbm>> -> memref<32x1024xf32, #tpu.memory_space<hbm>>
    %dma_start3A_1006 = arith.constant 0 : i32
    %dma_start3A_1007 = tpu.memref_slice %arg4[%add3A_998, %dma_start3A_1006] : memref<16384x1024xf32, #tpu.memory_space<hbm>> -> memref<32x1024xf32, #tpu.memory_space<hbm>>
    %dma_start3A_1008 = arith.constant 0 : i32
    %dma_start3A_1009 = arith.constant 0 : i32
    %dma_start3A_1010 = tpu.memref_slice %arg10[%dma_start3A_999, %dma_start3A_1008, %dma_start3A_1009] : memref<3x32x1024xf32, #tpu.memory_space<vmem>> -> memref<1x32x1024xf32, #tpu.memory_space<vmem>>
    %dma_start3A_1011 = tpu.memref_squeeze %dma_start3A_1010 : memref<1x32x1024xf32, #tpu.memory_space<vmem>> -> memref<32x1024xf32, #tpu.memory_space<vmem>>
    tpu.enqueue_dma source(%dma_start3A_1011 : memref<32x1024xf32, #tpu.memory_space<vmem>>) target(%dma_start3A_1007 : memref<32x1024xf32, #tpu.memory_space<hbm>>) target_semaphore(%arg12 : memref<!tpu.dma_semaphore, #tpu.memory_space<semaphore_mem>>)
    %dma_wait3A_1012 = arith.constant 0 : i32
    %dma_wait3A_1013 = arith.constant 0 : i32
    %dma_wait3A_1014 = arith.constant 0 : i32
    %dma_wait3A_1015 = tpu.memref_slice %arg10[%dma_wait3A_1012, %dma_wait3A_1013, %dma_wait3A_1014] : memref<3x32x1024xf32, #tpu.memory_space<vmem>> -> memref<1x32x1024xf32, #tpu.memory_space<vmem>>
    %dma_wait3A_1016 = tpu.memref_squeeze %dma_wait3A_1015 : memref<1x32x1024xf32, #tpu.memory_space<vmem>> -> memref<32x1024xf32, #tpu.memory_space<vmem>>
    %dma_wait3A_1017 = arith.constant 480 : i32
    %dma_wait3A_1018 = tpu.memref_slice %arg6[%dma_wait3A_1017] : memref<512xi32, #tpu.memory_space<vmem>> -> memref<32xi32, #tpu.memory_space<vmem>>
    %dma_wait3A_1019 = arith.constant 0 : i32
    %dma_wait3A_1020 = arith.constant 0 : i32
    %dma_wait3A_1021 = tpu.memref_slice %arg3[%dma_wait3A_1019, %dma_wait3A_1020] : memref<8192x1024xf32, #tpu.memory_space<hbm>> -> memref<8192x1024xf32, #tpu.memory_space<hbm>>
    tpu.wait_indirect_dma semaphore(%arg11 : memref<!tpu.dma_semaphore, #tpu.memory_space<semaphore_mem>>) src(%dma_wait3A_1021 : memref<8192x1024xf32, #tpu.memory_space<hbm>>) dst(%dma_wait3A_1016 : memref<32x1024xf32, #tpu.memory_space<vmem>>)
    %add3A_1022 = arith.constant 480 : i32
    %add3A_1023 = arith.addi %add3A_309, %add3A_1022 : i32
    %dma_start3A_1024 = arith.constant 0 : i32
    %dma_start3A_1025 = arith.constant 0 : i32
    %dma_start3A_1026 = arith.constant 0 : i32
    %dma_start3A_1027 = tpu.memref_slice %arg10[%dma_start3A_1024, %dma_start3A_1025, %dma_start3A_1026] : memref<3x32x1024xf32, #tpu.memory_space<vmem>> -> memref<1x32x1024xf32, #tpu.memory_space<vmem>>
    %dma_start3A_1028 = tpu.memref_squeeze %dma_start3A_1027 : memref<1x32x1024xf32, #tpu.memory_space<vmem>> -> memref<32x1024xf32, #tpu.memory_space<vmem>>
    %dma_start3A_1029 = arith.constant 0 : i32
    %dma_start3A_1030 = tpu.memref_slice %arg4[%add3A_1023, %dma_start3A_1029] : memref<16384x1024xf32, #tpu.memory_space<hbm>> -> memref<32x1024xf32, #tpu.memory_space<hbm>>
    %dma_start3A_1031 = arith.constant 0 : i32
    %dma_start3A_1032 = tpu.memref_slice %arg4[%add3A_1023, %dma_start3A_1031] : memref<16384x1024xf32, #tpu.memory_space<hbm>> -> memref<32x1024xf32, #tpu.memory_space<hbm>>
    %dma_start3A_1033 = arith.constant 0 : i32
    %dma_start3A_1034 = arith.constant 0 : i32
    %dma_start3A_1035 = tpu.memref_slice %arg10[%dma_start3A_1024, %dma_start3A_1033, %dma_start3A_1034] : memref<3x32x1024xf32, #tpu.memory_space<vmem>> -> memref<1x32x1024xf32, #tpu.memory_space<vmem>>
    %dma_start3A_1036 = tpu.memref_squeeze %dma_start3A_1035 : memref<1x32x1024xf32, #tpu.memory_space<vmem>> -> memref<32x1024xf32, #tpu.memory_space<vmem>>
    tpu.enqueue_dma source(%dma_start3A_1036 : memref<32x1024xf32, #tpu.memory_space<vmem>>) target(%dma_start3A_1032 : memref<32x1024xf32, #tpu.memory_space<hbm>>) target_semaphore(%arg12 : memref<!tpu.dma_semaphore, #tpu.memory_space<semaphore_mem>>)
    %dma_wait3A_1037 = arith.constant 0 : i32
    %dma_wait3A_1038 = arith.constant 0 : i32
    %dma_wait3A_1039 = arith.constant 0 : i32
    %dma_wait3A_1040 = tpu.memref_slice %arg10[%dma_wait3A_1037, %dma_wait3A_1038, %dma_wait3A_1039] : memref<3x32x1024xf32, #tpu.memory_space<vmem>> -> memref<1x32x1024xf32, #tpu.memory_space<vmem>>
    %dma_wait3A_1041 = tpu.memref_squeeze %dma_wait3A_1040 : memref<1x32x1024xf32, #tpu.memory_space<vmem>> -> memref<32x1024xf32, #tpu.memory_space<vmem>>
    %dma_wait3A_1042 = arith.constant 0 : i32
    %dma_wait3A_1043 = tpu.memref_slice %arg4[%add3A_1023, %dma_wait3A_1042] : memref<16384x1024xf32, #tpu.memory_space<hbm>> -> memref<32x1024xf32, #tpu.memory_space<hbm>>
    %dma_wait3A_1044 = arith.constant 0 : i32
    %dma_wait3A_1045 = tpu.memref_slice %arg4[%add3A_1023, %dma_wait3A_1044] : memref<16384x1024xf32, #tpu.memory_space<hbm>> -> memref<32x1024xf32, #tpu.memory_space<hbm>>
    %dma_wait3A_1046 = arith.constant 0 : i32
    %dma_wait3A_1047 = arith.constant 0 : i32
    %dma_wait3A_1048 = tpu.memref_slice %arg10[%dma_wait3A_1037, %dma_wait3A_1046, %dma_wait3A_1047] : memref<3x32x1024xf32, #tpu.memory_space<vmem>> -> memref<1x32x1024xf32, #tpu.memory_space<vmem>>
    %dma_wait3A_1049 = tpu.memref_squeeze %dma_wait3A_1048 : memref<1x32x1024xf32, #tpu.memory_space<vmem>> -> memref<32x1024xf32, #tpu.memory_space<vmem>>
    tpu.wait_dma2 semaphore(%arg12 : memref<!tpu.dma_semaphore, #tpu.memory_space<semaphore_mem>>) src(%dma_wait3A_1049 : memref<32x1024xf32, #tpu.memory_space<vmem>>) dst(%dma_wait3A_1045 : memref<32x1024xf32, #tpu.memory_space<hbm>>)
    %dma_wait3A_1050 = arith.constant 1 : i32
    %dma_wait3A_1051 = arith.constant 0 : i32
    %dma_wait3A_1052 = arith.constant 0 : i32
    %dma_wait3A_1053 = tpu.memref_slice %arg10[%dma_wait3A_1050, %dma_wait3A_1051, %dma_wait3A_1052] : memref<3x32x1024xf32, #tpu.memory_space<vmem>> -> memref<1x32x1024xf32, #tpu.memory_space<vmem>>
    %dma_wait3A_1054 = tpu.memref_squeeze %dma_wait3A_1053 : memref<1x32x1024xf32, #tpu.memory_space<vmem>> -> memref<32x1024xf32, #tpu.memory_space<vmem>>
    %dma_wait3A_1055 = arith.constant 0 : i32
    %dma_wait3A_1056 = tpu.memref_slice %arg4[%add3A_973, %dma_wait3A_1055] : memref<16384x1024xf32, #tpu.memory_space<hbm>> -> memref<32x1024xf32, #tpu.memory_space<hbm>>
    %dma_wait3A_1057 = arith.constant 0 : i32
    %dma_wait3A_1058 = tpu.memref_slice %arg4[%add3A_973, %dma_wait3A_1057] : memref<16384x1024xf32, #tpu.memory_space<hbm>> -> memref<32x1024xf32, #tpu.memory_space<hbm>>
    %dma_wait3A_1059 = arith.constant 0 : i32
    %dma_wait3A_1060 = arith.constant 0 : i32
    %dma_wait3A_1061 = tpu.memref_slice %arg10[%dma_wait3A_1050, %dma_wait3A_1059, %dma_wait3A_1060] : memref<3x32x1024xf32, #tpu.memory_space<vmem>> -> memref<1x32x1024xf32, #tpu.memory_space<vmem>>
    %dma_wait3A_1062 = tpu.memref_squeeze %dma_wait3A_1061 : memref<1x32x1024xf32, #tpu.memory_space<vmem>> -> memref<32x1024xf32, #tpu.memory_space<vmem>>
    tpu.wait_dma2 semaphore(%arg12 : memref<!tpu.dma_semaphore, #tpu.memory_space<semaphore_mem>>) src(%dma_wait3A_1062 : memref<32x1024xf32, #tpu.memory_space<vmem>>) dst(%dma_wait3A_1058 : memref<32x1024xf32, #tpu.memory_space<hbm>>)
    %dma_wait3A_1063 = arith.constant 2 : i32
    %dma_wait3A_1064 = arith.constant 0 : i32
    %dma_wait3A_1065 = arith.constant 0 : i32
    %dma_wait3A_1066 = tpu.memref_slice %arg10[%dma_wait3A_1063, %dma_wait3A_1064, %dma_wait3A_1065] : memref<3x32x1024xf32, #tpu.memory_space<vmem>> -> memref<1x32x1024xf32, #tpu.memory_space<vmem>>
    %dma_wait3A_1067 = tpu.memref_squeeze %dma_wait3A_1066 : memref<1x32x1024xf32, #tpu.memory_space<vmem>> -> memref<32x1024xf32, #tpu.memory_space<vmem>>
    %dma_wait3A_1068 = arith.constant 0 : i32
    %dma_wait3A_1069 = tpu.memref_slice %arg4[%add3A_998, %dma_wait3A_1068] : memref<16384x1024xf32, #tpu.memory_space<hbm>> -> memref<32x1024xf32, #tpu.memory_space<hbm>>
    %dma_wait3A_1070 = arith.constant 0 : i32
    %dma_wait3A_1071 = tpu.memref_slice %arg4[%add3A_998, %dma_wait3A_1070] : memref<16384x1024xf32, #tpu.memory_space<hbm>> -> memref<32x1024xf32, #tpu.memory_space<hbm>>
    %dma_wait3A_1072 = arith.constant 0 : i32
    %dma_wait3A_1073 = arith.constant 0 : i32
    %dma_wait3A_1074 = tpu.memref_slice %arg10[%dma_wait3A_1063, %dma_wait3A_1072, %dma_wait3A_1073] : memref<3x32x1024xf32, #tpu.memory_space<vmem>> -> memref<1x32x1024xf32, #tpu.memory_space<vmem>>
    %dma_wait3A_1075 = tpu.memref_squeeze %dma_wait3A_1074 : memref<1x32x1024xf32, #tpu.memory_space<vmem>> -> memref<32x1024xf32, #tpu.memory_space<vmem>>
    tpu.wait_dma2 semaphore(%arg12 : memref<!tpu.dma_semaphore, #tpu.memory_space<semaphore_mem>>) src(%dma_wait3A_1075 : memref<32x1024xf32, #tpu.memory_space<vmem>>) dst(%dma_wait3A_1071 : memref<32x1024xf32, #tpu.memory_space<hbm>>)
    return
  }
}

</mosaic_0001>

<sc_bundles>
// kernel: kernel.3.cloned.1.call-start
scs
__scs_entry_jumppad:
0x0: {  	(pc) =	sbr.rel $0x88, $3  }
0x1: {  	(tag) =	ssettag $0x0;
	lr =	simm.s32 $0x1  }
0x2: {  	[smem:$0x3F9F] =	sst lr;
	_ =	strace $0xD0000000  }
0x3: {  	_ = 	snop  }
0x4: {  	_ = 	snop  }
0x5: {  	_ = 	snop  }
0x6: {  	_ = 	snop  }
0x7: {  	_ = 	snop  }
__scs_overlays_trampoline_lowered:
0x8: {  	[smem:$0x3FAE] =	sst s0  }
0x9: {  	[smem:$0x3FAF] =	sst s1  }
0xa: {  	[smem:$0x3FB0] =	sst s2  }
0xb: {  	[smem:$0x3FB1] =	sst s3  }
0xc: {  	[smem:$0x3FB2] =	sst s4  }
0xd: {  	[smem:$0x3FB3] =	sst s5  }
0xe: {  	[smem:$0x3FB4] =	sst s6  }
0xf: {  	[smem:$0x3FB5] =	sst s7  }
0x10: {  	[smem:$0x3FB6] =	sst s8  }
0x11: {  	[smem:$0x3FB7] =	sst s9;
	s0 =	simm.s32 @!p0 $0x0  }
0x12: {  	s1 =	sld [smem:$0x3F9D];
	s0 =	simm.s32 @p0 $0x1  }
0x13: {  	[smem:$0x3FB8] =	sst s0;
	s0 =	simm.s32 @!p1 $0x0  }
0x14: {  	s2 =	sld [smem:$0x3F9C];
	s0 =	simm.s32 @p1 $0x1  }
0x15: {  	[smem:$0x3FB9] =	sst s0;
	s0 =	simm.s32 @!p2 $0x0  }
0x16: {  	s3 =	sld [smem:$0x3FDB];
	s0 =	simm.s32 @p2 $0x1  }
0x17: {  	s4 =	simm.s32 $0x1BF5;
	[smem:$0x3FBB] =	sst s0  }
0x18: {  	s0 =	sld [smem:$0x3F9E];
	_ =	swait.ge [sflag:s4], $0x0  }
0x19: {  	s7 =	sld [smem:$0x3F9F]  }
0x1a: {  	s8 =	sadd.s32 $0xFFFFE003, lr  }
0x1b: {  	s9 =	sadd.s32 $0xFFFFFEF7, lr;
	s5 =	simm.s32 $0xFFFFFFFF;
	p2 =	slt.u32 s8, $0xFFFFF086  }
0x1c: {  	p1 =	slt.u32 s9, $0xF7A;
	s5 =	simm.s32 @!p2 $0x0  }
0x1d: {  	s5 =	simm.s32 @p1 $0x1;
	p0 =	seq.s32 s7, s2  }
0x1e: {  	s7 =	smul.u32 @!p0 $0xF7A, s2;
	p2 =	seq.s32 @!p0 s5, $0x0  }
0x1f: {  	s9 =	smul.u32 $0xF7A, s1;
	s8 =	simm.s32 @!p0 $0x1BF5;
	p2 =	por !p2, p0  }
0x20: {  	[sflag:s8] =	ssyncset.s32 @!p0 $0xFFFFF086;
	s6 =	sadd.s32 @!p0 s3, s7;
	s7 =	simm.s32 @!p0 $0x108  }
0x21: {  	s3 =	sadd.s32 s3, s9;
	s6 =	sadd.s32 @!p0 $0x88, s6;
	s7 =	simm.s32 @p2 $0x1082  }
0x22: {  	[simem:s7], [sflag:s8] =	dma.local @!p0 [hbm:s6], $0xF7A  }
0x23: {  	s9 =	sor.u32 $0xD0000000, s2;
	s6 =	simm.s32 $0x108;
	_ =	swait.ge @!p0 [sflag:s8], $0x0  }
0x24: {  	s3 =	sadd.s32 $0x88, s3;
	s6 =	simm.s32 @!p1 $0x1082;
	[sflag:s4] =	ssyncset.s32 $0xFFFFF086  }
0x25: {  	[simem:s6], [sflag:s4] =	dma.local [hbm:s3], $0xF7A  }
0x26: {  	[smem:$0x3F9F] =	sst s1;
	(tag) =	ssettag s2;
	_ =	strace s9  }
0x27: {  	s1 =	sld [smem:$0x3FAF]  }
0x28: {  	s2 =	sld [smem:$0x3FB0]  }
0x29: {  	s4 =	sld [smem:$0x3FB2]  }
0x2a: {  	p0 =	seq.s32 s5, $0x0;
	s5 =	sld [smem:$0x3FB3]  }
0x2b: {  	s6 =	sld [smem:$0x3FB4]  }
0x2c: {  	s7 =	sld [smem:$0x3FB5]  }
0x2d: {  	s3 =	simm.s32 $0x108;
	s8 =	sld [smem:$0x3FB6]  }
0x2e: {  	s3 =	simm.s32 @!p0 $0x1082;
	s9 =	sld [smem:$0x3FB7]  }
0x2f: {  	lr =	sadd.s32 s0, s3;
	s0 =	sld [smem:$0x3FAE]  }
0x30: {  	s3 =	sld [smem:$0x3FB1]  }
0x31: {  	[smem:$0x3FBA] =	sst s10  }
0x32: {  	s10 =	sld [smem:$0x3FB8];
	_ =	sdelay $0x3  }
0x33: {  	p0 =	seq.s32 s10, $0x1;
	s10 =	sld [smem:$0x3FBA];
	_ =	sdelay $0x3  }
0x34: {  	[smem:$0x3FBA] =	sst s10  }
0x35: {  	s10 =	sld [smem:$0x3FB9];
	_ =	sdelay $0x3  }
0x36: {  	p1 =	seq.s32 s10, $0x1;
	s10 =	sld [smem:$0x3FBA];
	_ =	sdelay $0x3  }
0x37: {  	[smem:$0x3FBA] =	sst s10  }
0x38: {  	s10 =	sld [smem:$0x3FBB]  }
0x39: {  	_ = 	snop;
	(pc) =	sbr.ind lr, $3  }
0x3a: {  	_ = 	snop  }
0x3b: {  	_ = 	snop  }
0x3c: {  	p2 =	seq.s32 s10, $0x1;
	s10 =	sld [smem:$0x3FBA]  }
0x3d: {  	_ =	shalt  }
0x3e: {  	_ =	shalt  }
0x3f: {  	_ =	shalt  }
0x40: {  	_ =	shalt  }
0x41: {  	_ =	shalt  }
0x42: {  	_ =	shalt  }
0x43: {  	_ =	shalt  }
0x44: {  	_ =	shalt  }
0x45: {  	_ =	shalt  }
0x46: {  	_ =	shalt  }
0x47: {  	_ =	shalt  }
0x48: {  	_ =	shalt  }
0x49: {  	_ =	shalt  }
0x4a: {  	_ =	shalt  }
0x4b: {  	_ =	shalt  }
0x4c: {  	_ =	shalt  }
0x4d: {  	_ =	shalt  }
0x4e: {  	_ =	shalt  }
0x4f: {  	_ =	shalt  }
0x50: {  	_ =	shalt  }
0x51: {  	_ =	shalt  }
0x52: {  	_ =	shalt  }
0x53: {  	_ =	shalt  }
0x54: {  	_ =	shalt  }
0x55: {  	_ =	shalt  }
0x56: {  	_ =	shalt  }
0x57: {  	_ =	shalt  }
0x58: {  	_ =	shalt  }
0x59: {  	_ =	shalt  }
0x5a: {  	_ =	shalt  }
0x5b: {  	_ =	shalt  }
0x5c: {  	_ =	shalt  }
0x5d: {  	_ =	shalt  }
0x5e: {  	_ =	shalt  }
0x5f: {  	_ =	shalt  }
0x60: {  	_ =	shalt  }
0x61: {  	_ =	shalt  }
0x62: {  	_ =	shalt  }
0x63: {  	_ =	shalt  }
0x64: {  	_ =	shalt  }
0x65: {  	_ =	shalt  }
0x66: {  	_ =	shalt  }
0x67: {  	_ =	shalt  }
0x68: {  	_ =	shalt  }
0x69: {  	_ =	shalt  }
0x6a: {  	_ =	shalt  }
0x6b: {  	_ =	shalt  }
0x6c: {  	_ =	shalt  }
0x6d: {  	_ =	shalt  }
0x6e: {  	_ =	shalt  }
0x6f: {  	_ =	shalt  }
0x70: {  	_ =	shalt  }
0x71: {  	_ =	shalt  }
0x72: {  	_ =	shalt  }
0x73: {  	_ =	shalt  }
0x74: {  	_ =	shalt  }
0x75: {  	_ =	shalt  }
0x76: {  	_ =	shalt  }
0x77: {  	_ =	shalt  }
0x78: {  	_ =	shalt  }
0x79: {  	_ =	shalt  }
0x7a: {  	_ =	shalt  }
0x7b: {  	_ =	shalt  }
0x7c: {  	_ =	shalt  }
0x7d: {  	_ =	shalt  }
0x7e: {  	_ =	shalt  }
0x7f: {  	_ =	shalt  }
0x80: {  	_ =	shalt  }
0x81: {  	_ =	shalt  }
0x82: {  	_ =	shalt  }
0x83: {  	_ =	shalt  }
0x84: {  	_ =	shalt  }
0x85: {  	_ =	shalt  }
0x86: {  	_ =	shalt  }
0x87: {  	_ =	shalt  }
.Lfunc_end0:
.L_simem_size_0:
called_computation_lowered:
.L_overlay_start_0:
0x88: {  	s2 =	sld [smem:$0x3FD9]  }
0x89: {  	s3 =	sld [smem:$0x3FFE];
	_ =	sdelay $0x1  }
0x8a: {  	s1 =	srdreg.scid  }
0x8b: {  	s0 =	sand.u32 $0x1, s1  }
0x8c: {  	s17 =	sshll.u32 s0, $0xA;
	s2 =	sadd.s32 s3, s2  }
0x8d: {  	s2 =	sadd.s32 s2, s17  }
0x8e: {  	[smem:$0x3FC6] =	sst s2  }
0x8f: {  	_ = 	snop  }
0x90: {  	s2 =	sld [smem:$0x3FC8]  }
0x91: {  	s18 =	sld [smem:$0x3FD0];
	(tm) =	ssettm $0x1  }
0x92: {  	s4 =	sld [smem:$0x3FFB];
	_ =	sdelay $0x3  }
0x93: {  	_ =	strace s4  }
0x94: {  	s4 =	sld [smem:$0x3FFC];
	_ =	sdelay $0x3  }
0x95: {  	_ =	strace s4  }
0x96: {  	s4 =	sld [smem:$0x3FFD];
	_ =	sdelay $0x3  }
0x97: {  	_ =	strace s4  }
0x98: {  	_ =	strace $0x8FFFFFFF  }
0x99: {  	s19 =	sld [smem:$0x3FDB];
	_ =	sdelay $0x1  }
0x9a: {  	s5 =	simm.s32 $_scs_section_size  }
0x9b: {  	s6 =	simm.s32 $_size__tile_overlayer_lowered;
	s7 =	simm.s32 $_tile_overlayer_lowered  }
0x9c: {  	s22 =	simm.s32 $0x1BFF;
	s21 =	sshll.u32 s7, $0x1;
	s4 =	sadd.s32 s5, s19  }
0x9d: {  	s8 =	simm.s32 $0x0;
	s20 =	sshll.u32 s6, $0x1;
	s6 =	sadd.s32 s21, s4  }
0x9e: {  	[timem:s8], [sflag:s22] =	dma.local [hbm:s6], s20  }
0x9f: {  	_ =	swait.ge [sflag:s22], s20  }
0xa0: {  	s5 =	ssub.s32 $0x0, s20;
	[sflag:s22] =	ssyncset.done $0x0  }
0xa1: {  	[sflag:s22] =	ssyncadd.s32 s5;
	_ =	sdelay $0x1  }
0xa2: {  	s23 =	simm.s32 $0x1B8B  }
0xa3: {  	_ =	swait.ge [sflag:s23], $0x1  }
0xa4: {  	[sflag:s23] =	ssyncset.done $0x0  }
0xa5: {  	s25 =	simm.s32 $0x1B8E;
	s24 =	sld [smem:$0x3FFE];
	[sflag:s23] =	ssyncadd.s32 $0xFFFFFFFF  }
0xa6: {  	s26 =	simm.s32 $execute0_lowered;
	[smem:$0x3FD2] =	sst s25  }
0xa7: {  	s6 =	sshll.u32 s26, $0x1;
	_ =	strace $0x80000046;
	[dreg:$0x1] =	wrdreg $0xFFFFFFFF  }
0xa8: {  	s28 =	simm.s32 $_size_execute0_lowered;
	s4 =	sadd.s32 s4, s6;
	[dreg:$0x0] =	wrdreg $0x0  }
0xa9: {  	s6 =	sshll.u32 s28, $0x1;
	[dreg:$0x2] =	wrdreg s4  }
0xaa: {  	[dreg:$0x3] =	wrdreg s6  }
0xab: {  	[dreg:$0x4] =	wrdreg $0xC0  }
0xac: {  	_ =	task [dreg:s8], $0x5FFFF  }
0xad: {  	[dreg:$0x1] =	wrdreg $0xFFFFFFFF  }
0xae: {  	[dreg:$0x0] =	wrdreg $0x60  }
0xaf: {  	[dreg:$0x2] =	wrdreg s24  }
0xb0: {  	[dreg:$0x3] =	wrdreg s2  }
0xb1: {  	[dreg:$0x4] =	wrdreg s18  }
0xb2: {  	[dreg:$0x5] =	wrdreg $0x9  }
0xb3: {  	_ =	task.clear_ibuf [dreg:s8], $0x6FFFF;
	_ =	strace $0x90000046  }
0xb4: {  	s29 =	simm.s32 $0x9;
	_ =	strace $0x80000048  }
0xb5: {  	_ =	swait.ge [sflag:s29], $0x1  }
0xb6: {  	[sflag:s29] =	ssyncadd.s32 $0xFFFFFFFF  }
0xb7: {  	_ =	strace $0x90000048  }
0xb8: {  	_ =	sfence  }
0xb9: {  	s30 =	sld [smem:$0x0];
	_ =	sdelay $0x2  }
0xba: {  	s31 =	sshll.u32 s1, $0xD;
	s1 =	sshrl.u32 s1, $0x2  }
0xbb: {  	s3 =	sand.u32 $0x4000, s31;
	s1 =	sadd.s32 s1, s30  }
0xbc: {  	s0 =	sor.u32 s3, s0;
	s1 =	sshll.u32 s1, $0x11  }
0xbd: {  	s0 =	sor.u32 s1, s0  }
0xbe: {  	s0 =	sadd.s32 $0x8F2B, s0  }
0xbf: {  	[sflag:s0] =	ssyncadd.remote.s32 $0x1  }
0xc0: {  	_ =	sfence.sel $0xFFFF  }
0xc1: {  	[dreg:$0x0] =	wrdreg $0xFFFFFFFF;
	(pc) =	sbr.abs _section_cstart, $3  }
0xc2: {  	[dreg:$0x1] =	wrdreg $0xFFFFFFFF  }
0xc3: {  	_ =	task.clear_ibuf [dreg:s8], $0x2FFFF;
	_ =	strace $0x9FFFFFFF  }
0xc4: {  	(tm) =	ssettm $0x7FFFFFFF  }
0xc5: {  	_ =	shalt  }
tec
execute0_lowered:
.L_overlay_start_1:
0x0: {  	(tag) =	ssettag $0x1  }
0x1: {  	s0 =	rddreg [dreg:$0x0]  }
0x2: {  	s2 =	rddreg [dreg:$0x1]  }
0x3: {  	s1 =	rddreg [dreg:$0x2];
	s3 =	simm.s32 $0x0;
	s12 =	stileid.u32  }
0x4: {  	s4 =	srdreg.scid;
	[smem:$0x7FF] =	sst s3  }
0x5: {  	s5 =	sshll.u32 s12, $0x1;
	s6 =	sshll.u32 s12, $0xA;
	s8 =	sand.u32 $0x1, s4  }
0x6: {  	s10 =	sand.u32 $0x6, s5;
	_ =	strace $0x80000047;
	s11 =	sand.u32 $0x3000, s6  }
0x7: {  	s7 =	ssub.s32 $0x2, s8;
	s10 =	sor.u32 s8, s10;
	s6 =	sshrl.u32 s11, $0x3  }
0x8: {  	s13 =	sshrl.u32 s7, $0x1;
	s4 =	sshll.u32 s10, $0x9;
	s0 =	sadd.s32 s6, s0  }
0x9: {  	s5 =	sor.u32 s11, s4;
	s11 =	ssub.s32 s7, s13;
	s0 =	sadd.s32 $0x400, s0  }
0xa: {  	[dreg:$0x4] =	wrdreg s0;
	s14 =	sshll.u32 s5, $0x7;
	s30 =	smax.u32 s11, $0x1  }
0xb: {  	s5 =	sadd.s32 s1, s14;
	[dreg:$0x14] =	wrdreg s30  }
0xc: {  	s0 =	sadd.s32 $0x1000, s5;
	[dreg:$0x5] =	wrdreg s5  }
0xd: {  	s15 =	sadd.s32 $0x2000, s5;
	[dreg:$0x6] =	wrdreg s0  }
0xe: {  	s16 =	sadd.s32 $0x3000, s5;
	[dreg:$0x7] =	wrdreg s15  }
0xf: {  	s17 =	sadd.s32 $0x4000, s5;
	[dreg:$0x8] =	wrdreg s16  }
0x10: {  	s18 =	sadd.s32 $0x5000, s5;
	[dreg:$0x9] =	wrdreg s17  }
0x11: {  	s19 =	sadd.s32 $0x6000, s5;
	[dreg:$0xa] =	wrdreg s18  }
0x12: {  	s20 =	sadd.s32 $0x7000, s5;
	[dreg:$0xb] =	wrdreg s19  }
0x13: {  	s9 =	sadd.s32 $0x300, s2;
	s21 =	sadd.s32 $0x8000, s5;
	[dreg:$0xc] =	wrdreg s20  }
0x14: {  	s24 =	sshll.u32 s12, $0x6;
	s22 =	sadd.s32 $0x9000, s5;
	[dreg:$0xd] =	wrdreg s21  }
0x15: {  	s25 =	sshll.u32 s8, $0x5;
	s23 =	sadd.s32 $0xA000, s5;
	[dreg:$0xe] =	wrdreg s22  }
0x16: {  	s6 =	sadd.s32 $0x100, s2;
	s1 =	sadd.s32 $0xB000, s5;
	[dreg:$0xf] =	wrdreg s23  }
0x17: {  	p0 =	seq.s32 s10, $0x0;
	s26 =	sadd.s32 $0xC000, s5;
	[dreg:$0x10] =	wrdreg s1  }
0x18: {  	s7 =	sadd.s32 $0x200, s2;
	s28 =	sadd.s32 $0xD000, s5;
	[dreg:$0x11] =	wrdreg s26  }
0x19: {  	s29 =	sadd.s32 $0xE000, s5;
	s0 =	sand.u32 $0xC0, s24;
	[dreg:$0x12] =	wrdreg s28  }
0x1a: {  	v3 =	vlaneseq.u32;
	s31 =	sadd.s32 $0xF000, s5;
	[dreg:$0x13] =	wrdreg s29;
	s0 =	sor.u32 s25, s0  }
0x1b: {  	v0 =	vimm.s32 $0x0;
	vm0 =	vmmov $0xffff;
	v2 =	vshrl.u32 v3, $0x3;
	[dreg:$0x16] =	wrdreg s31;
	s22 =	simm.s32 $0x1;
	s0 =	smax.u32 s0, $0x1  }
0x1c: {  	v1 =	vand.u32 $0x7, v3;
	v3 =	vor.u32 $0x8, v3;
	v2 =	vmul.u32 $0x8, v2;
	s23 =	simm.s32 $0x2;
	[dreg:$0x15] =	wrdreg s0;
	s0 =	simm.s32 $0x0  }
.LBB2_1:
0x1d: {  	s8 =	rddreg [dreg:$0x4]  }
0x1e: {  	[tilespmem:s3], [sflag:$0x3] =	stream.linear.gather [hbm4b:s8+s3], $0x1000, $0x38;
	[tilespmem:$0x19600] =	vst v63  }
.Ltmp0:
0x1f: {  	s31 =	simm.s32 $0x3;
	(pc) =	sbr.rel @p0 .LBB2_5-.Ltmp0, $4  }
0x20: {  	_ =	swait.ge [sflag:s31], $0x1000  }
0x21: {  	[sflag:s31] =	ssyncset.done $0x0  }
0x22: {  	[sflag:s31] =	ssyncadd.s32 $0xFFFFF000  }
0x23: {  	v4 =	vimm.s32 $0x0;
	[tilespmem:$0x1200] =	vst v0  }
0x24: {  	s8 =	rddreg [dreg:$0x15]  }
0x25: {  	p1 =	sne.s32 s8, $0x1  }
.Ltmp1:
0x26: {  	_ = 	snop;
	(pc) =	sbr.rel @!p1 .LBB2_4-.Ltmp1, $2  }
0x27: {  	_ =	sdelay $0x2  }
0x28: {  	v5 =	vld [tilespmem:s3+$0x0];
	v4 =	vimm.s32 $0x0;
	s21 =	simm.s32 $0x0;
	s8 =	sadd.s32 $0xFFFFFFFF, s8  }
.LBB2_3:
0x29: {  	p1 =	sne.s32 s8, $0x1;
	_ =	sdelay $0x3  }
0x2a: {  	v5 =	vadd.s32 $0xFFFFFFFF, v5  }
0x2b: {  	v6 =	vsub.s32 $0x0, v5  }
0x2c: {  	v5 =	vmin.u32 v5, v6  }
.Ltmp2:
0x2d: {  	vm1 =	vlt.s32 v5, $0x1;
	(pc) =	sbr.rel @p1 .LBB2_3-.Ltmp2, $4  }
0x2e: {  	v5 =	vnsel vm1, $0x1, v5  }
0x2f: {  	v4 =	vadd.s32 v4, v5  }
0x30: {  	s21 =	sadd.s32 $0x10, s21;
	[tilespmem:$0x1200] =	vst v4  }
0x31: {  	s8 =	sadd.s32 $0xFFFFFFFF, s8;
	v5 =	vld [tilespmem:s21+$0x0]  }
.LBB2_4:
0x32: {  	_ =	sdelay $0x3  }
0x33: {  	v5 =	vadd.s32 $0xFFFFFFFF, v5  }
0x34: {  	v6 =	vsub.s32 $0x0, v5  }
0x35: {  	v5 =	vmin.u32 v5, v6  }
0x36: {  	vm1 =	vlt.s32 v5, $0x1  }
0x37: {  	v5 =	vnsel vm1, $0x1, v5  }
0x38: {  	v4 =	vadd.s32 v4, v5  }
0x39: {  	[tilespmem:$0x1200] =	vst v4  }
.LBB2_5:
0x3a: {  	[tilespmem:$0x1280] =	vst v4  }
0x3b: {  	[tilespmem:$0x1290] =	vst v0  }
0x3c: {  	v5 =	vld [tilespmem:$0x1288];
	_ =	sdelay $0x4  }
0x3d: {  	v4 =	vadd.s32 v4, v5  }
0x3e: {  	[tilespmem:$0x1280] =	vst v4  }
0x3f: {  	v5 =	vld [tilespmem:$0x1284]  }
0x40: {  	[tilespmem:$0x12A0] =	vst v0  }
0x41: {  	[tilespmem:$0x1300] =	vst v0  }
0x42: {  	[tilespmem:$0x1310] =	vst v0  }
0x43: {  	[tilespmem:$0x1320] =	vst v0  }
0x44: {  	[tilespmem:$0x1330] =	vst v0;
	v4 =	vadd.s32 v4, v5  }
0x45: {  	[tilespmem:$0x1280] =	vst v4  }
0x46: {  	[tilespmem:$0x1340] =	vst v0;
	v5 =	vld [tilespmem:$0x1282]  }
0x47: {  	[tilespmem:$0x1350] =	vst v0  }
0x48: {  	[tilespmem:$0x1360] =	vst v0  }
0x49: {  	[tilespmem:$0x1370] =	vst v0  }
0x4a: {  	[tilespmem:$0x1380] =	vst v0  }
0x4b: {  	[tilespmem:$0x1390] =	vst v0;
	v4 =	vadd.s32 v4, v5  }
0x4c: {  	[tilespmem:$0x1280] =	vst v4  }
0x4d: {  	[tilespmem:$0x13A0] =	vst v0;
	v5 =	vld [tilespmem:$0x1281]  }
0x4e: {  	[tilespmem:$0x13B0] =	vst v0  }
0x4f: {  	[tilespmem:$0x13C0] =	vst v0  }
0x50: {  	[tilespmem:$0x13D0] =	vst v0  }
0x51: {  	[tilespmem:$0x13E0] =	vst v0  }
0x52: {  	[tilespmem:$0x13F0] =	vst v0;
	v4 =	vadd.s32 v4, v5  }
0x53: {  	[tilespmem:$0x1280] =	vst v4  }
0x54: {  	[tilespmem:$0x1290] =	vst v4  }
0x55: {  	[tilespmem:$0x1291] =	vst v4  }
0x56: {  	[tilespmem:$0x1292] =	vst v4  }
0x57: {  	[tilespmem:$0x1293] =	vst v4  }
0x58: {  	[tilespmem:$0x1294] =	vst v4  }
0x59: {  	[tilespmem:$0x1295] =	vst v4  }
0x5a: {  	[tilespmem:$0x1296] =	vst v4  }
0x5b: {  	[tilespmem:$0x1297] =	vst v4  }
0x5c: {  	[tilespmem:$0x1298] =	vst v4  }
0x5d: {  	[tilespmem:$0x1299] =	vst v4  }
0x5e: {  	[tilespmem:$0x129A] =	vst v4  }
0x5f: {  	[tilespmem:$0x129B] =	vst v4  }
0x60: {  	s8 =	simm.s32 $0x0;
	[tilespmem:$0x129C] =	vst v4  }
0x61: {  	s26 =	sand.u32 $0x180, s8;
	[tilespmem:$0x129D] =	vst v4  }
0x62: {  	s25 =	sand.u32 $0x70, s8;
	s29 =	sadd.s32 s26, s4;
	[tilespmem:$0x129E] =	vst v4  }
0x63: {  	s8 =	sadd.s32 s25, s29;
	[tilespmem:$0x129F] =	vst v4  }
0x64: {  	v4 =	vld [tilespmem:s8+$0x0];
	_ =	sdelay $0x4  }
0x65: {  	v4 =	vadd.s32 $0xFFFFFFFF, v4  }
0x66: {  	v5 =	vsub.s32 $0x0, v4  }
0x67: {  	s31 =	simm.s32 $0x10;
	v5 =	vmin.u32 v4, v5  }
0x68: {  	s21 =	sand.u32 $0x180, s31;
	s30 =	sand.u32 $0x70, s31;
	s8 =	simm.s32 $0x20;
	v4 =	vld [tilespmem:$0x1290];
	vm1 =	vlt.s32 v5, $0x1  }
.LBB2_6:
0x69: {  	p1 =	sne.s32 s8, $0x1F0;
	s31 =	sadd.s32 s21, s4;
	v5 =	vnsel vm1, $0x1, v5;
	s25 =	sor.u32 s25, s26  }
0x6a: {  	s26 =	smov.u32 s21;
	s31 =	sadd.s32 s30, s31;
	[tilespmem:s25+$0x1400] =	vst v5;
	s25 =	smov.u32 s30  }
0x6b: {  	v5 =	vld [tilespmem:s31+$0x0];
	_ =	sdelay $0x3  }
.Ltmp3:
0x6c: {  	(pc) =	sbr.rel @p1 .LBB2_6-.Ltmp3, $4  }
0x6d: {  	v5 =	vadd.s32 $0xFFFFFFFF, v5  }
0x6e: {  	v6 =	vsub.s32 $0x0, v5  }
0x6f: {  	v5 =	vmin.u32 v5, v6  }
0x70: {  	s21 =	sand.u32 $0x180, s8;
	s30 =	sand.u32 $0x70, s8;
	s8 =	sadd.s32 $0x10, s8;
	vm1 =	vlt.s32 v5, $0x1  }
0x71: {  	s8 =	sadd.s32 s21, s4;
	v5 =	vnsel vm1, $0x1, v5;
	s25 =	sor.u32 s25, s26  }
0x72: {  	s8 =	sadd.s32 s30, s8;
	[tilespmem:s25+$0x1400] =	vst v5  }
0x73: {  	v5 =	vld [tilespmem:s8+$0x0];
	_ =	sdelay $0x4  }
0x74: {  	v5 =	vadd.s32 $0xFFFFFFFF, v5  }
0x75: {  	v6 =	vsub.s32 $0x0, v5  }
0x76: {  	v5 =	vmin.u32 v5, v6  }
0x77: {  	vm1 =	vlt.s32 v5, $0x1  }
0x78: {  	s31 =	sor.u32 s30, s21;
	v5 =	vnsel vm1, $0x1, v5  }
0x79: {  	s8 =	simm.s32 $0x0;
	[tilespmem:s31+$0x1400] =	vst v5  }
0x7a: {  	s21 =	simm.s32 $0xFFFFFFC0;
	v5 =	vld [tilespmem:s8+$0x15EF]  }
.LBB2_8:
0x7b: {  	p1 =	sne.s32 s21, $0xFFFFF840;
	v6 =	vld [tilespmem:s8+$0x15F0];
	_ =	sdelay $0x2  }
.Ltmp4:
0x7c: {  	(pc) =	sbr.rel @p1 .LBB2_8-.Ltmp4, $4  }
0x7d: {  	_ = 	snop  }
0x7e: {  	v5 =	vadd.s32 v6, v5  }
0x7f: {  	[tilespmem:s8+$0x15F0] =	vst v5;
	s8 =	sshra.s32 s21, $0x2  }
0x80: {  	s21 =	sadd.s32 $0xFFFFFFC0, s21;
	v5 =	vld [tilespmem:s8+$0x15EF]  }
0x81: {  	v6 =	vld [tilespmem:s8+$0x15F0];
	_ =	sdelay $0x4  }
0x82: {  	v5 =	vadd.s32 v6, v5  }
0x83: {  	[tilespmem:s8+$0x15F0] =	vst v5;
	s8 =	simm.s32 $0x0  }
0x84: {  	s21 =	simm.s32 $0xFFFFFFC0;
	v5 =	vld [tilespmem:s8+$0x15EE]  }
.LBB2_10:
0x85: {  	p1 =	sne.s32 s21, $0xFFFFF840;
	v6 =	vld [tilespmem:s8+$0x15F0];
	_ =	sdelay $0x2  }
.Ltmp5:
0x86: {  	(pc) =	sbr.rel @p1 .LBB2_10-.Ltmp5, $4  }
0x87: {  	_ = 	snop  }
0x88: {  	v5 =	vadd.s32 v6, v5  }
0x89: {  	[tilespmem:s8+$0x15F0] =	vst v5;
	s8 =	sshra.s32 s21, $0x2  }
0x8a: {  	s21 =	sadd.s32 $0xFFFFFFC0, s21;
	v5 =	vld [tilespmem:s8+$0x15EE]  }
0x8b: {  	v6 =	vld [tilespmem:s8+$0x15F0];
	_ =	sdelay $0x4  }
0x8c: {  	v5 =	vadd.s32 v6, v5  }
0x8d: {  	[tilespmem:s8+$0x15F0] =	vst v5;
	s8 =	simm.s32 $0x0  }
0x8e: {  	s21 =	simm.s32 $0xFFFFFFC0;
	v5 =	vld [tilespmem:s8+$0x15EC]  }
.LBB2_12:
0x8f: {  	p1 =	sne.s32 s21, $0xFFFFF840;
	v6 =	vld [tilespmem:s8+$0x15F0];
	_ =	sdelay $0x2  }
.Ltmp6:
0x90: {  	(pc) =	sbr.rel @p1 .LBB2_12-.Ltmp6, $4  }
0x91: {  	_ = 	snop  }
0x92: {  	v5 =	vadd.s32 v6, v5  }
0x93: {  	[tilespmem:s8+$0x15F0] =	vst v5;
	s8 =	sshra.s32 s21, $0x2  }
0x94: {  	s21 =	sadd.s32 $0xFFFFFFC0, s21;
	v5 =	vld [tilespmem:s8+$0x15EC]  }
0x95: {  	v6 =	vld [tilespmem:s8+$0x15F0];
	_ =	sdelay $0x4  }
0x96: {  	v5 =	vadd.s32 v6, v5  }
0x97: {  	[tilespmem:s8+$0x15F0] =	vst v5;
	s8 =	simm.s32 $0x0  }
0x98: {  	s21 =	simm.s32 $0xFFFFFFC0;
	v5 =	vld [tilespmem:s8+$0x15E8]  }
.LBB2_14:
0x99: {  	p1 =	sne.s32 s21, $0xFFFFF840;
	v6 =	vld [tilespmem:s8+$0x15F0];
	_ =	sdelay $0x2  }
.Ltmp7:
0x9a: {  	(pc) =	sbr.rel @p1 .LBB2_14-.Ltmp7, $4  }
0x9b: {  	_ = 	snop  }
0x9c: {  	v5 =	vadd.s32 v6, v5  }
0x9d: {  	[tilespmem:s8+$0x15F0] =	vst v5;
	s8 =	sshra.s32 s21, $0x2  }
0x9e: {  	s21 =	sadd.s32 $0xFFFFFFC0, s21;
	v5 =	vld [tilespmem:s8+$0x15E8]  }
0x9f: {  	v6 =	vld [tilespmem:s8+$0x15F0];
	_ =	sdelay $0x4  }
0xa0: {  	v5 =	vadd.s32 v6, v5  }
0xa1: {  	[tilespmem:s8+$0x15F0] =	vst v5;
	s8 =	simm.s32 $0x0  }
0xa2: {  	s21 =	simm.s32 $0xFFFFFFC0;
	v5 =	vld [tilespmem:s8+$0x15E0]  }
.LBB2_16:
0xa3: {  	p1 =	sne.s32 s21, $0xFFFFF840;
	v6 =	vld [tilespmem:s8+$0x15F0];
	_ =	sdelay $0x1  }
.Ltmp8:
0xa4: {  	(pc) =	sbr.rel @p1 .LBB2_16-.Ltmp8, $3  }
0xa5: {  	_ =	sdelay $0x1  }
0xa6: {  	s25 =	sshra.s32 s21, $0x2;
	v6 =	vadd.s32 v6, v5  }
0xa7: {  	s21 =	sadd.s32 $0xFFFFFFC0, s21;
	v5 =	vld [tilespmem:s25+$0x15E0];
	[tilespmem:s8+$0x15F0] =	vst v6;
	s8 =	smov.u32 s25  }
0xa8: {  	v6 =	vld [tilespmem:s8+$0x15F0];
	_ =	sdelay $0x4  }
0xa9: {  	v5 =	vadd.s32 v6, v5  }
0xaa: {  	s26 =	simm.s32 $0x0;
	[tilespmem:s8+$0x15F0] =	vst v5  }
0xab: {  	s21 =	simm.s32 $0xFFFFFFC0;
	s8 =	simm.s32 $0x0;
	v5 =	vld [tilespmem:s26+$0x15D0]  }
.LBB2_18:
0xac: {  	p1 =	sne.s32 s21, $0xFFFFF840;
	v6 =	vld [tilespmem:s8+$0x15F0];
	_ =	sdelay $0x1  }
.Ltmp9:
0xad: {  	(pc) =	sbr.rel @p1 .LBB2_18-.Ltmp9, $3  }
0xae: {  	_ =	sdelay $0x1  }
0xaf: {  	s25 =	sshra.s32 s21, $0x2;
	v6 =	vadd.s32 v6, v5  }
0xb0: {  	s21 =	sadd.s32 $0xFFFFFFC0, s21;
	v5 =	vld [tilespmem:s25+$0x15D0];
	[tilespmem:s8+$0x15F0] =	vst v6;
	s8 =	smov.u32 s25  }
0xb1: {  	v6 =	vld [tilespmem:s8+$0x15F0];
	_ =	sdelay $0x4  }
0xb2: {  	v5 =	vadd.s32 v6, v5  }
0xb3: {  	[tilespmem:s8+$0x15F0] =	vst v5  }
0xb4: {  	s8 =	simm.s32 $0xFFFFFFC0;
	v5 =	vld [tilespmem:s26+$0x15B0]  }
.LBB2_20:
0xb5: {  	p1 =	sne.s32 s8, $0xFFFFF840;
	v6 =	vld [tilespmem:s26+$0x15F0];
	_ =	sdelay $0x1  }
.Ltmp10:
0xb6: {  	(pc) =	sbr.rel @p1 .LBB2_20-.Ltmp10, $3  }
0xb7: {  	_ =	sdelay $0x1  }
0xb8: {  	s21 =	sshra.s32 s8, $0x2;
	v6 =	vadd.s32 v6, v5  }
0xb9: {  	s8 =	sadd.s32 $0xFFFFFFC0, s8;
	v5 =	vld [tilespmem:s21+$0x15B0];
	[tilespmem:s26+$0x15F0] =	vst v6;
	s26 =	smov.u32 s21  }
0xba: {  	v6 =	vld [tilespmem:s26+$0x15F0];
	_ =	sdelay $0x4  }
0xbb: {  	v5 =	vadd.s32 v6, v5  }
0xbc: {  	[tilespmem:s26+$0x15F0] =	vst v5;
	s26 =	simm.s32 $0x0  }
0xbd: {  	s21 =	simm.s32 $0xFFFFFFC0;
	s8 =	simm.s32 $0x0;
	v5 =	vld [tilespmem:s26+$0x1570]  }
.LBB2_22:
0xbe: {  	p1 =	sne.s32 s21, $0xFFFFF840;
	v6 =	vld [tilespmem:s8+$0x15F0];
	_ =	sdelay $0x1  }
.Ltmp11:
0xbf: {  	(pc) =	sbr.rel @p1 .LBB2_22-.Ltmp11, $3  }
0xc0: {  	_ =	sdelay $0x1  }
0xc1: {  	s25 =	sshra.s32 s21, $0x2;
	v6 =	vadd.s32 v6, v5  }
0xc2: {  	s21 =	sadd.s32 $0xFFFFFFC0, s21;
	v5 =	vld [tilespmem:s25+$0x1570];
	[tilespmem:s8+$0x15F0] =	vst v6;
	s8 =	smov.u32 s25  }
0xc3: {  	v6 =	vld [tilespmem:s8+$0x15F0];
	_ =	sdelay $0x4  }
0xc4: {  	v5 =	vadd.s32 v6, v5  }
0xc5: {  	[tilespmem:s8+$0x15F0] =	vst v5  }
0xc6: {  	s8 =	simm.s32 $0xFFFFFFC0;
	v5 =	vld [tilespmem:s26+$0x14F0]  }
.LBB2_24:
0xc7: {  	p1 =	sne.s32 s8, $0xFFFFF840;
	v6 =	vld [tilespmem:s26+$0x15F0];
	_ =	sdelay $0x1  }
.Ltmp12:
0xc8: {  	(pc) =	sbr.rel @p1 .LBB2_24-.Ltmp12, $3  }
0xc9: {  	_ =	sdelay $0x1  }
0xca: {  	s21 =	sshra.s32 s8, $0x2;
	v6 =	vadd.s32 v6, v5  }
0xcb: {  	s8 =	sadd.s32 $0xFFFFFFC0, s8;
	v5 =	vld [tilespmem:s21+$0x14F0];
	[tilespmem:s26+$0x15F0] =	vst v6;
	s26 =	smov.u32 s21  }
0xcc: {  	v6 =	vld [tilespmem:s26+$0x15F0];
	_ =	sdelay $0x2  }
0xcd: {  	s8 =	simm.s32 $0x0  }
0xce: {  	s21 =	sand.u32 $0x180, s8  }
0xcf: {  	s8 =	sand.u32 $0x70, s8;
	s25 =	sadd.s32 s21, s4;
	v5 =	vadd.s32 v6, v5  }
0xd0: {  	s25 =	sadd.s32 s8, s25;
	[tilespmem:s26+$0x15F0] =	vst v5  }
0xd1: {  	v5 =	vld [tilespmem:s25+$0x0];
	_ =	sdelay $0x2  }
0xd2: {  	s8 =	sor.u32 s8, s21  }
0xd3: {  	v6 =	vld [tilespmem:s8+$0x1400]  }
0xd4: {  	v5 =	vadd.s32 $0xFFFFFFFF, v5  }
0xd5: {  	v7 =	vsub.s32 $0x0, v5  }
0xd6: {  	v5 =	vmin.u32 v5, v7  }
0xd7: {  	vm1 =	vlt.s32 v5, $0x1  }
0xd8: {  	v6 =	vadd.s32 v4, v6;
	v5 =	vnsel vm1, $0x1, v5  }
0xd9: {  	[dreg:$0x17] =	wrdreg s0;
	s25 =	simm.s32 $0x10;
	v5 =	vmul.u32 v6, v5  }
0xda: {  	s26 =	simm.s32 $0x1000;
	s8 =	simm.s32 $0x20;
	s21 =	sand.u32 $0x180, s25  }
.LBB2_26:
0xdb: {  	p1 =	sne.s32 s8, $0x1F0;
	s30 =	sand.u32 $0x70, s25;
	s25 =	sadd.s32 s21, s4;
	v5 =	vadd.s32 $0x1, v5  }
0xdc: {  	s31 =	sadd.s32 s30, s25;
	[tilespmem:s26+$0x0] =	vst v5;
	s25 =	smov.u32 s8  }
0xdd: {  	v5 =	vld [tilespmem:s31+$0x0];
	_ =	sdelay $0x2  }
0xde: {  	s21 =	sor.u32 s30, s21  }
0xdf: {  	v6 =	vld [tilespmem:s21+$0x1400]  }
0xe0: {  	v5 =	vadd.s32 $0xFFFFFFFF, v5  }
0xe1: {  	v7 =	vsub.s32 $0x0, v5  }
.Ltmp13:
0xe2: {  	v5 =	vmin.u32 v5, v7;
	(pc) =	sbr.rel @p1 .LBB2_26-.Ltmp13, $4  }
0xe3: {  	vm1 =	vlt.s32 v5, $0x1  }
0xe4: {  	v5 =	vnsel vm1, $0x1, v5;
	v6 =	vadd.s32 v4, v6  }
0xe5: {  	v5 =	vmul.u32 v6, v5  }
0xe6: {  	s8 =	sadd.s32 $0x10, s8;
	s26 =	sadd.s32 $0x10, s26;
	s21 =	sand.u32 $0x180, s25  }
0xe7: {  	s8 =	sand.u32 $0x70, s25;
	s19 =	sadd.s32 s21, s4;
	v5 =	vadd.s32 $0x1, v5  }
0xe8: {  	s25 =	sadd.s32 s8, s19;
	[tilespmem:s26+$0x0] =	vst v5  }
0xe9: {  	v5 =	vld [tilespmem:s25+$0x0];
	_ =	sdelay $0x2  }
0xea: {  	s8 =	sor.u32 s8, s21  }
0xeb: {  	v6 =	vld [tilespmem:s8+$0x1400]  }
0xec: {  	v5 =	vadd.s32 $0xFFFFFFFF, v5  }
0xed: {  	v7 =	vsub.s32 $0x0, v5  }
0xee: {  	v5 =	vmin.u32 v5, v7  }
0xef: {  	vm1 =	vlt.s32 v5, $0x1  }
0xf0: {  	v4 =	vadd.s32 v4, v6;
	v5 =	vnsel vm1, $0x1, v5  }
0xf1: {  	v4 =	vmul.u32 v4, v5;
	_ =	sdelay $0x1  }
0xf2: {  	s20 =	sadd.s32 $0x10, s26;
	v4 =	vadd.s32 $0x1, v4  }
0xf3: {  	[tilespmem:s20+$0x0] =	vst v4  }
0xf4: {  	v4 =	vld [tilespmem:$0x1000];
	_ =	sdelay $0x4  }
0xf5: {  	v5 =	vshll.u32 v4, $0x3  }
0xf6: {  	v4 =	vand.u32 $0x7, v4;
	v5 =	vand.u32 $0xFFFFFFC0, v5  }
0xf7: {  	v4 =	vor.u32 v4, v5  }
0xf8: {  	v5 =	vperm.xlane v4, v1;
	_ =	sdelay $0x1  }
0xf9: {  	v5 =	vadd.s32 v2, v5;
	_ =	sdelay $0x3  }
0xfa: {  	s0 =	simm.s32 $0x1600  }
0xfb: {  	[tilespmem:s0], [sflag:$0x1] =	stream.indirect_vreg.gather [hbm4b:s2+s3], $0x80, v5, vm0, $0xb8;
	[tilespmem:$0x19600] =	vst v63  }
0xfc: {  	s1 =	simm.s32 $0x1E00;
	v4 =	vperm.xlane v4, v3  }
0xfd: {  	[tilespmem:s1], [sflag:$0x1] =	stream.indirect_vreg.gather [hbm4b:s6+s3], $0x80, v5, vm0, $0xb8;
	[tilespmem:$0x19600] =	vst v63  }
0xfe: {  	s21 =	simm.s32 $0x2600;
	v4 =	vadd.s32 v2, v4  }
0xff: {  	[tilespmem:s21], [sflag:$0x1] =	stream.indirect_vreg.gather [hbm4b:s7+s3], $0x80, v5, vm0, $0xb8;
	[tilespmem:$0x19600] =	vst v63  }
0x100: {  	s24 =	simm.s32 $0x2E00  }
0x101: {  	[tilespmem:s24], [sflag:$0x1] =	stream.indirect_vreg.gather [hbm4b:s9+s3], $0x80, v5, vm0, $0xb8;
	[tilespmem:$0x19600] =	vst v63  }
0x102: {  	s25 =	simm.s32 $0x3600  }
0x103: {  	[tilespmem:s25], [sflag:$0x1] =	stream.indirect_vreg.gather [hbm4b:s2+s3], $0x80, v4, vm0, $0xb8;
	[tilespmem:$0x19600] =	vst v63  }
0x104: {  	s26 =	simm.s32 $0x3E00  }
0x105: {  	[tilespmem:s26], [sflag:$0x1] =	stream.indirect_vreg.gather [hbm4b:s6+s3], $0x80, v4, vm0, $0xb8;
	[tilespmem:$0x19600] =	vst v63  }
0x106: {  	s28 =	simm.s32 $0x4600  }
0x107: {  	[tilespmem:s28], [sflag:$0x1] =	stream.indirect_vreg.gather [hbm4b:s7+s3], $0x80, v4, vm0, $0xb8;
	[tilespmem:$0x19600] =	vst v63  }
0x108: {  	s29 =	simm.s32 $0x4E00  }
0x109: {  	[tilespmem:s29], [sflag:$0x1] =	stream.indirect_vreg.gather [hbm4b:s9+s3], $0x80, v4, vm0, $0xb8;
	[tilespmem:$0x19600] =	vst v63  }
0x10a: {  	v4 =	vld [tilespmem:$0x1010];
	_ =	sdelay $0x4  }
0x10b: {  	v5 =	vshll.u32 v4, $0x3  }
0x10c: {  	v4 =	vand.u32 $0x7, v4;
	v5 =	vand.u32 $0xFFFFFFC0, v5  }
0x10d: {  	v4 =	vor.u32 v4, v5  }
0x10e: {  	v5 =	vperm.xlane v4, v1;
	_ =	sdelay $0x1  }
0x10f: {  	v5 =	vadd.s32 v2, v5;
	_ =	sdelay $0x3  }
0x110: {  	s30 =	simm.s32 $0x5600  }
0x111: {  	[tilespmem:s30], [sflag:$0x1] =	stream.indirect_vreg.gather [hbm4b:s2+s3], $0x80, v5, vm0, $0xb8;
	[tilespmem:$0x19600] =	vst v63  }
0x112: {  	s31 =	simm.s32 $0x5E00;
	v4 =	vperm.xlane v4, v3  }
0x113: {  	[tilespmem:s31], [sflag:$0x1] =	stream.indirect_vreg.gather [hbm4b:s6+s3], $0x80, v5, vm0, $0xb8;
	[tilespmem:$0x19600] =	vst v63  }
0x114: {  	s0 =	simm.s32 $0x6600;
	v4 =	vadd.s32 v2, v4  }
0x115: {  	[tilespmem:s0], [sflag:$0x1] =	stream.indirect_vreg.gather [hbm4b:s7+s3], $0x80, v5, vm0, $0xb8;
	[tilespmem:$0x19600] =	vst v63  }
0x116: {  	s8 =	simm.s32 $0x6E00  }
0x117: {  	[tilespmem:s8], [sflag:$0x1] =	stream.indirect_vreg.gather [hbm4b:s9+s3], $0x80, v5, vm0, $0xb8;
	[tilespmem:$0x19600] =	vst v63  }
0x118: {  	s10 =	simm.s32 $0x7600  }
0x119: {  	[tilespmem:s10], [sflag:$0x1] =	stream.indirect_vreg.gather [hbm4b:s2+s3], $0x80, v4, vm0, $0xb8;
	[tilespmem:$0x19600] =	vst v63  }
0x11a: {  	s11 =	simm.s32 $0x7E00  }
0x11b: {  	[tilespmem:s11], [sflag:$0x1] =	stream.indirect_vreg.gather [hbm4b:s6+s3], $0x80, v4, vm0, $0xb8;
	[tilespmem:$0x19600] =	vst v63  }
0x11c: {  	s15 =	simm.s32 $0x8600  }
0x11d: {  	[tilespmem:s15], [sflag:$0x1] =	stream.indirect_vreg.gather [hbm4b:s7+s3], $0x80, v4, vm0, $0xb8;
	[tilespmem:$0x19600] =	vst v63  }
0x11e: {  	s16 =	simm.s32 $0x8E00  }
0x11f: {  	[tilespmem:s16], [sflag:$0x1] =	stream.indirect_vreg.gather [hbm4b:s9+s3], $0x80, v4, vm0, $0xb8;
	[tilespmem:$0x19600] =	vst v63  }
0x120: {  	v4 =	vld [tilespmem:$0x1020];
	_ =	sdelay $0x4  }
0x121: {  	v5 =	vshll.u32 v4, $0x3  }
0x122: {  	v4 =	vand.u32 $0x7, v4;
	v5 =	vand.u32 $0xFFFFFFC0, v5  }
0x123: {  	v4 =	vor.u32 v4, v5  }
0x124: {  	v5 =	vperm.xlane v4, v1;
	_ =	sdelay $0x1  }
0x125: {  	v5 =	vadd.s32 v2, v5;
	_ =	sdelay $0x3  }
0x126: {  	s17 =	simm.s32 $0x9600  }
0x127: {  	[tilespmem:s17], [sflag:$0x1] =	stream.indirect_vreg.gather [hbm4b:s2+s3], $0x80, v5, vm0, $0xb8;
	[tilespmem:$0x19600] =	vst v63  }
0x128: {  	s18 =	simm.s32 $0x9E00;
	v4 =	vperm.xlane v4, v3  }
0x129: {  	[tilespmem:s18], [sflag:$0x1] =	stream.indirect_vreg.gather [hbm4b:s6+s3], $0x80, v5, vm0, $0xb8;
	[tilespmem:$0x19600] =	vst v63  }
0x12a: {  	s19 =	simm.s32 $0xA600;
	v4 =	vadd.s32 v2, v4  }
0x12b: {  	[tilespmem:s19], [sflag:$0x1] =	stream.indirect_vreg.gather [hbm4b:s7+s3], $0x80, v5, vm0, $0xb8;
	[tilespmem:$0x19600] =	vst v63  }
0x12c: {  	s20 =	simm.s32 $0xAE00  }
0x12d: {  	[tilespmem:s20], [sflag:$0x1] =	stream.indirect_vreg.gather [hbm4b:s9+s3], $0x80, v5, vm0, $0xb8;
	[tilespmem:$0x19600] =	vst v63  }
0x12e: {  	s21 =	simm.s32 $0xB600  }
0x12f: {  	[tilespmem:s21], [sflag:$0x1] =	stream.indirect_vreg.gather [hbm4b:s2+s3], $0x80, v4, vm0, $0xb8;
	[tilespmem:$0x19600] =	vst v63  }
0x130: {  	s24 =	simm.s32 $0xBE00  }
0x131: {  	[tilespmem:s24], [sflag:$0x1] =	stream.indirect_vreg.gather [hbm4b:s6+s3], $0x80, v4, vm0, $0xb8;
	[tilespmem:$0x19600] =	vst v63  }
0x132: {  	s25 =	simm.s32 $0xC600  }
0x133: {  	[tilespmem:s25], [sflag:$0x1] =	stream.indirect_vreg.gather [hbm4b:s7+s3], $0x80, v4, vm0, $0xb8;
	[tilespmem:$0x19600] =	vst v63  }
0x134: {  	s26 =	simm.s32 $0xCE00  }
0x135: {  	[tilespmem:s26], [sflag:$0x1] =	stream.indirect_vreg.gather [hbm4b:s9+s3], $0x80, v4, vm0, $0xb8;
	[tilespmem:$0x19600] =	vst v63  }
0x136: {  	v4 =	vld [tilespmem:$0x1030];
	_ =	sdelay $0x4  }
0x137: {  	v5 =	vshll.u32 v4, $0x3  }
0x138: {  	v4 =	vand.u32 $0x7, v4;
	v5 =	vand.u32 $0xFFFFFFC0, v5  }
0x139: {  	v4 =	vor.u32 v4, v5  }
0x13a: {  	v5 =	vperm.xlane v4, v1;
	_ =	sdelay $0x1  }
0x13b: {  	v5 =	vadd.s32 v2, v5;
	_ =	sdelay $0x3  }
0x13c: {  	s28 =	simm.s32 $0xD600  }
0x13d: {  	[tilespmem:s28], [sflag:$0x1] =	stream.indirect_vreg.gather [hbm4b:s2+s3], $0x80, v5, vm0, $0xb8;
	[tilespmem:$0x19600] =	vst v63  }
0x13e: {  	s29 =	simm.s32 $0xDE00;
	v4 =	vperm.xlane v4, v3  }
0x13f: {  	[tilespmem:s29], [sflag:$0x1] =	stream.indirect_vreg.gather [hbm4b:s6+s3], $0x80, v5, vm0, $0xb8;
	[tilespmem:$0x19600] =	vst v63  }
0x140: {  	s30 =	simm.s32 $0xE600;
	v4 =	vadd.s32 v2, v4  }
0x141: {  	[tilespmem:s30], [sflag:$0x1] =	stream.indirect_vreg.gather [hbm4b:s7+s3], $0x80, v5, vm0, $0xb8;
	[tilespmem:$0x19600] =	vst v63  }
0x142: {  	s31 =	simm.s32 $0xEE00  }
0x143: {  	[tilespmem:s31], [sflag:$0x1] =	stream.indirect_vreg.gather [hbm4b:s9+s3], $0x80, v5, vm0, $0xb8;
	[tilespmem:$0x19600] =	vst v63  }
0x144: {  	s8 =	simm.s32 $0xF600  }
0x145: {  	[tilespmem:s8], [sflag:$0x1] =	stream.indirect_vreg.gather [hbm4b:s2+s3], $0x80, v4, vm0, $0xb8;
	[tilespmem:$0x19600] =	vst v63  }
0x146: {  	s10 =	simm.s32 $0xFE00  }
0x147: {  	[tilespmem:s10], [sflag:$0x1] =	stream.indirect_vreg.gather [hbm4b:s6+s3], $0x80, v4, vm0, $0xb8;
	[tilespmem:$0x19600] =	vst v63  }
0x148: {  	s11 =	simm.s32 $0x10600  }
0x149: {  	[tilespmem:s11], [sflag:$0x1] =	stream.indirect_vreg.gather [hbm4b:s7+s3], $0x80, v4, vm0, $0xb8;
	[tilespmem:$0x19600] =	vst v63  }
0x14a: {  	s15 =	simm.s32 $0x10E00  }
0x14b: {  	[tilespmem:s15], [sflag:$0x1] =	stream.indirect_vreg.gather [hbm4b:s9+s3], $0x80, v4, vm0, $0xb8;
	[tilespmem:$0x19600] =	vst v63  }
0x14c: {  	v4 =	vld [tilespmem:$0x1040];
	_ =	sdelay $0x4  }
0x14d: {  	v5 =	vshll.u32 v4, $0x3  }
0x14e: {  	v4 =	vand.u32 $0x7, v4;
	v5 =	vand.u32 $0xFFFFFFC0, v5  }
0x14f: {  	v4 =	vor.u32 v4, v5  }
0x150: {  	v5 =	vperm.xlane v4, v1;
	_ =	sdelay $0x1  }
0x151: {  	v5 =	vadd.s32 v2, v5;
	_ =	sdelay $0x3  }
0x152: {  	s16 =	simm.s32 $0x11600  }
0x153: {  	[tilespmem:s16], [sflag:$0x1] =	stream.indirect_vreg.gather [hbm4b:s2+s3], $0x80, v5, vm0, $0xb8;
	[tilespmem:$0x19600] =	vst v63  }
0x154: {  	s18 =	simm.s32 $0x11E00;
	v4 =	vperm.xlane v4, v3  }
0x155: {  	[tilespmem:s18], [sflag:$0x1] =	stream.indirect_vreg.gather [hbm4b:s6+s3], $0x80, v5, vm0, $0xb8;
	[tilespmem:$0x19600] =	vst v63  }
0x156: {  	s19 =	simm.s32 $0x12600;
	v4 =	vadd.s32 v2, v4  }
0x157: {  	[tilespmem:s19], [sflag:$0x1] =	stream.indirect_vreg.gather [hbm4b:s7+s3], $0x80, v5, vm0, $0xb8;
	[tilespmem:$0x19600] =	vst v63  }
0x158: {  	s20 =	simm.s32 $0x12E00  }
0x159: {  	[tilespmem:s20], [sflag:$0x1] =	stream.indirect_vreg.gather [hbm4b:s9+s3], $0x80, v5, vm0, $0xb8;
	[tilespmem:$0x19600] =	vst v63  }
0x15a: {  	s24 =	simm.s32 $0x13600  }
0x15b: {  	[tilespmem:s24], [sflag:$0x1] =	stream.indirect_vreg.gather [hbm4b:s2+s3], $0x80, v4, vm0, $0xb8;
	[tilespmem:$0x19600] =	vst v63  }
0x15c: {  	s28 =	simm.s32 $0x13E00  }
0x15d: {  	[tilespmem:s28], [sflag:$0x1] =	stream.indirect_vreg.gather [hbm4b:s6+s3], $0x80, v4, vm0, $0xb8;
	[tilespmem:$0x19600] =	vst v63  }
0x15e: {  	s29 =	simm.s32 $0x14600  }
0x15f: {  	[tilespmem:s29], [sflag:$0x1] =	stream.indirect_vreg.gather [hbm4b:s7+s3], $0x80, v4, vm0, $0xb8;
	[tilespmem:$0x19600] =	vst v63  }
0x160: {  	s30 =	simm.s32 $0x14E00  }
0x161: {  	[tilespmem:s30], [sflag:$0x1] =	stream.indirect_vreg.gather [hbm4b:s9+s3], $0x80, v4, vm0, $0xb8;
	[tilespmem:$0x19600] =	vst v63  }
0x162: {  	v4 =	vld [tilespmem:$0x1050];
	_ =	sdelay $0x4  }
0x163: {  	v5 =	vshll.u32 v4, $0x3  }
0x164: {  	v4 =	vand.u32 $0x7, v4;
	v5 =	vand.u32 $0xFFFFFFC0, v5  }
0x165: {  	v4 =	vor.u32 v4, v5  }
0x166: {  	v5 =	vperm.xlane v4, v1;
	_ =	sdelay $0x1  }
0x167: {  	v5 =	vadd.s32 v2, v5;
	_ =	sdelay $0x3  }
0x168: {  	s31 =	simm.s32 $0x15600  }
0x169: {  	[tilespmem:s31], [sflag:$0x1] =	stream.indirect_vreg.gather [hbm4b:s2+s3], $0x80, v5, vm0, $0xb8;
	[tilespmem:$0x19600] =	vst v63  }
0x16a: {  	s1 =	simm.s32 $0x15E00;
	v4 =	vperm.xlane v4, v3  }
0x16b: {  	[tilespmem:s1], [sflag:$0x1] =	stream.indirect_vreg.gather [hbm4b:s6+s3], $0x80, v5, vm0, $0xb8;
	[tilespmem:$0x19600] =	vst v63  }
0x16c: {  	s10 =	simm.s32 $0x16600;
	v4 =	vadd.s32 v2, v4  }
0x16d: {  	[tilespmem:s10], [sflag:$0x1] =	stream.indirect_vreg.gather [hbm4b:s7+s3], $0x80, v5, vm0, $0xb8;
	[tilespmem:$0x19600] =	vst v63  }
0x16e: {  	s11 =	simm.s32 $0x16E00  }
0x16f: {  	[tilespmem:s11], [sflag:$0x1] =	stream.indirect_vreg.gather [hbm4b:s9+s3], $0x80, v5, vm0, $0xb8;
	[tilespmem:$0x19600] =	vst v63  }
0x170: {  	s15 =	simm.s32 $0x17600  }
0x171: {  	[tilespmem:s15], [sflag:$0x1] =	stream.indirect_vreg.gather [hbm4b:s2+s3], $0x80, v4, vm0, $0xb8;
	[tilespmem:$0x19600] =	vst v63  }
0x172: {  	s16 =	simm.s32 $0x17E00  }
0x173: {  	[tilespmem:s16], [sflag:$0x1] =	stream.indirect_vreg.gather [hbm4b:s6+s3], $0x80, v4, vm0, $0xb8;
	[tilespmem:$0x19600] =	vst v63  }
0x174: {  	s18 =	simm.s32 $0x18600  }
0x175: {  	[tilespmem:s18], [sflag:$0x1] =	stream.indirect_vreg.gather [hbm4b:s7+s3], $0x80, v4, vm0, $0xb8;
	[tilespmem:$0x19600] =	vst v63  }
0x176: {  	s19 =	simm.s32 $0x18E00  }
0x177: {  	[tilespmem:s19], [sflag:$0x1] =	stream.indirect_vreg.gather [hbm4b:s9+s3], $0x80, v4, vm0, $0xb8;
	[tilespmem:$0x19600] =	vst v63  }
0x178: {  	_ =	swait.ge [sflag:s22], $0x8000  }
0x179: {  	[sflag:s22] =	ssyncset.done $0x0  }
0x17a: {  	s24 =	simm.s32 $0x1600;
	s20 =	rddreg [dreg:$0x5];
	[sflag:s22] =	ssyncadd.s32 $0xFFFF8000  }
0x17b: {  	[hbm4b:s20+s3] =	stream.linear.scatter [tilespmem:s24], [sflag:$0x2], $0x8000, $0x38;
	[tilespmem:$0x19600] =	vst v63  }
0x17c: {  	_ =	swait.ge [sflag:s23], $0x8000  }
0x17d: {  	[sflag:s23] =	ssyncset.done $0x0  }
0x17e: {  	[sflag:s23] =	ssyncadd.s32 $0xFFFF8000  }
0x17f: {  	v4 =	vld [tilespmem:$0x1060];
	_ =	sdelay $0x4  }
0x180: {  	v5 =	vshll.u32 v4, $0x3  }
0x181: {  	v4 =	vand.u32 $0x7, v4;
	v5 =	vand.u32 $0xFFFFFFC0, v5  }
0x182: {  	v4 =	vor.u32 v4, v5  }
0x183: {  	v5 =	vperm.xlane v4, v1;
	_ =	sdelay $0x1  }
0x184: {  	v5 =	vadd.s32 v2, v5;
	_ =	sdelay $0x4  }
0x185: {  	[tilespmem:s24], [sflag:$0x1] =	stream.indirect_vreg.gather [hbm4b:s2+s3], $0x80, v5, vm0, $0xb8;
	[tilespmem:$0x19600] =	vst v63  }
0x186: {  	s5 =	simm.s32 $0x1E00;
	v4 =	vperm.xlane v4, v3  }
0x187: {  	[tilespmem:s5], [sflag:$0x1] =	stream.indirect_vreg.gather [hbm4b:s6+s3], $0x80, v5, vm0, $0xb8;
	[tilespmem:$0x19600] =	vst v63  }
0x188: {  	v4 =	vadd.s32 v2, v4;
	s24 =	simm.s32 $0x2600  }
0x189: {  	[tilespmem:s24], [sflag:$0x1] =	stream.indirect_vreg.gather [hbm4b:s7+s3], $0x80, v5, vm0, $0xb8;
	[tilespmem:$0x19600] =	vst v63  }
0x18a: {  	s20 =	simm.s32 $0x2E00  }
0x18b: {  	[tilespmem:s20], [sflag:$0x1] =	stream.indirect_vreg.gather [hbm4b:s9+s3], $0x80, v5, vm0, $0xb8;
	[tilespmem:$0x19600] =	vst v63  }
0x18c: {  	s5 =	simm.s32 $0x3600  }
0x18d: {  	[tilespmem:s5], [sflag:$0x1] =	stream.indirect_vreg.gather [hbm4b:s2+s3], $0x80, v4, vm0, $0xb8;
	[tilespmem:$0x19600] =	vst v63  }
0x18e: {  	s10 =	simm.s32 $0x3E00  }
0x18f: {  	[tilespmem:s10], [sflag:$0x1] =	stream.indirect_vreg.gather [hbm4b:s6+s3], $0x80, v4, vm0, $0xb8;
	[tilespmem:$0x19600] =	vst v63  }
0x190: {  	s11 =	simm.s32 $0x4600  }
0x191: {  	[tilespmem:s11], [sflag:$0x1] =	stream.indirect_vreg.gather [hbm4b:s7+s3], $0x80, v4, vm0, $0xb8;
	[tilespmem:$0x19600] =	vst v63  }
0x192: {  	s12 =	simm.s32 $0x4E00  }
0x193: {  	[tilespmem:s12], [sflag:$0x1] =	stream.indirect_vreg.gather [hbm4b:s9+s3], $0x80, v4, vm0, $0xb8;
	[tilespmem:$0x19600] =	vst v63  }
0x194: {  	v4 =	vld [tilespmem:$0x1070];
	_ =	sdelay $0x4  }
0x195: {  	v5 =	vshll.u32 v4, $0x3  }
0x196: {  	v4 =	vand.u32 $0x7, v4;
	v5 =	vand.u32 $0xFFFFFFC0, v5  }
0x197: {  	v4 =	vor.u32 v4, v5  }
0x198: {  	v5 =	vperm.xlane v4, v1;
	_ =	sdelay $0x1  }
0x199: {  	v5 =	vadd.s32 v2, v5;
	_ =	sdelay $0x3  }
0x19a: {  	s13 =	simm.s32 $0x5600  }
0x19b: {  	[tilespmem:s13], [sflag:$0x1] =	stream.indirect_vreg.gather [hbm4b:s2+s3], $0x80, v5, vm0, $0xb8;
	[tilespmem:$0x19600] =	vst v63  }
0x19c: {  	s14 =	simm.s32 $0x5E00;
	v4 =	vperm.xlane v4, v3  }
0x19d: {  	[tilespmem:s14], [sflag:$0x1] =	stream.indirect_vreg.gather [hbm4b:s6+s3], $0x80, v5, vm0, $0xb8;
	[tilespmem:$0x19600] =	vst v63  }
0x19e: {  	s12 =	simm.s32 $0x6600;
	v4 =	vadd.s32 v2, v4  }
0x19f: {  	[tilespmem:s12], [sflag:$0x1] =	stream.indirect_vreg.gather [hbm4b:s7+s3], $0x80, v5, vm0, $0xb8;
	[tilespmem:$0x19600] =	vst v63  }
0x1a0: {  	s13 =	simm.s32 $0x6E00  }
0x1a1: {  	[tilespmem:s13], [sflag:$0x1] =	stream.indirect_vreg.gather [hbm4b:s9+s3], $0x80, v5, vm0, $0xb8;
	[tilespmem:$0x19600] =	vst v63  }
0x1a2: {  	s14 =	simm.s32 $0x7600  }
0x1a3: {  	[tilespmem:s14], [sflag:$0x1] =	stream.indirect_vreg.gather [hbm4b:s2+s3], $0x80, v4, vm0, $0xb8;
	[tilespmem:$0x19600] =	vst v63  }
0x1a4: {  	s15 =	simm.s32 $0x7E00  }
0x1a5: {  	[tilespmem:s15], [sflag:$0x1] =	stream.indirect_vreg.gather [hbm4b:s6+s3], $0x80, v4, vm0, $0xb8;
	[tilespmem:$0x19600] =	vst v63  }
0x1a6: {  	s16 =	simm.s32 $0x8600  }
0x1a7: {  	[tilespmem:s16], [sflag:$0x1] =	stream.indirect_vreg.gather [hbm4b:s7+s3], $0x80, v4, vm0, $0xb8;
	[tilespmem:$0x19600] =	vst v63  }
0x1a8: {  	s0 =	simm.s32 $0x8E00  }
0x1a9: {  	[tilespmem:s0], [sflag:$0x1] =	stream.indirect_vreg.gather [hbm4b:s9+s3], $0x80, v4, vm0, $0xb8;
	[tilespmem:$0x19600] =	vst v63  }
0x1aa: {  	_ =	swait.ge [sflag:s22], $0x8000  }
0x1ab: {  	[sflag:s22] =	ssyncset.done $0x0  }
0x1ac: {  	s29 =	simm.s32 $0x9600;
	s28 =	rddreg [dreg:$0x6];
	[sflag:s22] =	ssyncadd.s32 $0xFFFF8000  }
0x1ad: {  	[hbm4b:s28+s3] =	stream.linear.scatter [tilespmem:s29], [sflag:$0x2], $0x8000, $0x38;
	[tilespmem:$0x19600] =	vst v63  }
0x1ae: {  	_ =	swait.ge [sflag:s23], $0x8000  }
0x1af: {  	[sflag:s23] =	ssyncset.done $0x0  }
0x1b0: {  	[sflag:s23] =	ssyncadd.s32 $0xFFFF8000  }
0x1b1: {  	v4 =	vld [tilespmem:$0x1080];
	_ =	sdelay $0x4  }
0x1b2: {  	v5 =	vshll.u32 v4, $0x3  }
0x1b3: {  	v4 =	vand.u32 $0x7, v4;
	v5 =	vand.u32 $0xFFFFFFC0, v5  }
0x1b4: {  	v4 =	vor.u32 v4, v5  }
0x1b5: {  	v5 =	vperm.xlane v4, v1;
	_ =	sdelay $0x1  }
0x1b6: {  	v5 =	vadd.s32 v2, v5;
	_ =	sdelay $0x4  }
0x1b7: {  	[tilespmem:s29], [sflag:$0x1] =	stream.indirect_vreg.gather [hbm4b:s2+s3], $0x80, v5, vm0, $0xb8;
	[tilespmem:$0x19600] =	vst v63  }
0x1b8: {  	s17 =	simm.s32 $0x9E00;
	v4 =	vperm.xlane v4, v3  }
0x1b9: {  	[tilespmem:s17], [sflag:$0x1] =	stream.indirect_vreg.gather [hbm4b:s6+s3], $0x80, v5, vm0, $0xb8;
	[tilespmem:$0x19600] =	vst v63  }
0x1ba: {  	s31 =	simm.s32 $0xA600;
	v4 =	vadd.s32 v2, v4  }
0x1bb: {  	[tilespmem:s31], [sflag:$0x1] =	stream.indirect_vreg.gather [hbm4b:s7+s3], $0x80, v5, vm0, $0xb8;
	[tilespmem:$0x19600] =	vst v63  }
0x1bc: {  	s30 =	simm.s32 $0xAE00  }
0x1bd: {  	[tilespmem:s30], [sflag:$0x1] =	stream.indirect_vreg.gather [hbm4b:s9+s3], $0x80, v5, vm0, $0xb8;
	[tilespmem:$0x19600] =	vst v63  }
0x1be: {  	s17 =	simm.s32 $0xB600  }
0x1bf: {  	[tilespmem:s17], [sflag:$0x1] =	stream.indirect_vreg.gather [hbm4b:s2+s3], $0x80, v4, vm0, $0xb8;
	[tilespmem:$0x19600] =	vst v63  }
0x1c0: {  	s18 =	simm.s32 $0xBE00  }
0x1c1: {  	[tilespmem:s18], [sflag:$0x1] =	stream.indirect_vreg.gather [hbm4b:s6+s3], $0x80, v4, vm0, $0xb8;
	[tilespmem:$0x19600] =	vst v63  }
0x1c2: {  	s19 =	simm.s32 $0xC600  }
0x1c3: {  	[tilespmem:s19], [sflag:$0x1] =	stream.indirect_vreg.gather [hbm4b:s7+s3], $0x80, v4, vm0, $0xb8;
	[tilespmem:$0x19600] =	vst v63  }
0x1c4: {  	s21 =	simm.s32 $0xCE00  }
0x1c5: {  	[tilespmem:s21], [sflag:$0x1] =	stream.indirect_vreg.gather [hbm4b:s9+s3], $0x80, v4, vm0, $0xb8;
	[tilespmem:$0x19600] =	vst v63  }
0x1c6: {  	v4 =	vld [tilespmem:$0x1090];
	_ =	sdelay $0x4  }
0x1c7: {  	v5 =	vshll.u32 v4, $0x3  }
0x1c8: {  	v4 =	vand.u32 $0x7, v4;
	v5 =	vand.u32 $0xFFFFFFC0, v5  }
0x1c9: {  	v4 =	vor.u32 v4, v5  }
0x1ca: {  	v5 =	vperm.xlane v4, v1;
	_ =	sdelay $0x1  }
0x1cb: {  	v5 =	vadd.s32 v2, v5;
	_ =	sdelay $0x3  }
0x1cc: {  	s25 =	simm.s32 $0xD600  }
0x1cd: {  	[tilespmem:s25], [sflag:$0x1] =	stream.indirect_vreg.gather [hbm4b:s2+s3], $0x80, v5, vm0, $0xb8;
	[tilespmem:$0x19600] =	vst v63  }
0x1ce: {  	s26 =	simm.s32 $0xDE00;
	v4 =	vperm.xlane v4, v3  }
0x1cf: {  	[tilespmem:s26], [sflag:$0x1] =	stream.indirect_vreg.gather [hbm4b:s6+s3], $0x80, v5, vm0, $0xb8;
	[tilespmem:$0x19600] =	vst v63  }
0x1d0: {  	s21 =	simm.s32 $0xE600;
	v4 =	vadd.s32 v2, v4  }
0x1d1: {  	[tilespmem:s21], [sflag:$0x1] =	stream.indirect_vreg.gather [hbm4b:s7+s3], $0x80, v5, vm0, $0xb8;
	[tilespmem:$0x19600] =	vst v63  }
0x1d2: {  	s25 =	simm.s32 $0xEE00  }
0x1d3: {  	[tilespmem:s25], [sflag:$0x1] =	stream.indirect_vreg.gather [hbm4b:s9+s3], $0x80, v5, vm0, $0xb8;
	[tilespmem:$0x19600] =	vst v63  }
0x1d4: {  	s26 =	simm.s32 $0xF600  }
0x1d5: {  	[tilespmem:s26], [sflag:$0x1] =	stream.indirect_vreg.gather [hbm4b:s2+s3], $0x80, v4, vm0, $0xb8;
	[tilespmem:$0x19600] =	vst v63  }
0x1d6: {  	s28 =	simm.s32 $0xFE00  }
0x1d7: {  	[tilespmem:s28], [sflag:$0x1] =	stream.indirect_vreg.gather [hbm4b:s6+s3], $0x80, v4, vm0, $0xb8;
	[tilespmem:$0x19600] =	vst v63  }
0x1d8: {  	s29 =	simm.s32 $0x10600  }
0x1d9: {  	[tilespmem:s29], [sflag:$0x1] =	stream.indirect_vreg.gather [hbm4b:s7+s3], $0x80, v4, vm0, $0xb8;
	[tilespmem:$0x19600] =	vst v63  }
0x1da: {  	s30 =	simm.s32 $0x10E00  }
0x1db: {  	[tilespmem:s30], [sflag:$0x1] =	stream.indirect_vreg.gather [hbm4b:s9+s3], $0x80, v4, vm0, $0xb8;
	[tilespmem:$0x19600] =	vst v63  }
0x1dc: {  	_ =	swait.ge [sflag:s22], $0x8000  }
0x1dd: {  	[sflag:s22] =	ssyncset.done $0x0  }
0x1de: {  	s0 =	simm.s32 $0x11600;
	s8 =	rddreg [dreg:$0x7];
	[sflag:s22] =	ssyncadd.s32 $0xFFFF8000  }
0x1df: {  	[hbm4b:s8+s3] =	stream.linear.scatter [tilespmem:s0], [sflag:$0x2], $0x8000, $0x38;
	[tilespmem:$0x19600] =	vst v63  }
0x1e0: {  	_ =	swait.ge [sflag:s23], $0x8000  }
0x1e1: {  	[sflag:s23] =	ssyncset.done $0x0  }
0x1e2: {  	[sflag:s23] =	ssyncadd.s32 $0xFFFF8000  }
0x1e3: {  	v4 =	vld [tilespmem:$0x10A0];
	_ =	sdelay $0x4  }
0x1e4: {  	v5 =	vshll.u32 v4, $0x3  }
0x1e5: {  	v4 =	vand.u32 $0x7, v4;
	v5 =	vand.u32 $0xFFFFFFC0, v5  }
0x1e6: {  	v4 =	vor.u32 v4, v5  }
0x1e7: {  	v5 =	vperm.xlane v4, v1;
	_ =	sdelay $0x1  }
0x1e8: {  	v5 =	vadd.s32 v2, v5;
	_ =	sdelay $0x4  }
0x1e9: {  	[tilespmem:s0], [sflag:$0x1] =	stream.indirect_vreg.gather [hbm4b:s2+s3], $0x80, v5, vm0, $0xb8;
	[tilespmem:$0x19600] =	vst v63  }
0x1ea: {  	s8 =	simm.s32 $0x11E00;
	v4 =	vperm.xlane v4, v3  }
0x1eb: {  	[tilespmem:s8], [sflag:$0x1] =	stream.indirect_vreg.gather [hbm4b:s6+s3], $0x80, v5, vm0, $0xb8;
	[tilespmem:$0x19600] =	vst v63  }
0x1ec: {  	v4 =	vadd.s32 v2, v4;
	s8 =	simm.s32 $0x12600  }
0x1ed: {  	[tilespmem:s8], [sflag:$0x1] =	stream.indirect_vreg.gather [hbm4b:s7+s3], $0x80, v5, vm0, $0xb8;
	[tilespmem:$0x19600] =	vst v63  }
0x1ee: {  	s8 =	simm.s32 $0x12E00  }
0x1ef: {  	[tilespmem:s8], [sflag:$0x1] =	stream.indirect_vreg.gather [hbm4b:s9+s3], $0x80, v5, vm0, $0xb8;
	[tilespmem:$0x19600] =	vst v63  }
0x1f0: {  	s8 =	simm.s32 $0x13600  }
0x1f1: {  	[tilespmem:s8], [sflag:$0x1] =	stream.indirect_vreg.gather [hbm4b:s2+s3], $0x80, v4, vm0, $0xb8;
	[tilespmem:$0x19600] =	vst v63  }
0x1f2: {  	s8 =	simm.s32 $0x13E00  }
0x1f3: {  	[tilespmem:s8], [sflag:$0x1] =	stream.indirect_vreg.gather [hbm4b:s6+s3], $0x80, v4, vm0, $0xb8;
	[tilespmem:$0x19600] =	vst v63  }
0x1f4: {  	s8 =	simm.s32 $0x14600  }
0x1f5: {  	[tilespmem:s8], [sflag:$0x1] =	stream.indirect_vreg.gather [hbm4b:s7+s3], $0x80, v4, vm0, $0xb8;
	[tilespmem:$0x19600] =	vst v63  }
0x1f6: {  	s8 =	simm.s32 $0x14E00  }
0x1f7: {  	[tilespmem:s8], [sflag:$0x1] =	stream.indirect_vreg.gather [hbm4b:s9+s3], $0x80, v4, vm0, $0xb8;
	[tilespmem:$0x19600] =	vst v63  }
0x1f8: {  	v4 =	vld [tilespmem:$0x10B0];
	_ =	sdelay $0x4  }
0x1f9: {  	v5 =	vshll.u32 v4, $0x3  }
0x1fa: {  	v4 =	vand.u32 $0x7, v4;
	v5 =	vand.u32 $0xFFFFFFC0, v5  }
0x1fb: {  	v4 =	vor.u32 v4, v5  }
0x1fc: {  	v5 =	vperm.xlane v4, v1;
	_ =	sdelay $0x1  }
0x1fd: {  	v5 =	vadd.s32 v2, v5;
	_ =	sdelay $0x3  }
0x1fe: {  	s8 =	simm.s32 $0x15600  }
0x1ff: {  	[tilespmem:s8], [sflag:$0x1] =	stream.indirect_vreg.gather [hbm4b:s2+s3], $0x80, v5, vm0, $0xb8;
	[tilespmem:$0x19600] =	vst v63  }
0x200: {  	v4 =	vperm.xlane v4, v3;
	s8 =	simm.s32 $0x15E00  }
0x201: {  	[tilespmem:s8], [sflag:$0x1] =	stream.indirect_vreg.gather [hbm4b:s6+s3], $0x80, v5, vm0, $0xb8;
	[tilespmem:$0x19600] =	vst v63  }
0x202: {  	v4 =	vadd.s32 v2, v4;
	s8 =	simm.s32 $0x16600  }
0x203: {  	[tilespmem:s8], [sflag:$0x1] =	stream.indirect_vreg.gather [hbm4b:s7+s3], $0x80, v5, vm0, $0xb8;
	[tilespmem:$0x19600] =	vst v63  }
0x204: {  	s8 =	simm.s32 $0x16E00  }
0x205: {  	[tilespmem:s8], [sflag:$0x1] =	stream.indirect_vreg.gather [hbm4b:s9+s3], $0x80, v5, vm0, $0xb8;
	[tilespmem:$0x19600] =	vst v63  }
0x206: {  	s8 =	simm.s32 $0x17600  }
0x207: {  	[tilespmem:s8], [sflag:$0x1] =	stream.indirect_vreg.gather [hbm4b:s2+s3], $0x80, v4, vm0, $0xb8;
	[tilespmem:$0x19600] =	vst v63  }
0x208: {  	s8 =	simm.s32 $0x17E00  }
0x209: {  	[tilespmem:s8], [sflag:$0x1] =	stream.indirect_vreg.gather [hbm4b:s6+s3], $0x80, v4, vm0, $0xb8;
	[tilespmem:$0x19600] =	vst v63  }
0x20a: {  	s8 =	simm.s32 $0x18600  }
0x20b: {  	[tilespmem:s8], [sflag:$0x1] =	stream.indirect_vreg.gather [hbm4b:s7+s3], $0x80, v4, vm0, $0xb8;
	[tilespmem:$0x19600] =	vst v63  }
0x20c: {  	s8 =	simm.s32 $0x18E00  }
0x20d: {  	[tilespmem:s8], [sflag:$0x1] =	stream.indirect_vreg.gather [hbm4b:s9+s3], $0x80, v4, vm0, $0xb8;
	[tilespmem:$0x19600] =	vst v63  }
0x20e: {  	_ =	swait.ge [sflag:s22], $0x8000  }
0x20f: {  	[sflag:s22] =	ssyncset.done $0x0  }
0x210: {  	s0 =	simm.s32 $0x1600;
	s8 =	rddreg [dreg:$0x8];
	[sflag:s22] =	ssyncadd.s32 $0xFFFF8000  }
0x211: {  	[hbm4b:s8+s3] =	stream.linear.scatter [tilespmem:s0], [sflag:$0x2], $0x8000, $0x38;
	[tilespmem:$0x19600] =	vst v63  }
0x212: {  	_ =	swait.ge [sflag:s23], $0x8000  }
0x213: {  	[sflag:s23] =	ssyncset.done $0x0  }
0x214: {  	[sflag:s23] =	ssyncadd.s32 $0xFFFF8000  }
0x215: {  	v4 =	vld [tilespmem:$0x10C0];
	_ =	sdelay $0x4  }
0x216: {  	v5 =	vshll.u32 v4, $0x3  }
0x217: {  	v4 =	vand.u32 $0x7, v4;
	v5 =	vand.u32 $0xFFFFFFC0, v5  }
0x218: {  	v4 =	vor.u32 v4, v5  }
0x219: {  	v5 =	vperm.xlane v4, v1;
	_ =	sdelay $0x1  }
0x21a: {  	v5 =	vadd.s32 v2, v5;
	_ =	sdelay $0x4  }
0x21b: {  	[tilespmem:s0], [sflag:$0x1] =	stream.indirect_vreg.gather [hbm4b:s2+s3], $0x80, v5, vm0, $0xb8;
	[tilespmem:$0x19600] =	vst v63  }
0x21c: {  	s1 =	simm.s32 $0x1E00;
	v4 =	vperm.xlane v4, v3  }
0x21d: {  	[tilespmem:s1], [sflag:$0x1] =	stream.indirect_vreg.gather [hbm4b:s6+s3], $0x80, v5, vm0, $0xb8;
	[tilespmem:$0x19600] =	vst v63  }
0x21e: {  	v4 =	vadd.s32 v2, v4  }
0x21f: {  	[tilespmem:s24], [sflag:$0x1] =	stream.indirect_vreg.gather [hbm4b:s7+s3], $0x80, v5, vm0, $0xb8;
	[tilespmem:$0x19600] =	vst v63  }
0x220: {  	_ = 	snop  }
0x221: {  	[tilespmem:s20], [sflag:$0x1] =	stream.indirect_vreg.gather [hbm4b:s9+s3], $0x80, v5, vm0, $0xb8;
	[tilespmem:$0x19600] =	vst v63  }
0x222: {  	_ = 	snop  }
0x223: {  	[tilespmem:s5], [sflag:$0x1] =	stream.indirect_vreg.gather [hbm4b:s2+s3], $0x80, v4, vm0, $0xb8;
	[tilespmem:$0x19600] =	vst v63  }
0x224: {  	_ = 	snop  }
0x225: {  	[tilespmem:s10], [sflag:$0x1] =	stream.indirect_vreg.gather [hbm4b:s6+s3], $0x80, v4, vm0, $0xb8;
	[tilespmem:$0x19600] =	vst v63  }
0x226: {  	_ = 	snop  }
0x227: {  	[tilespmem:s11], [sflag:$0x1] =	stream.indirect_vreg.gather [hbm4b:s7+s3], $0x80, v4, vm0, $0xb8;
	[tilespmem:$0x19600] =	vst v63  }
0x228: {  	s8 =	simm.s32 $0x4E00  }
0x229: {  	[tilespmem:s8], [sflag:$0x1] =	stream.indirect_vreg.gather [hbm4b:s9+s3], $0x80, v4, vm0, $0xb8;
	[tilespmem:$0x19600] =	vst v63  }
0x22a: {  	v4 =	vld [tilespmem:$0x10D0];
	_ =	sdelay $0x4  }
0x22b: {  	v5 =	vshll.u32 v4, $0x3  }
0x22c: {  	v4 =	vand.u32 $0x7, v4;
	v5 =	vand.u32 $0xFFFFFFC0, v5  }
0x22d: {  	v4 =	vor.u32 v4, v5  }
0x22e: {  	v5 =	vperm.xlane v4, v1;
	_ =	sdelay $0x1  }
0x22f: {  	v5 =	vadd.s32 v2, v5;
	_ =	sdelay $0x3  }
0x230: {  	s10 =	simm.s32 $0x5600  }
0x231: {  	[tilespmem:s10], [sflag:$0x1] =	stream.indirect_vreg.gather [hbm4b:s2+s3], $0x80, v5, vm0, $0xb8;
	[tilespmem:$0x19600] =	vst v63  }
0x232: {  	s11 =	simm.s32 $0x5E00;
	v4 =	vperm.xlane v4, v3  }
0x233: {  	[tilespmem:s11], [sflag:$0x1] =	stream.indirect_vreg.gather [hbm4b:s6+s3], $0x80, v5, vm0, $0xb8;
	[tilespmem:$0x19600] =	vst v63  }
0x234: {  	v4 =	vadd.s32 v2, v4  }
0x235: {  	[tilespmem:s12], [sflag:$0x1] =	stream.indirect_vreg.gather [hbm4b:s7+s3], $0x80, v5, vm0, $0xb8;
	[tilespmem:$0x19600] =	vst v63  }
0x236: {  	_ = 	snop  }
0x237: {  	[tilespmem:s13], [sflag:$0x1] =	stream.indirect_vreg.gather [hbm4b:s9+s3], $0x80, v5, vm0, $0xb8;
	[tilespmem:$0x19600] =	vst v63  }
0x238: {  	_ = 	snop  }
0x239: {  	[tilespmem:s14], [sflag:$0x1] =	stream.indirect_vreg.gather [hbm4b:s2+s3], $0x80, v4, vm0, $0xb8;
	[tilespmem:$0x19600] =	vst v63  }
0x23a: {  	_ = 	snop  }
0x23b: {  	[tilespmem:s15], [sflag:$0x1] =	stream.indirect_vreg.gather [hbm4b:s6+s3], $0x80, v4, vm0, $0xb8;
	[tilespmem:$0x19600] =	vst v63  }
0x23c: {  	_ = 	snop  }
0x23d: {  	[tilespmem:s16], [sflag:$0x1] =	stream.indirect_vreg.gather [hbm4b:s7+s3], $0x80, v4, vm0, $0xb8;
	[tilespmem:$0x19600] =	vst v63  }
0x23e: {  	s12 =	simm.s32 $0x8E00  }
0x23f: {  	[tilespmem:s12], [sflag:$0x1] =	stream.indirect_vreg.gather [hbm4b:s9+s3], $0x80, v4, vm0, $0xb8;
	[tilespmem:$0x19600] =	vst v63  }
0x240: {  	_ =	swait.ge [sflag:s22], $0x8000  }
0x241: {  	[sflag:s22] =	ssyncset.done $0x0  }
0x242: {  	s14 =	simm.s32 $0x9600;
	s13 =	rddreg [dreg:$0x9];
	[sflag:s22] =	ssyncadd.s32 $0xFFFF8000  }
0x243: {  	[hbm4b:s13+s3] =	stream.linear.scatter [tilespmem:s14], [sflag:$0x2], $0x8000, $0x38;
	[tilespmem:$0x19600] =	vst v63  }
0x244: {  	_ =	swait.ge [sflag:s23], $0x8000  }
0x245: {  	[sflag:s23] =	ssyncset.done $0x0  }
0x246: {  	[sflag:s23] =	ssyncadd.s32 $0xFFFF8000  }
0x247: {  	v4 =	vld [tilespmem:$0x10E0];
	_ =	sdelay $0x4  }
0x248: {  	v5 =	vshll.u32 v4, $0x3  }
0x249: {  	v4 =	vand.u32 $0x7, v4;
	v5 =	vand.u32 $0xFFFFFFC0, v5  }
0x24a: {  	v4 =	vor.u32 v4, v5  }
0x24b: {  	v5 =	vperm.xlane v4, v1;
	_ =	sdelay $0x1  }
0x24c: {  	v5 =	vadd.s32 v2, v5;
	_ =	sdelay $0x4  }
0x24d: {  	[tilespmem:s14], [sflag:$0x1] =	stream.indirect_vreg.gather [hbm4b:s2+s3], $0x80, v5, vm0, $0xb8;
	[tilespmem:$0x19600] =	vst v63  }
0x24e: {  	s15 =	simm.s32 $0x9E00;
	v4 =	vperm.xlane v4, v3  }
0x24f: {  	[tilespmem:s15], [sflag:$0x1] =	stream.indirect_vreg.gather [hbm4b:s6+s3], $0x80, v5, vm0, $0xb8;
	[tilespmem:$0x19600] =	vst v63  }
0x250: {  	v4 =	vadd.s32 v2, v4  }
0x251: {  	[tilespmem:s31], [sflag:$0x1] =	stream.indirect_vreg.gather [hbm4b:s7+s3], $0x80, v5, vm0, $0xb8;
	[tilespmem:$0x19600] =	vst v63  }
0x252: {  	s16 =	simm.s32 $0xAE00  }
0x253: {  	[tilespmem:s16], [sflag:$0x1] =	stream.indirect_vreg.gather [hbm4b:s9+s3], $0x80, v5, vm0, $0xb8;
	[tilespmem:$0x19600] =	vst v63  }
0x254: {  	_ = 	snop  }
0x255: {  	[tilespmem:s17], [sflag:$0x1] =	stream.indirect_vreg.gather [hbm4b:s2+s3], $0x80, v4, vm0, $0xb8;
	[tilespmem:$0x19600] =	vst v63  }
0x256: {  	_ = 	snop  }
0x257: {  	[tilespmem:s18], [sflag:$0x1] =	stream.indirect_vreg.gather [hbm4b:s6+s3], $0x80, v4, vm0, $0xb8;
	[tilespmem:$0x19600] =	vst v63  }
0x258: {  	_ = 	snop  }
0x259: {  	[tilespmem:s19], [sflag:$0x1] =	stream.indirect_vreg.gather [hbm4b:s7+s3], $0x80, v4, vm0, $0xb8;
	[tilespmem:$0x19600] =	vst v63  }
0x25a: {  	s11 =	simm.s32 $0xCE00  }
0x25b: {  	[tilespmem:s11], [sflag:$0x1] =	stream.indirect_vreg.gather [hbm4b:s9+s3], $0x80, v4, vm0, $0xb8;
	[tilespmem:$0x19600] =	vst v63  }
0x25c: {  	v4 =	vld [tilespmem:$0x10F0];
	_ =	sdelay $0x4  }
0x25d: {  	v5 =	vshll.u32 v4, $0x3  }
0x25e: {  	v4 =	vand.u32 $0x7, v4;
	v5 =	vand.u32 $0xFFFFFFC0, v5  }
0x25f: {  	v4 =	vor.u32 v4, v5  }
0x260: {  	v5 =	vperm.xlane v4, v1;
	_ =	sdelay $0x1  }
0x261: {  	v5 =	vadd.s32 v2, v5;
	_ =	sdelay $0x3  }
0x262: {  	s20 =	simm.s32 $0xD600  }
0x263: {  	[tilespmem:s20], [sflag:$0x1] =	stream.indirect_vreg.gather [hbm4b:s2+s3], $0x80, v5, vm0, $0xb8;
	[tilespmem:$0x19600] =	vst v63  }
0x264: {  	s24 =	simm.s32 $0xDE00;
	v4 =	vperm.xlane v4, v3  }
0x265: {  	[tilespmem:s24], [sflag:$0x1] =	stream.indirect_vreg.gather [hbm4b:s6+s3], $0x80, v5, vm0, $0xb8;
	[tilespmem:$0x19600] =	vst v63  }
0x266: {  	v4 =	vadd.s32 v2, v4  }
0x267: {  	[tilespmem:s21], [sflag:$0x1] =	stream.indirect_vreg.gather [hbm4b:s7+s3], $0x80, v5, vm0, $0xb8;
	[tilespmem:$0x19600] =	vst v63  }
0x268: {  	_ = 	snop  }
0x269: {  	[tilespmem:s25], [sflag:$0x1] =	stream.indirect_vreg.gather [hbm4b:s9+s3], $0x80, v5, vm0, $0xb8;
	[tilespmem:$0x19600] =	vst v63  }
0x26a: {  	_ = 	snop  }
0x26b: {  	[tilespmem:s26], [sflag:$0x1] =	stream.indirect_vreg.gather [hbm4b:s2+s3], $0x80, v4, vm0, $0xb8;
	[tilespmem:$0x19600] =	vst v63  }
0x26c: {  	_ = 	snop  }
0x26d: {  	[tilespmem:s28], [sflag:$0x1] =	stream.indirect_vreg.gather [hbm4b:s6+s3], $0x80, v4, vm0, $0xb8;
	[tilespmem:$0x19600] =	vst v63  }
0x26e: {  	_ = 	snop  }
0x26f: {  	[tilespmem:s29], [sflag:$0x1] =	stream.indirect_vreg.gather [hbm4b:s7+s3], $0x80, v4, vm0, $0xb8;
	[tilespmem:$0x19600] =	vst v63  }
0x270: {  	_ = 	snop  }
0x271: {  	[tilespmem:s30], [sflag:$0x1] =	stream.indirect_vreg.gather [hbm4b:s9+s3], $0x80, v4, vm0, $0xb8;
	[tilespmem:$0x19600] =	vst v63  }
0x272: {  	_ =	swait.ge [sflag:s22], $0x8000  }
0x273: {  	[sflag:s22] =	ssyncset.done $0x0  }
0x274: {  	s29 =	simm.s32 $0x11600;
	s28 =	rddreg [dreg:$0xa];
	[sflag:s22] =	ssyncadd.s32 $0xFFFF8000  }
0x275: {  	[hbm4b:s28+s3] =	stream.linear.scatter [tilespmem:s29], [sflag:$0x2], $0x8000, $0x38;
	[tilespmem:$0x19600] =	vst v63  }
0x276: {  	_ =	swait.ge [sflag:s23], $0x8000  }
0x277: {  	[sflag:s23] =	ssyncset.done $0x0  }
0x278: {  	[sflag:s23] =	ssyncadd.s32 $0xFFFF8000  }
0x279: {  	v4 =	vld [tilespmem:$0x1100];
	_ =	sdelay $0x4  }
0x27a: {  	v5 =	vshll.u32 v4, $0x3  }
0x27b: {  	v4 =	vand.u32 $0x7, v4;
	v5 =	vand.u32 $0xFFFFFFC0, v5  }
0x27c: {  	v4 =	vor.u32 v4, v5  }
0x27d: {  	v5 =	vperm.xlane v4, v1;
	_ =	sdelay $0x1  }
0x27e: {  	v5 =	vadd.s32 v2, v5;
	_ =	sdelay $0x4  }
0x27f: {  	[tilespmem:s29], [sflag:$0x1] =	stream.indirect_vreg.gather [hbm4b:s2+s3], $0x80, v5, vm0, $0xb8;
	[tilespmem:$0x19600] =	vst v63  }
0x280: {  	s30 =	simm.s32 $0x11E00;
	v4 =	vperm.xlane v4, v3  }
0x281: {  	[tilespmem:s30], [sflag:$0x1] =	stream.indirect_vreg.gather [hbm4b:s6+s3], $0x80, v5, vm0, $0xb8;
	[tilespmem:$0x19600] =	vst v63  }
0x282: {  	s17 =	simm.s32 $0x12600;
	v4 =	vadd.s32 v2, v4  }
0x283: {  	[tilespmem:s17], [sflag:$0x1] =	stream.indirect_vreg.gather [hbm4b:s7+s3], $0x80, v5, vm0, $0xb8;
	[tilespmem:$0x19600] =	vst v63  }
0x284: {  	s18 =	simm.s32 $0x12E00  }
0x285: {  	[tilespmem:s18], [sflag:$0x1] =	stream.indirect_vreg.gather [hbm4b:s9+s3], $0x80, v5, vm0, $0xb8;
	[tilespmem:$0x19600] =	vst v63  }
0x286: {  	s19 =	simm.s32 $0x13600  }
0x287: {  	[tilespmem:s19], [sflag:$0x1] =	stream.indirect_vreg.gather [hbm4b:s2+s3], $0x80, v4, vm0, $0xb8;
	[tilespmem:$0x19600] =	vst v63  }
0x288: {  	s20 =	simm.s32 $0x13E00  }
0x289: {  	[tilespmem:s20], [sflag:$0x1] =	stream.indirect_vreg.gather [hbm4b:s6+s3], $0x80, v4, vm0, $0xb8;
	[tilespmem:$0x19600] =	vst v63  }
0x28a: {  	s21 =	simm.s32 $0x14600  }
0x28b: {  	[tilespmem:s21], [sflag:$0x1] =	stream.indirect_vreg.gather [hbm4b:s7+s3], $0x80, v4, vm0, $0xb8;
	[tilespmem:$0x19600] =	vst v63  }
0x28c: {  	s31 =	simm.s32 $0x14E00  }
0x28d: {  	[tilespmem:s31], [sflag:$0x1] =	stream.indirect_vreg.gather [hbm4b:s9+s3], $0x80, v4, vm0, $0xb8;
	[tilespmem:$0x19600] =	vst v63  }
0x28e: {  	v4 =	vld [tilespmem:$0x1110];
	_ =	sdelay $0x4  }
0x28f: {  	v5 =	vshll.u32 v4, $0x3  }
0x290: {  	v4 =	vand.u32 $0x7, v4;
	v5 =	vand.u32 $0xFFFFFFC0, v5  }
0x291: {  	v4 =	vor.u32 v4, v5  }
0x292: {  	v5 =	vperm.xlane v4, v1;
	_ =	sdelay $0x1  }
0x293: {  	v5 =	vadd.s32 v2, v5;
	_ =	sdelay $0x3  }
0x294: {  	s5 =	simm.s32 $0x15600  }
0x295: {  	[tilespmem:s5], [sflag:$0x1] =	stream.indirect_vreg.gather [hbm4b:s2+s3], $0x80, v5, vm0, $0xb8;
	[tilespmem:$0x19600] =	vst v63  }
0x296: {  	s8 =	simm.s32 $0x15E00;
	v4 =	vperm.xlane v4, v3  }
0x297: {  	[tilespmem:s8], [sflag:$0x1] =	stream.indirect_vreg.gather [hbm4b:s6+s3], $0x80, v5, vm0, $0xb8;
	[tilespmem:$0x19600] =	vst v63  }
0x298: {  	s24 =	simm.s32 $0x16600;
	v4 =	vadd.s32 v2, v4  }
0x299: {  	[tilespmem:s24], [sflag:$0x1] =	stream.indirect_vreg.gather [hbm4b:s7+s3], $0x80, v5, vm0, $0xb8;
	[tilespmem:$0x19600] =	vst v63  }
0x29a: {  	s25 =	simm.s32 $0x16E00  }
0x29b: {  	[tilespmem:s25], [sflag:$0x1] =	stream.indirect_vreg.gather [hbm4b:s9+s3], $0x80, v5, vm0, $0xb8;
	[tilespmem:$0x19600] =	vst v63  }
0x29c: {  	s26 =	simm.s32 $0x17600  }
0x29d: {  	[tilespmem:s26], [sflag:$0x1] =	stream.indirect_vreg.gather [hbm4b:s2+s3], $0x80, v4, vm0, $0xb8;
	[tilespmem:$0x19600] =	vst v63  }
0x29e: {  	s28 =	simm.s32 $0x17E00  }
0x29f: {  	[tilespmem:s28], [sflag:$0x1] =	stream.indirect_vreg.gather [hbm4b:s6+s3], $0x80, v4, vm0, $0xb8;
	[tilespmem:$0x19600] =	vst v63  }
0x2a0: {  	s29 =	simm.s32 $0x18600  }
0x2a1: {  	[tilespmem:s29], [sflag:$0x1] =	stream.indirect_vreg.gather [hbm4b:s7+s3], $0x80, v4, vm0, $0xb8;
	[tilespmem:$0x19600] =	vst v63  }
0x2a2: {  	s12 =	simm.s32 $0x18E00  }
0x2a3: {  	[tilespmem:s12], [sflag:$0x1] =	stream.indirect_vreg.gather [hbm4b:s9+s3], $0x80, v4, vm0, $0xb8;
	[tilespmem:$0x19600] =	vst v63  }
0x2a4: {  	_ =	swait.ge [sflag:s22], $0x8000  }
0x2a5: {  	[sflag:s22] =	ssyncset.done $0x0  }
0x2a6: {  	s14 =	simm.s32 $0x1600;
	s13 =	rddreg [dreg:$0xb];
	[sflag:s22] =	ssyncadd.s32 $0xFFFF8000  }
0x2a7: {  	[hbm4b:s13+s3] =	stream.linear.scatter [tilespmem:s14], [sflag:$0x2], $0x8000, $0x38;
	[tilespmem:$0x19600] =	vst v63  }
0x2a8: {  	_ =	swait.ge [sflag:s23], $0x8000  }
0x2a9: {  	[sflag:s23] =	ssyncset.done $0x0  }
0x2aa: {  	[sflag:s23] =	ssyncadd.s32 $0xFFFF8000  }
0x2ab: {  	v4 =	vld [tilespmem:$0x1120];
	_ =	sdelay $0x4  }
0x2ac: {  	v5 =	vshll.u32 v4, $0x3  }
0x2ad: {  	v4 =	vand.u32 $0x7, v4;
	v5 =	vand.u32 $0xFFFFFFC0, v5  }
0x2ae: {  	v4 =	vor.u32 v4, v5  }
0x2af: {  	v5 =	vperm.xlane v4, v1;
	_ =	sdelay $0x1  }
0x2b0: {  	v5 =	vadd.s32 v2, v5;
	_ =	sdelay $0x4  }
0x2b1: {  	[tilespmem:s14], [sflag:$0x1] =	stream.indirect_vreg.gather [hbm4b:s2+s3], $0x80, v5, vm0, $0xb8;
	[tilespmem:$0x19600] =	vst v63  }
0x2b2: {  	s30 =	simm.s32 $0x1E00;
	v4 =	vperm.xlane v4, v3  }
0x2b3: {  	[tilespmem:s30], [sflag:$0x1] =	stream.indirect_vreg.gather [hbm4b:s6+s3], $0x80, v5, vm0, $0xb8;
	[tilespmem:$0x19600] =	vst v63  }
0x2b4: {  	s15 =	simm.s32 $0x2600;
	v4 =	vadd.s32 v2, v4  }
0x2b5: {  	[tilespmem:s15], [sflag:$0x1] =	stream.indirect_vreg.gather [hbm4b:s7+s3], $0x80, v5, vm0, $0xb8;
	[tilespmem:$0x19600] =	vst v63  }
0x2b6: {  	s15 =	simm.s32 $0x2E00  }
0x2b7: {  	[tilespmem:s15], [sflag:$0x1] =	stream.indirect_vreg.gather [hbm4b:s9+s3], $0x80, v5, vm0, $0xb8;
	[tilespmem:$0x19600] =	vst v63  }
0x2b8: {  	s14 =	simm.s32 $0x3600  }
0x2b9: {  	[tilespmem:s14], [sflag:$0x1] =	stream.indirect_vreg.gather [hbm4b:s2+s3], $0x80, v4, vm0, $0xb8;
	[tilespmem:$0x19600] =	vst v63  }
0x2ba: {  	s16 =	simm.s32 $0x3E00  }
0x2bb: {  	[tilespmem:s16], [sflag:$0x1] =	stream.indirect_vreg.gather [hbm4b:s6+s3], $0x80, v4, vm0, $0xb8;
	[tilespmem:$0x19600] =	vst v63  }
0x2bc: {  	s5 =	simm.s32 $0x4600  }
0x2bd: {  	[tilespmem:s5], [sflag:$0x1] =	stream.indirect_vreg.gather [hbm4b:s7+s3], $0x80, v4, vm0, $0xb8;
	[tilespmem:$0x19600] =	vst v63  }
0x2be: {  	s31 =	simm.s32 $0x4E00  }
0x2bf: {  	[tilespmem:s31], [sflag:$0x1] =	stream.indirect_vreg.gather [hbm4b:s9+s3], $0x80, v4, vm0, $0xb8;
	[tilespmem:$0x19600] =	vst v63  }
0x2c0: {  	v4 =	vld [tilespmem:$0x1130];
	_ =	sdelay $0x4  }
0x2c1: {  	v5 =	vshll.u32 v4, $0x3  }
0x2c2: {  	v4 =	vand.u32 $0x7, v4;
	v5 =	vand.u32 $0xFFFFFFC0, v5  }
0x2c3: {  	v4 =	vor.u32 v4, v5  }
0x2c4: {  	v5 =	vperm.xlane v4, v1;
	_ =	sdelay $0x1  }
0x2c5: {  	v5 =	vadd.s32 v2, v5;
	_ =	sdelay $0x3  }
0x2c6: {  	s12 =	simm.s32 $0x5600  }
0x2c7: {  	[tilespmem:s12], [sflag:$0x1] =	stream.indirect_vreg.gather [hbm4b:s2+s3], $0x80, v5, vm0, $0xb8;
	[tilespmem:$0x19600] =	vst v63  }
0x2c8: {  	s31 =	simm.s32 $0x5E00;
	v4 =	vperm.xlane v4, v3  }
0x2c9: {  	[tilespmem:s31], [sflag:$0x1] =	stream.indirect_vreg.gather [hbm4b:s6+s3], $0x80, v5, vm0, $0xb8;
	[tilespmem:$0x19600] =	vst v63  }
0x2ca: {  	s13 =	simm.s32 $0x6600;
	v4 =	vadd.s32 v2, v4  }
0x2cb: {  	[tilespmem:s13], [sflag:$0x1] =	stream.indirect_vreg.gather [hbm4b:s7+s3], $0x80, v5, vm0, $0xb8;
	[tilespmem:$0x19600] =	vst v63  }
0x2cc: {  	s16 =	simm.s32 $0x6E00  }
0x2cd: {  	[tilespmem:s16], [sflag:$0x1] =	stream.indirect_vreg.gather [hbm4b:s9+s3], $0x80, v5, vm0, $0xb8;
	[tilespmem:$0x19600] =	vst v63  }
0x2ce: {  	s12 =	simm.s32 $0x7600  }
0x2cf: {  	[tilespmem:s12], [sflag:$0x1] =	stream.indirect_vreg.gather [hbm4b:s2+s3], $0x80, v4, vm0, $0xb8;
	[tilespmem:$0x19600] =	vst v63  }
0x2d0: {  	s13 =	simm.s32 $0x7E00  }
0x2d1: {  	[tilespmem:s13], [sflag:$0x1] =	stream.indirect_vreg.gather [hbm4b:s6+s3], $0x80, v4, vm0, $0xb8;
	[tilespmem:$0x19600] =	vst v63  }
0x2d2: {  	s16 =	simm.s32 $0x8600  }
0x2d3: {  	[tilespmem:s16], [sflag:$0x1] =	stream.indirect_vreg.gather [hbm4b:s7+s3], $0x80, v4, vm0, $0xb8;
	[tilespmem:$0x19600] =	vst v63  }
0x2d4: {  	s8 =	simm.s32 $0x8E00  }
0x2d5: {  	[tilespmem:s8], [sflag:$0x1] =	stream.indirect_vreg.gather [hbm4b:s9+s3], $0x80, v4, vm0, $0xb8;
	[tilespmem:$0x19600] =	vst v63  }
0x2d6: {  	_ =	swait.ge [sflag:s22], $0x8000  }
0x2d7: {  	[sflag:s22] =	ssyncset.done $0x0  }
0x2d8: {  	s1 =	simm.s32 $0x9600;
	s8 =	rddreg [dreg:$0xc];
	[sflag:s22] =	ssyncadd.s32 $0xFFFF8000  }
0x2d9: {  	[hbm4b:s8+s3] =	stream.linear.scatter [tilespmem:s1], [sflag:$0x2], $0x8000, $0x38;
	[tilespmem:$0x19600] =	vst v63  }
0x2da: {  	_ =	swait.ge [sflag:s23], $0x8000  }
0x2db: {  	[sflag:s23] =	ssyncset.done $0x0  }
0x2dc: {  	[sflag:s23] =	ssyncadd.s32 $0xFFFF8000  }
0x2dd: {  	v4 =	vld [tilespmem:$0x1140];
	_ =	sdelay $0x4  }
0x2de: {  	v5 =	vshll.u32 v4, $0x3  }
0x2df: {  	v4 =	vand.u32 $0x7, v4;
	v5 =	vand.u32 $0xFFFFFFC0, v5  }
0x2e0: {  	v4 =	vor.u32 v4, v5  }
0x2e1: {  	v5 =	vperm.xlane v4, v1;
	_ =	sdelay $0x1  }
0x2e2: {  	v5 =	vadd.s32 v2, v5;
	_ =	sdelay $0x4  }
0x2e3: {  	[tilespmem:s1], [sflag:$0x1] =	stream.indirect_vreg.gather [hbm4b:s2+s3], $0x80, v5, vm0, $0xb8;
	[tilespmem:$0x19600] =	vst v63  }
0x2e4: {  	v4 =	vperm.xlane v4, v3;
	s1 =	simm.s32 $0x9E00  }
0x2e5: {  	[tilespmem:s1], [sflag:$0x1] =	stream.indirect_vreg.gather [hbm4b:s6+s3], $0x80, v5, vm0, $0xb8;
	[tilespmem:$0x19600] =	vst v63  }
0x2e6: {  	s8 =	simm.s32 $0xA600;
	v4 =	vadd.s32 v2, v4  }
0x2e7: {  	[tilespmem:s8], [sflag:$0x1] =	stream.indirect_vreg.gather [hbm4b:s7+s3], $0x80, v5, vm0, $0xb8;
	[tilespmem:$0x19600] =	vst v63  }
0x2e8: {  	s8 =	simm.s32 $0xAE00  }
0x2e9: {  	[tilespmem:s8], [sflag:$0x1] =	stream.indirect_vreg.gather [hbm4b:s9+s3], $0x80, v5, vm0, $0xb8;
	[tilespmem:$0x19600] =	vst v63  }
0x2ea: {  	s8 =	simm.s32 $0xB600  }
0x2eb: {  	[tilespmem:s8], [sflag:$0x1] =	stream.indirect_vreg.gather [hbm4b:s2+s3], $0x80, v4, vm0, $0xb8;
	[tilespmem:$0x19600] =	vst v63  }
0x2ec: {  	s8 =	simm.s32 $0xBE00  }
0x2ed: {  	[tilespmem:s8], [sflag:$0x1] =	stream.indirect_vreg.gather [hbm4b:s6+s3], $0x80, v4, vm0, $0xb8;
	[tilespmem:$0x19600] =	vst v63  }
0x2ee: {  	s8 =	simm.s32 $0xC600  }
0x2ef: {  	[tilespmem:s8], [sflag:$0x1] =	stream.indirect_vreg.gather [hbm4b:s7+s3], $0x80, v4, vm0, $0xb8;
	[tilespmem:$0x19600] =	vst v63  }
0x2f0: {  	_ = 	snop  }
0x2f1: {  	[tilespmem:s11], [sflag:$0x1] =	stream.indirect_vreg.gather [hbm4b:s9+s3], $0x80, v4, vm0, $0xb8;
	[tilespmem:$0x19600] =	vst v63  }
0x2f2: {  	v4 =	vld [tilespmem:$0x1150];
	_ =	sdelay $0x4  }
0x2f3: {  	v5 =	vshll.u32 v4, $0x3  }
0x2f4: {  	v4 =	vand.u32 $0x7, v4;
	v5 =	vand.u32 $0xFFFFFFC0, v5  }
0x2f5: {  	v4 =	vor.u32 v4, v5  }
0x2f6: {  	v5 =	vperm.xlane v4, v1;
	_ =	sdelay $0x1  }
0x2f7: {  	v5 =	vadd.s32 v2, v5;
	_ =	sdelay $0x3  }
0x2f8: {  	s8 =	simm.s32 $0xD600  }
0x2f9: {  	[tilespmem:s8], [sflag:$0x1] =	stream.indirect_vreg.gather [hbm4b:s2+s3], $0x80, v5, vm0, $0xb8;
	[tilespmem:$0x19600] =	vst v63  }
0x2fa: {  	s11 =	simm.s32 $0xDE00;
	v4 =	vperm.xlane v4, v3  }
0x2fb: {  	[tilespmem:s11], [sflag:$0x1] =	stream.indirect_vreg.gather [hbm4b:s6+s3], $0x80, v5, vm0, $0xb8;
	[tilespmem:$0x19600] =	vst v63  }
0x2fc: {  	v4 =	vadd.s32 v2, v4;
	s8 =	simm.s32 $0xE600  }
0x2fd: {  	[tilespmem:s8], [sflag:$0x1] =	stream.indirect_vreg.gather [hbm4b:s7+s3], $0x80, v5, vm0, $0xb8;
	[tilespmem:$0x19600] =	vst v63  }
0x2fe: {  	s11 =	simm.s32 $0xEE00  }
0x2ff: {  	[tilespmem:s11], [sflag:$0x1] =	stream.indirect_vreg.gather [hbm4b:s9+s3], $0x80, v5, vm0, $0xb8;
	[tilespmem:$0x19600] =	vst v63  }
0x300: {  	s8 =	simm.s32 $0xF600  }
0x301: {  	[tilespmem:s8], [sflag:$0x1] =	stream.indirect_vreg.gather [hbm4b:s2+s3], $0x80, v4, vm0, $0xb8;
	[tilespmem:$0x19600] =	vst v63  }
0x302: {  	s11 =	simm.s32 $0xFE00  }
0x303: {  	[tilespmem:s11], [sflag:$0x1] =	stream.indirect_vreg.gather [hbm4b:s6+s3], $0x80, v4, vm0, $0xb8;
	[tilespmem:$0x19600] =	vst v63  }
0x304: {  	s8 =	simm.s32 $0x10600  }
0x305: {  	[tilespmem:s8], [sflag:$0x1] =	stream.indirect_vreg.gather [hbm4b:s7+s3], $0x80, v4, vm0, $0xb8;
	[tilespmem:$0x19600] =	vst v63  }
0x306: {  	s11 =	simm.s32 $0x10E00  }
0x307: {  	[tilespmem:s11], [sflag:$0x1] =	stream.indirect_vreg.gather [hbm4b:s9+s3], $0x80, v4, vm0, $0xb8;
	[tilespmem:$0x19600] =	vst v63  }
0x308: {  	_ =	swait.ge [sflag:s22], $0x8000  }
0x309: {  	[sflag:s22] =	ssyncset.done $0x0  }
0x30a: {  	s10 =	simm.s32 $0x11600;
	s1 =	rddreg [dreg:$0xd];
	[sflag:s22] =	ssyncadd.s32 $0xFFFF8000  }
0x30b: {  	[hbm4b:s1+s3] =	stream.linear.scatter [tilespmem:s10], [sflag:$0x2], $0x8000, $0x38;
	[tilespmem:$0x19600] =	vst v63  }
0x30c: {  	_ =	swait.ge [sflag:s23], $0x8000  }
0x30d: {  	[sflag:s23] =	ssyncset.done $0x0  }
0x30e: {  	[sflag:s23] =	ssyncadd.s32 $0xFFFF8000  }
0x30f: {  	v4 =	vld [tilespmem:$0x1160];
	_ =	sdelay $0x4  }
0x310: {  	v5 =	vshll.u32 v4, $0x3  }
0x311: {  	v4 =	vand.u32 $0x7, v4;
	v5 =	vand.u32 $0xFFFFFFC0, v5  }
0x312: {  	v4 =	vor.u32 v4, v5  }
0x313: {  	v5 =	vperm.xlane v4, v1;
	_ =	sdelay $0x1  }
0x314: {  	v5 =	vadd.s32 v2, v5;
	_ =	sdelay $0x4  }
0x315: {  	[tilespmem:s10], [sflag:$0x1] =	stream.indirect_vreg.gather [hbm4b:s2+s3], $0x80, v5, vm0, $0xb8;
	[tilespmem:$0x19600] =	vst v63  }
0x316: {  	s11 =	simm.s32 $0x11E00;
	v4 =	vperm.xlane v4, v3  }
0x317: {  	[tilespmem:s11], [sflag:$0x1] =	stream.indirect_vreg.gather [hbm4b:s6+s3], $0x80, v5, vm0, $0xb8;
	[tilespmem:$0x19600] =	vst v63  }
0x318: {  	v4 =	vadd.s32 v2, v4  }
0x319: {  	[tilespmem:s17], [sflag:$0x1] =	stream.indirect_vreg.gather [hbm4b:s7+s3], $0x80, v5, vm0, $0xb8;
	[tilespmem:$0x19600] =	vst v63  }
0x31a: {  	_ = 	snop  }
0x31b: {  	[tilespmem:s18], [sflag:$0x1] =	stream.indirect_vreg.gather [hbm4b:s9+s3], $0x80, v5, vm0, $0xb8;
	[tilespmem:$0x19600] =	vst v63  }
0x31c: {  	_ = 	snop  }
0x31d: {  	[tilespmem:s19], [sflag:$0x1] =	stream.indirect_vreg.gather [hbm4b:s2+s3], $0x80, v4, vm0, $0xb8;
	[tilespmem:$0x19600] =	vst v63  }
0x31e: {  	_ = 	snop  }
0x31f: {  	[tilespmem:s20], [sflag:$0x1] =	stream.indirect_vreg.gather [hbm4b:s6+s3], $0x80, v4, vm0, $0xb8;
	[tilespmem:$0x19600] =	vst v63  }
0x320: {  	_ = 	snop  }
0x321: {  	[tilespmem:s21], [sflag:$0x1] =	stream.indirect_vreg.gather [hbm4b:s7+s3], $0x80, v4, vm0, $0xb8;
	[tilespmem:$0x19600] =	vst v63  }
0x322: {  	s1 =	simm.s32 $0x14E00  }
0x323: {  	[tilespmem:s1], [sflag:$0x1] =	stream.indirect_vreg.gather [hbm4b:s9+s3], $0x80, v4, vm0, $0xb8;
	[tilespmem:$0x19600] =	vst v63  }
0x324: {  	v4 =	vld [tilespmem:$0x1170];
	_ =	sdelay $0x4  }
0x325: {  	v5 =	vshll.u32 v4, $0x3  }
0x326: {  	v4 =	vand.u32 $0x7, v4;
	v5 =	vand.u32 $0xFFFFFFC0, v5  }
0x327: {  	v4 =	vor.u32 v4, v5  }
0x328: {  	v5 =	vperm.xlane v4, v1;
	_ =	sdelay $0x1  }
0x329: {  	v5 =	vadd.s32 v2, v5;
	_ =	sdelay $0x3  }
0x32a: {  	s10 =	simm.s32 $0x15600  }
0x32b: {  	[tilespmem:s10], [sflag:$0x1] =	stream.indirect_vreg.gather [hbm4b:s2+s3], $0x80, v5, vm0, $0xb8;
	[tilespmem:$0x19600] =	vst v63  }
0x32c: {  	s11 =	simm.s32 $0x15E00;
	v4 =	vperm.xlane v4, v3  }
0x32d: {  	[tilespmem:s11], [sflag:$0x1] =	stream.indirect_vreg.gather [hbm4b:s6+s3], $0x80, v5, vm0, $0xb8;
	[tilespmem:$0x19600] =	vst v63  }
0x32e: {  	v4 =	vadd.s32 v2, v4  }
0x32f: {  	[tilespmem:s24], [sflag:$0x1] =	stream.indirect_vreg.gather [hbm4b:s7+s3], $0x80, v5, vm0, $0xb8;
	[tilespmem:$0x19600] =	vst v63  }
0x330: {  	_ = 	snop  }
0x331: {  	[tilespmem:s25], [sflag:$0x1] =	stream.indirect_vreg.gather [hbm4b:s9+s3], $0x80, v5, vm0, $0xb8;
	[tilespmem:$0x19600] =	vst v63  }
0x332: {  	_ = 	snop  }
0x333: {  	[tilespmem:s26], [sflag:$0x1] =	stream.indirect_vreg.gather [hbm4b:s2+s3], $0x80, v4, vm0, $0xb8;
	[tilespmem:$0x19600] =	vst v63  }
0x334: {  	_ = 	snop  }
0x335: {  	[tilespmem:s28], [sflag:$0x1] =	stream.indirect_vreg.gather [hbm4b:s6+s3], $0x80, v4, vm0, $0xb8;
	[tilespmem:$0x19600] =	vst v63  }
0x336: {  	_ = 	snop  }
0x337: {  	[tilespmem:s29], [sflag:$0x1] =	stream.indirect_vreg.gather [hbm4b:s7+s3], $0x80, v4, vm0, $0xb8;
	[tilespmem:$0x19600] =	vst v63  }
0x338: {  	s1 =	simm.s32 $0x18E00  }
0x339: {  	[tilespmem:s1], [sflag:$0x1] =	stream.indirect_vreg.gather [hbm4b:s9+s3], $0x80, v4, vm0, $0xb8;
	[tilespmem:$0x19600] =	vst v63  }
0x33a: {  	_ =	swait.ge [sflag:s22], $0x8000  }
0x33b: {  	[sflag:s22] =	ssyncset.done $0x0  }
0x33c: {  	s0 =	simm.s32 $0x1600;
	s10 =	rddreg [dreg:$0xe];
	[sflag:s22] =	ssyncadd.s32 $0xFFFF8000  }
0x33d: {  	[hbm4b:s10+s3] =	stream.linear.scatter [tilespmem:s0], [sflag:$0x2], $0x8000, $0x38;
	[tilespmem:$0x19600] =	vst v63  }
0x33e: {  	_ =	swait.ge [sflag:s23], $0x8000  }
0x33f: {  	[sflag:s23] =	ssyncset.done $0x0  }
0x340: {  	[sflag:s23] =	ssyncadd.s32 $0xFFFF8000  }
0x341: {  	v4 =	vld [tilespmem:$0x1180];
	_ =	sdelay $0x4  }
0x342: {  	v5 =	vshll.u32 v4, $0x3  }
0x343: {  	v4 =	vand.u32 $0x7, v4;
	v5 =	vand.u32 $0xFFFFFFC0, v5  }
0x344: {  	v4 =	vor.u32 v4, v5  }
0x345: {  	v5 =	vperm.xlane v4, v1;
	_ =	sdelay $0x1  }
0x346: {  	v5 =	vadd.s32 v2, v5;
	_ =	sdelay $0x4  }
0x347: {  	[tilespmem:s0], [sflag:$0x1] =	stream.indirect_vreg.gather [hbm4b:s2+s3], $0x80, v5, vm0, $0xb8;
	[tilespmem:$0x19600] =	vst v63  }
0x348: {  	v4 =	vperm.xlane v4, v3  }
0x349: {  	[tilespmem:s30], [sflag:$0x1] =	stream.indirect_vreg.gather [hbm4b:s6+s3], $0x80, v5, vm0, $0xb8;
	[tilespmem:$0x19600] =	vst v63  }
0x34a: {  	s11 =	simm.s32 $0x2600;
	v4 =	vadd.s32 v2, v4  }
0x34b: {  	[tilespmem:s11], [sflag:$0x1] =	stream.indirect_vreg.gather [hbm4b:s7+s3], $0x80, v5, vm0, $0xb8;
	[tilespmem:$0x19600] =	vst v63  }
0x34c: {  	_ = 	snop  }
0x34d: {  	[tilespmem:s15], [sflag:$0x1] =	stream.indirect_vreg.gather [hbm4b:s9+s3], $0x80, v5, vm0, $0xb8;
	[tilespmem:$0x19600] =	vst v63  }
0x34e: {  	_ = 	snop  }
0x34f: {  	[tilespmem:s14], [sflag:$0x1] =	stream.indirect_vreg.gather [hbm4b:s2+s3], $0x80, v4, vm0, $0xb8;
	[tilespmem:$0x19600] =	vst v63  }
0x350: {  	s0 =	simm.s32 $0x3E00  }
0x351: {  	[tilespmem:s0], [sflag:$0x1] =	stream.indirect_vreg.gather [hbm4b:s6+s3], $0x80, v4, vm0, $0xb8;
	[tilespmem:$0x19600] =	vst v63  }
0x352: {  	_ = 	snop  }
0x353: {  	[tilespmem:s5], [sflag:$0x1] =	stream.indirect_vreg.gather [hbm4b:s7+s3], $0x80, v4, vm0, $0xb8;
	[tilespmem:$0x19600] =	vst v63  }
0x354: {  	s1 =	simm.s32 $0x4E00  }
0x355: {  	[tilespmem:s1], [sflag:$0x1] =	stream.indirect_vreg.gather [hbm4b:s9+s3], $0x80, v4, vm0, $0xb8;
	[tilespmem:$0x19600] =	vst v63  }
0x356: {  	v4 =	vld [tilespmem:$0x1190];
	_ =	sdelay $0x4  }
0x357: {  	v5 =	vshll.u32 v4, $0x3  }
0x358: {  	v4 =	vand.u32 $0x7, v4;
	v5 =	vand.u32 $0xFFFFFFC0, v5  }
0x359: {  	v4 =	vor.u32 v4, v5  }
0x35a: {  	v5 =	vperm.xlane v4, v1;
	_ =	sdelay $0x1  }
0x35b: {  	v5 =	vadd.s32 v2, v5;
	_ =	sdelay $0x3  }
0x35c: {  	s8 =	simm.s32 $0x5600  }
0x35d: {  	[tilespmem:s8], [sflag:$0x1] =	stream.indirect_vreg.gather [hbm4b:s2+s3], $0x80, v5, vm0, $0xb8;
	[tilespmem:$0x19600] =	vst v63  }
0x35e: {  	v4 =	vperm.xlane v4, v3  }
0x35f: {  	[tilespmem:s31], [sflag:$0x1] =	stream.indirect_vreg.gather [hbm4b:s6+s3], $0x80, v5, vm0, $0xb8;
	[tilespmem:$0x19600] =	vst v63  }
0x360: {  	s10 =	simm.s32 $0x6600;
	v4 =	vadd.s32 v2, v4  }
0x361: {  	[tilespmem:s10], [sflag:$0x1] =	stream.indirect_vreg.gather [hbm4b:s7+s3], $0x80, v5, vm0, $0xb8;
	[tilespmem:$0x19600] =	vst v63  }
0x362: {  	s11 =	simm.s32 $0x6E00  }
0x363: {  	[tilespmem:s11], [sflag:$0x1] =	stream.indirect_vreg.gather [hbm4b:s9+s3], $0x80, v5, vm0, $0xb8;
	[tilespmem:$0x19600] =	vst v63  }
0x364: {  	_ = 	snop  }
0x365: {  	[tilespmem:s12], [sflag:$0x1] =	stream.indirect_vreg.gather [hbm4b:s2+s3], $0x80, v4, vm0, $0xb8;
	[tilespmem:$0x19600] =	vst v63  }
0x366: {  	_ = 	snop  }
0x367: {  	[tilespmem:s13], [sflag:$0x1] =	stream.indirect_vreg.gather [hbm4b:s6+s3], $0x80, v4, vm0, $0xb8;
	[tilespmem:$0x19600] =	vst v63  }
0x368: {  	_ = 	snop  }
0x369: {  	[tilespmem:s16], [sflag:$0x1] =	stream.indirect_vreg.gather [hbm4b:s7+s3], $0x80, v4, vm0, $0xb8;
	[tilespmem:$0x19600] =	vst v63  }
0x36a: {  	s5 =	simm.s32 $0x8E00  }
0x36b: {  	[tilespmem:s5], [sflag:$0x1] =	stream.indirect_vreg.gather [hbm4b:s9+s3], $0x80, v4, vm0, $0xb8;
	[tilespmem:$0x19600] =	vst v63  }
0x36c: {  	_ =	swait.ge [sflag:s22], $0x8000  }
0x36d: {  	[sflag:s22] =	ssyncset.done $0x0  }
0x36e: {  	s5 =	simm.s32 $0x9600;
	s0 =	rddreg [dreg:$0xf];
	[sflag:s22] =	ssyncadd.s32 $0xFFFF8000  }
0x36f: {  	[hbm4b:s0+s3] =	stream.linear.scatter [tilespmem:s5], [sflag:$0x2], $0x8000, $0x38;
	[tilespmem:$0x19600] =	vst v63  }
0x370: {  	_ =	swait.ge [sflag:s23], $0x8000  }
0x371: {  	[sflag:s23] =	ssyncset.done $0x0  }
0x372: {  	[sflag:s23] =	ssyncadd.s32 $0xFFFF8000  }
0x373: {  	v4 =	vld [tilespmem:$0x11A0];
	_ =	sdelay $0x4  }
0x374: {  	v5 =	vshll.u32 v4, $0x3  }
0x375: {  	v4 =	vand.u32 $0x7, v4;
	v5 =	vand.u32 $0xFFFFFFC0, v5  }
0x376: {  	v4 =	vor.u32 v4, v5  }
0x377: {  	v5 =	vperm.xlane v4, v1;
	_ =	sdelay $0x1  }
0x378: {  	v5 =	vadd.s32 v2, v5;
	_ =	sdelay $0x4  }
0x379: {  	[tilespmem:s5], [sflag:$0x1] =	stream.indirect_vreg.gather [hbm4b:s2+s3], $0x80, v5, vm0, $0xb8;
	[tilespmem:$0x19600] =	vst v63  }
0x37a: {  	s8 =	simm.s32 $0x9E00;
	v4 =	vperm.xlane v4, v3  }
0x37b: {  	[tilespmem:s8], [sflag:$0x1] =	stream.indirect_vreg.gather [hbm4b:s6+s3], $0x80, v5, vm0, $0xb8;
	[tilespmem:$0x19600] =	vst v63  }
0x37c: {  	v4 =	vadd.s32 v2, v4;
	s8 =	simm.s32 $0xA600  }
0x37d: {  	[tilespmem:s8], [sflag:$0x1] =	stream.indirect_vreg.gather [hbm4b:s7+s3], $0x80, v5, vm0, $0xb8;
	[tilespmem:$0x19600] =	vst v63  }
0x37e: {  	s8 =	simm.s32 $0xAE00  }
0x37f: {  	[tilespmem:s8], [sflag:$0x1] =	stream.indirect_vreg.gather [hbm4b:s9+s3], $0x80, v5, vm0, $0xb8;
	[tilespmem:$0x19600] =	vst v63  }
0x380: {  	s8 =	simm.s32 $0xB600  }
0x381: {  	[tilespmem:s8], [sflag:$0x1] =	stream.indirect_vreg.gather [hbm4b:s2+s3], $0x80, v4, vm0, $0xb8;
	[tilespmem:$0x19600] =	vst v63  }
0x382: {  	s8 =	simm.s32 $0xBE00  }
0x383: {  	[tilespmem:s8], [sflag:$0x1] =	stream.indirect_vreg.gather [hbm4b:s6+s3], $0x80, v4, vm0, $0xb8;
	[tilespmem:$0x19600] =	vst v63  }
0x384: {  	s8 =	simm.s32 $0xC600  }
0x385: {  	[tilespmem:s8], [sflag:$0x1] =	stream.indirect_vreg.gather [hbm4b:s7+s3], $0x80, v4, vm0, $0xb8;
	[tilespmem:$0x19600] =	vst v63  }
0x386: {  	s8 =	simm.s32 $0xCE00  }
0x387: {  	[tilespmem:s8], [sflag:$0x1] =	stream.indirect_vreg.gather [hbm4b:s9+s3], $0x80, v4, vm0, $0xb8;
	[tilespmem:$0x19600] =	vst v63  }
0x388: {  	v4 =	vld [tilespmem:$0x11B0];
	_ =	sdelay $0x4  }
0x389: {  	v5 =	vshll.u32 v4, $0x3  }
0x38a: {  	v4 =	vand.u32 $0x7, v4;
	v5 =	vand.u32 $0xFFFFFFC0, v5  }
0x38b: {  	v4 =	vor.u32 v4, v5  }
0x38c: {  	v5 =	vperm.xlane v4, v1;
	_ =	sdelay $0x1  }
0x38d: {  	v5 =	vadd.s32 v2, v5;
	_ =	sdelay $0x3  }
0x38e: {  	s8 =	simm.s32 $0xD600  }
0x38f: {  	[tilespmem:s8], [sflag:$0x1] =	stream.indirect_vreg.gather [hbm4b:s2+s3], $0x80, v5, vm0, $0xb8;
	[tilespmem:$0x19600] =	vst v63  }
0x390: {  	v4 =	vperm.xlane v4, v3;
	s8 =	simm.s32 $0xDE00  }
0x391: {  	[tilespmem:s8], [sflag:$0x1] =	stream.indirect_vreg.gather [hbm4b:s6+s3], $0x80, v5, vm0, $0xb8;
	[tilespmem:$0x19600] =	vst v63  }
0x392: {  	v4 =	vadd.s32 v2, v4;
	s8 =	simm.s32 $0xE600  }
0x393: {  	[tilespmem:s8], [sflag:$0x1] =	stream.indirect_vreg.gather [hbm4b:s7+s3], $0x80, v5, vm0, $0xb8;
	[tilespmem:$0x19600] =	vst v63  }
0x394: {  	s8 =	simm.s32 $0xEE00  }
0x395: {  	[tilespmem:s8], [sflag:$0x1] =	stream.indirect_vreg.gather [hbm4b:s9+s3], $0x80, v5, vm0, $0xb8;
	[tilespmem:$0x19600] =	vst v63  }
0x396: {  	s8 =	simm.s32 $0xF600  }
0x397: {  	[tilespmem:s8], [sflag:$0x1] =	stream.indirect_vreg.gather [hbm4b:s2+s3], $0x80, v4, vm0, $0xb8;
	[tilespmem:$0x19600] =	vst v63  }
0x398: {  	s8 =	simm.s32 $0xFE00  }
0x399: {  	[tilespmem:s8], [sflag:$0x1] =	stream.indirect_vreg.gather [hbm4b:s6+s3], $0x80, v4, vm0, $0xb8;
	[tilespmem:$0x19600] =	vst v63  }
0x39a: {  	s8 =	simm.s32 $0x10600  }
0x39b: {  	[tilespmem:s8], [sflag:$0x1] =	stream.indirect_vreg.gather [hbm4b:s7+s3], $0x80, v4, vm0, $0xb8;
	[tilespmem:$0x19600] =	vst v63  }
0x39c: {  	s8 =	simm.s32 $0x10E00  }
0x39d: {  	[tilespmem:s8], [sflag:$0x1] =	stream.indirect_vreg.gather [hbm4b:s9+s3], $0x80, v4, vm0, $0xb8;
	[tilespmem:$0x19600] =	vst v63  }
0x39e: {  	_ =	swait.ge [sflag:s22], $0x8000  }
0x39f: {  	[sflag:s22] =	ssyncset.done $0x0  }
0x3a0: {  	s0 =	simm.s32 $0x11600;
	s8 =	rddreg [dreg:$0x10];
	[sflag:s22] =	ssyncadd.s32 $0xFFFF8000  }
0x3a1: {  	[hbm4b:s8+s3] =	stream.linear.scatter [tilespmem:s0], [sflag:$0x2], $0x8000, $0x38;
	[tilespmem:$0x19600] =	vst v63  }
0x3a2: {  	_ =	swait.ge [sflag:s23], $0x8000  }
0x3a3: {  	[sflag:s23] =	ssyncset.done $0x0  }
0x3a4: {  	[sflag:s23] =	ssyncadd.s32 $0xFFFF8000  }
0x3a5: {  	v4 =	vld [tilespmem:$0x11C0];
	_ =	sdelay $0x4  }
0x3a6: {  	v5 =	vshll.u32 v4, $0x3  }
0x3a7: {  	v4 =	vand.u32 $0x7, v4;
	v5 =	vand.u32 $0xFFFFFFC0, v5  }
0x3a8: {  	v4 =	vor.u32 v4, v5  }
0x3a9: {  	v5 =	vperm.xlane v4, v1;
	_ =	sdelay $0x1  }
0x3aa: {  	v5 =	vadd.s32 v2, v5;
	_ =	sdelay $0x4  }
0x3ab: {  	[tilespmem:s0], [sflag:$0x1] =	stream.indirect_vreg.gather [hbm4b:s2+s3], $0x80, v5, vm0, $0xb8;
	[tilespmem:$0x19600] =	vst v63  }
0x3ac: {  	s8 =	simm.s32 $0x11E00;
	v4 =	vperm.xlane v4, v3  }
0x3ad: {  	[tilespmem:s8], [sflag:$0x1] =	stream.indirect_vreg.gather [hbm4b:s6+s3], $0x80, v5, vm0, $0xb8;
	[tilespmem:$0x19600] =	vst v63  }
0x3ae: {  	s17 =	simm.s32 $0x12600;
	v4 =	vadd.s32 v2, v4  }
0x3af: {  	[tilespmem:s17], [sflag:$0x1] =	stream.indirect_vreg.gather [hbm4b:s7+s3], $0x80, v5, vm0, $0xb8;
	[tilespmem:$0x19600] =	vst v63  }
0x3b0: {  	s18 =	simm.s32 $0x12E00  }
0x3b1: {  	[tilespmem:s18], [sflag:$0x1] =	stream.indirect_vreg.gather [hbm4b:s9+s3], $0x80, v5, vm0, $0xb8;
	[tilespmem:$0x19600] =	vst v63  }
0x3b2: {  	s19 =	simm.s32 $0x13600  }
0x3b3: {  	[tilespmem:s19], [sflag:$0x1] =	stream.indirect_vreg.gather [hbm4b:s2+s3], $0x80, v4, vm0, $0xb8;
	[tilespmem:$0x19600] =	vst v63  }
0x3b4: {  	s20 =	simm.s32 $0x13E00  }
0x3b5: {  	[tilespmem:s20], [sflag:$0x1] =	stream.indirect_vreg.gather [hbm4b:s6+s3], $0x80, v4, vm0, $0xb8;
	[tilespmem:$0x19600] =	vst v63  }
0x3b6: {  	s21 =	simm.s32 $0x14600  }
0x3b7: {  	[tilespmem:s21], [sflag:$0x1] =	stream.indirect_vreg.gather [hbm4b:s7+s3], $0x80, v4, vm0, $0xb8;
	[tilespmem:$0x19600] =	vst v63  }
0x3b8: {  	s19 =	simm.s32 $0x14E00  }
0x3b9: {  	[tilespmem:s19], [sflag:$0x1] =	stream.indirect_vreg.gather [hbm4b:s9+s3], $0x80, v4, vm0, $0xb8;
	[tilespmem:$0x19600] =	vst v63  }
0x3ba: {  	v4 =	vld [tilespmem:$0x11D0];
	_ =	sdelay $0x4  }
0x3bb: {  	v5 =	vshll.u32 v4, $0x3  }
0x3bc: {  	v4 =	vand.u32 $0x7, v4;
	v5 =	vand.u32 $0xFFFFFFC0, v5  }
0x3bd: {  	v4 =	vor.u32 v4, v5  }
0x3be: {  	v5 =	vperm.xlane v4, v1;
	_ =	sdelay $0x1  }
0x3bf: {  	v5 =	vadd.s32 v2, v5;
	_ =	sdelay $0x3  }
0x3c0: {  	s20 =	simm.s32 $0x15600  }
0x3c1: {  	[tilespmem:s20], [sflag:$0x1] =	stream.indirect_vreg.gather [hbm4b:s2+s3], $0x80, v5, vm0, $0xb8;
	[tilespmem:$0x19600] =	vst v63  }
0x3c2: {  	s21 =	simm.s32 $0x15E00;
	v4 =	vperm.xlane v4, v3  }
0x3c3: {  	[tilespmem:s21], [sflag:$0x1] =	stream.indirect_vreg.gather [hbm4b:s6+s3], $0x80, v5, vm0, $0xb8;
	[tilespmem:$0x19600] =	vst v63  }
0x3c4: {  	s24 =	simm.s32 $0x16600;
	v4 =	vadd.s32 v2, v4  }
0x3c5: {  	[tilespmem:s24], [sflag:$0x1] =	stream.indirect_vreg.gather [hbm4b:s7+s3], $0x80, v5, vm0, $0xb8;
	[tilespmem:$0x19600] =	vst v63  }
0x3c6: {  	s25 =	simm.s32 $0x16E00  }
0x3c7: {  	[tilespmem:s25], [sflag:$0x1] =	stream.indirect_vreg.gather [hbm4b:s9+s3], $0x80, v5, vm0, $0xb8;
	[tilespmem:$0x19600] =	vst v63  }
0x3c8: {  	s26 =	simm.s32 $0x17600  }
0x3c9: {  	[tilespmem:s26], [sflag:$0x1] =	stream.indirect_vreg.gather [hbm4b:s2+s3], $0x80, v4, vm0, $0xb8;
	[tilespmem:$0x19600] =	vst v63  }
0x3ca: {  	s28 =	simm.s32 $0x17E00  }
0x3cb: {  	[tilespmem:s28], [sflag:$0x1] =	stream.indirect_vreg.gather [hbm4b:s6+s3], $0x80, v4, vm0, $0xb8;
	[tilespmem:$0x19600] =	vst v63  }
0x3cc: {  	s29 =	simm.s32 $0x18600  }
0x3cd: {  	[tilespmem:s29], [sflag:$0x1] =	stream.indirect_vreg.gather [hbm4b:s7+s3], $0x80, v4, vm0, $0xb8;
	[tilespmem:$0x19600] =	vst v63  }
0x3ce: {  	s26 =	simm.s32 $0x18E00  }
0x3cf: {  	[tilespmem:s26], [sflag:$0x1] =	stream.indirect_vreg.gather [hbm4b:s9+s3], $0x80, v4, vm0, $0xb8;
	[tilespmem:$0x19600] =	vst v63  }
0x3d0: {  	_ =	swait.ge [sflag:s22], $0x8000  }
0x3d1: {  	[sflag:s22] =	ssyncset.done $0x0  }
0x3d2: {  	s29 =	simm.s32 $0x1600;
	s28 =	rddreg [dreg:$0x11];
	[sflag:s22] =	ssyncadd.s32 $0xFFFF8000  }
0x3d3: {  	[hbm4b:s28+s3] =	stream.linear.scatter [tilespmem:s29], [sflag:$0x2], $0x8000, $0x38;
	[tilespmem:$0x19600] =	vst v63  }
0x3d4: {  	_ =	swait.ge [sflag:s23], $0x8000  }
0x3d5: {  	[sflag:s23] =	ssyncset.done $0x0  }
0x3d6: {  	[sflag:s23] =	ssyncadd.s32 $0xFFFF8000  }
0x3d7: {  	v4 =	vld [tilespmem:$0x11E0];
	_ =	sdelay $0x4  }
0x3d8: {  	v5 =	vshll.u32 v4, $0x3  }
0x3d9: {  	v4 =	vand.u32 $0x7, v4;
	v5 =	vand.u32 $0xFFFFFFC0, v5  }
0x3da: {  	v4 =	vor.u32 v4, v5  }
0x3db: {  	v5 =	vperm.xlane v4, v1;
	_ =	sdelay $0x1  }
0x3dc: {  	v5 =	vadd.s32 v2, v5;
	_ =	sdelay $0x4  }
0x3dd: {  	[tilespmem:s29], [sflag:$0x1] =	stream.indirect_vreg.gather [hbm4b:s2+s3], $0x80, v5, vm0, $0xb8;
	[tilespmem:$0x19600] =	vst v63  }
0x3de: {  	s30 =	simm.s32 $0x1E00;
	v4 =	vperm.xlane v4, v3  }
0x3df: {  	[tilespmem:s30], [sflag:$0x1] =	stream.indirect_vreg.gather [hbm4b:s6+s3], $0x80, v5, vm0, $0xb8;
	[tilespmem:$0x19600] =	vst v63  }
0x3e0: {  	s19 =	simm.s32 $0x2600;
	v4 =	vadd.s32 v2, v4  }
0x3e1: {  	[tilespmem:s19], [sflag:$0x1] =	stream.indirect_vreg.gather [hbm4b:s7+s3], $0x80, v5, vm0, $0xb8;
	[tilespmem:$0x19600] =	vst v63  }
0x3e2: {  	s15 =	simm.s32 $0x2E00  }
0x3e3: {  	[tilespmem:s15], [sflag:$0x1] =	stream.indirect_vreg.gather [hbm4b:s9+s3], $0x80, v5, vm0, $0xb8;
	[tilespmem:$0x19600] =	vst v63  }
0x3e4: {  	s14 =	simm.s32 $0x3600  }
0x3e5: {  	[tilespmem:s14], [sflag:$0x1] =	stream.indirect_vreg.gather [hbm4b:s2+s3], $0x80, v4, vm0, $0xb8;
	[tilespmem:$0x19600] =	vst v63  }
0x3e6: {  	s20 =	simm.s32 $0x3E00  }
0x3e7: {  	[tilespmem:s20], [sflag:$0x1] =	stream.indirect_vreg.gather [hbm4b:s6+s3], $0x80, v4, vm0, $0xb8;
	[tilespmem:$0x19600] =	vst v63  }
0x3e8: {  	s21 =	simm.s32 $0x4600  }
0x3e9: {  	[tilespmem:s21], [sflag:$0x1] =	stream.indirect_vreg.gather [hbm4b:s7+s3], $0x80, v4, vm0, $0xb8;
	[tilespmem:$0x19600] =	vst v63  }
0x3ea: {  	_ = 	snop  }
0x3eb: {  	[tilespmem:s1], [sflag:$0x1] =	stream.indirect_vreg.gather [hbm4b:s9+s3], $0x80, v4, vm0, $0xb8;
	[tilespmem:$0x19600] =	vst v63  }
0x3ec: {  	v4 =	vld [tilespmem:$0x11F0];
	_ =	sdelay $0x4  }
0x3ed: {  	v5 =	vshll.u32 v4, $0x3  }
0x3ee: {  	v4 =	vand.u32 $0x7, v4;
	v5 =	vand.u32 $0xFFFFFFC0, v5  }
0x3ef: {  	v4 =	vor.u32 v4, v5  }
0x3f0: {  	v5 =	vperm.xlane v4, v1;
	_ =	sdelay $0x1  }
0x3f1: {  	v5 =	vadd.s32 v2, v5;
	_ =	sdelay $0x3  }
0x3f2: {  	s24 =	simm.s32 $0x5600  }
0x3f3: {  	[tilespmem:s24], [sflag:$0x1] =	stream.indirect_vreg.gather [hbm4b:s2+s3], $0x80, v5, vm0, $0xb8;
	[tilespmem:$0x19600] =	vst v63  }
0x3f4: {  	s31 =	simm.s32 $0x5E00;
	v4 =	vperm.xlane v4, v3  }
0x3f5: {  	[tilespmem:s31], [sflag:$0x1] =	stream.indirect_vreg.gather [hbm4b:s6+s3], $0x80, v5, vm0, $0xb8;
	[tilespmem:$0x19600] =	vst v63  }
0x3f6: {  	s10 =	simm.s32 $0x6600;
	v4 =	vadd.s32 v2, v4  }
0x3f7: {  	[tilespmem:s10], [sflag:$0x1] =	stream.indirect_vreg.gather [hbm4b:s7+s3], $0x80, v5, vm0, $0xb8;
	[tilespmem:$0x19600] =	vst v63  }
0x3f8: {  	s11 =	simm.s32 $0x6E00  }
0x3f9: {  	[tilespmem:s11], [sflag:$0x1] =	stream.indirect_vreg.gather [hbm4b:s9+s3], $0x80, v5, vm0, $0xb8;
	[tilespmem:$0x19600] =	vst v63  }
0x3fa: {  	s12 =	simm.s32 $0x7600  }
0x3fb: {  	[tilespmem:s12], [sflag:$0x1] =	stream.indirect_vreg.gather [hbm4b:s2+s3], $0x80, v4, vm0, $0xb8;
	[tilespmem:$0x19600] =	vst v63  }
0x3fc: {  	s13 =	simm.s32 $0x7E00  }
0x3fd: {  	[tilespmem:s13], [sflag:$0x1] =	stream.indirect_vreg.gather [hbm4b:s6+s3], $0x80, v4, vm0, $0xb8;
	[tilespmem:$0x19600] =	vst v63  }
0x3fe: {  	s16 =	simm.s32 $0x8600  }
0x3ff: {  	[tilespmem:s16], [sflag:$0x1] =	stream.indirect_vreg.gather [hbm4b:s7+s3], $0x80, v4, vm0, $0xb8;
	[tilespmem:$0x19600] =	vst v63  }
0x400: {  	s25 =	simm.s32 $0x8E00  }
0x401: {  	[tilespmem:s25], [sflag:$0x1] =	stream.indirect_vreg.gather [hbm4b:s9+s3], $0x80, v4, vm0, $0xb8;
	[tilespmem:$0x19600] =	vst v63  }
0x402: {  	_ =	swait.ge [sflag:s22], $0x8000  }
0x403: {  	[sflag:s22] =	ssyncset.done $0x0  }
0x404: {  	s5 =	simm.s32 $0x9600;
	s26 =	rddreg [dreg:$0x12];
	[sflag:s22] =	ssyncadd.s32 $0xFFFF8000  }
0x405: {  	[hbm4b:s26+s3] =	stream.linear.scatter [tilespmem:s5], [sflag:$0x2], $0x8000, $0x38;
	[tilespmem:$0x19600] =	vst v63  }
0x406: {  	_ =	swait.ge [sflag:s22], $0x8000  }
0x407: {  	[sflag:s22] =	ssyncset.done $0x0  }
0x408: {  	s0 =	simm.s32 $0x11600;
	s28 =	rddreg [dreg:$0x13];
	[sflag:s22] =	ssyncadd.s32 $0xFFFF8000  }
0x409: {  	[hbm4b:s28+s3] =	stream.linear.scatter [tilespmem:s0], [sflag:$0x2], $0x8000, $0x38;
	[tilespmem:$0x19600] =	vst v63  }
0x40a: {  	_ =	swait.ge [sflag:s22], $0x8000  }
0x40b: {  	[sflag:s22] =	ssyncset.done $0x0  }
0x40c: {  	s18 =	simm.s32 $0x1600;
	s29 =	rddreg [dreg:$0x16];
	[sflag:s22] =	ssyncadd.s32 $0xFFFF8000  }
0x40d: {  	[hbm4b:s29+s3] =	stream.linear.scatter [tilespmem:s18], [sflag:$0x2], $0x8000, $0x38;
	[tilespmem:$0x19600] =	vst v63  }
0x40e: {  	_ =	swait.ge [sflag:s23], $0x8000  }
0x40f: {  	[sflag:s23] =	ssyncset.done $0x0  }
0x410: {  	[sflag:s23] =	ssyncadd.s32 $0xFFFF8000  }
0x411: {  	_ =	swait.ge [sflag:s23], $0x8000  }
0x412: {  	[sflag:s23] =	ssyncset.done $0x0  }
0x413: {  	[sflag:s23] =	ssyncadd.s32 $0xFFFF8000  }
0x414: {  	_ =	swait.ge [sflag:s23], $0x8000  }
0x415: {  	s30 =	rddreg [dreg:$0x17]  }
0x416: {  	s31 =	rddreg [dreg:$0x14];
	s0 =	sadd.s32 $0x1, s30  }
0x417: {  	p1 =	sne.s32 s0, s31  }
.Ltmp14:
0x418: {  	_ = 	snop;
	(pc) =	sbr.rel @p1 .LBB2_1-.Ltmp14, $3  }
0x419: {  	_ =	sdelay $0x1  }
0x41a: {  	[sflag:s23] =	ssyncset.done $0x0  }
0x41b: {  	[sflag:s23] =	ssyncadd.s32 $0xFFFF8000  }
0x41c: {  	_ =	sfence.sel $0x180000  }
0x41d: {  	[bflag:$0x0] =	sbarrier.arrive $0xFFFF  }
0x41e: {  	_ =	strace $0x90000047  }
0x41f: {  	s0 =	stileid.u32;
	[bflag:$0x2] =	sbarrier.arrive $0xFFFF  }
0x420: {  	p0 =	sne.s32 s0, $0x0;
	s0 =	rddreg [dreg:$0x3]  }
0x421: {  	s0 =	sadd.s32 @!p0 $0x100000, s0  }
0x422: {  	[sflag:s0] =	ssyncadd.tile.s32 @!p0 $0x1;
	_ =	shalt  }
.Lfunc_end2:
_tile_overlayer_lowered:
.L_overlay_start_2:
0x423: {  	(tag) =	ssettag $0x2  }
0x424: {  	s0 =	rddreg [dreg:$0x0];
	s2 =	stileid.u32  }
0x425: {  	s1 =	rddreg [dreg:$0x1];
	p0 =	sne.s32 s2, $0x0  }
0x426: {  	s3 =	rddreg [dreg:$0x2];
	[bflag:$0x3] =	sbarrier.arrive $0xFFFF;
	s2 =	simm.s32 @!p0 $0x1C03  }
0x427: {  	[timem:s3], [sflag:s2] =	dma.local @!p0 [hbm:s0], s1  }
0x428: {  	s0 =	simm.s32 @!p0 $0x3  }
0x429: {  	_ =	swait.ge @!p0 [sflag:s0], s1  }
0x42a: {  	s1 =	ssub.s32 @!p0 $0x0, s1;
	[sflag:s0] =	ssyncset.done @!p0 $0x0  }
0x42b: {  	[sflag:s0] =	ssyncadd.s32 @!p0 s1  }
0x42c: {  	[bflag:$0x3] =	sbarrier.arrive $0xFFFF  }
0x42d: {  	_ =	shalt  }

</sc_bundles>
